<compile_context>
chip_gen: v7x
topology: tpu7x:2x2x1
jax: 0.10.2.dev20260603
libtpu: 0.0.44.dev20260713+nightly
codegen_flags: <defaults>
</compile_context>

<pallas_src>
import functools

import jax
import jax.numpy as jnp
from jax import lax
from jax.experimental import pallas as pl
from jax.experimental.pallas import tpu as pltpu
from jax.experimental.pallas import tpu_sc as plsc

DIM = 32
PW = 128
CHUNK = 128
BLKC = 8192
HALF = BLKC // 2
_DN0 = (((0,), (0,)), ((), ()))


def _proj_body(x_ref, w_ref, o_ref):
    x = x_ref[...].astype(jnp.bfloat16)
    w = w_ref[...].astype(jnp.bfloat16)
    y = lax.dot_general(x, w, _DN0, preferred_element_type=jnp.float32)
    b = lax.bitcast_convert_type(y, jnp.uint32)
    o_ref[...] = lax.bitcast_convert_type(
        (b[:HALF] >> 16) | (b[HALF:] & jnp.uint32(0xFFFF0000)), jnp.int32)


def _make_sc_gather(batch: int):
    info = plsc.get_sparse_core_info()
    nc, ns = info.num_cores, info.num_subcores
    nw = nc * ns
    n_chunks = 2 * batch // CHUNK
    chunks_per_w = n_chunks // nw
    half_w = nw // 2
    assert chunks_per_w * nw == n_chunks

    mesh = plsc.VectorSubcoreMesh(core_axis_name="c", subcore_axis_name="s")

    @functools.partial(
        pl.kernel,
        mesh=mesh,
        out_type=jax.ShapeDtypeStruct((n_chunks, CHUNK, PW), jnp.int32),
        scratch_types=[
            pltpu.VMEM((chunks_per_w, CHUNK), jnp.int32),
            pltpu.VMEM((CHUNK, PW), jnp.int32),
            pltpu.VMEM((CHUNK, PW), jnp.int32),
            pltpu.SemaphoreType.DMA,
            pltpu.SemaphoreType.DMA,
        ],
    )
    def gather_kernel(table_hbm, uid_hbm, iid_hbm, out_hbm, idx_v, buf0,
                      buf1, sem0, sem1):
        wid = lax.axis_index("s") * nc + lax.axis_index("c")
        base = wid * chunks_per_w
        rows_per_w = chunks_per_w * CHUNK
        ubase = wid * rows_per_w
        ibase = (wid - half_w) * rows_per_w

        @pl.when(wid < half_w)
        def _():
            idx_copies = [
                pltpu.async_copy(
                    uid_hbm.at[pl.ds(ubase + r * CHUNK, CHUNK)],
                    idx_v.at[r], sem0)
                for r in range(chunks_per_w)
            ]
            for c in idx_copies:
                c.wait()

        @pl.when(wid >= half_w)
        def _():
            idx_copies = [
                pltpu.async_copy(
                    iid_hbm.at[pl.ds(ibase + r * CHUNK, CHUNK)],
                    idx_v.at[r], sem0)
                for r in range(chunks_per_w)
            ]
            for c in idx_copies:
                c.wait()

        for r in range(chunks_per_w):
            for c in range(0, CHUNK, 16):
                v = idx_v[r, pl.ds(c, 16)]
                idx_v[r, pl.ds(c, 16)] = (
                    ((v >> 13) << 12) | (v & jnp.int32(HALF - 1)))

        bufs = (buf0, buf1)
        sems = (sem0, sem1)
        copies = [None, None]
        copies[0] = pltpu.async_copy(table_hbm.at[idx_v.at[0]], buf0, sem0)
        for j in range(chunks_per_w):
            nj = j + 1
            if nj < chunks_per_w:
                copies[nj % 2] = pltpu.async_copy(
                    table_hbm.at[idx_v.at[nj]], bufs[nj % 2], sems[nj % 2]
                )
            copies[j % 2].wait()
            pltpu.sync_copy(bufs[j % 2], out_hbm.at[base + j])

    return gather_kernel


def _unpack_halves(g):
    lo = lax.bitcast_convert_type(g << 16, jnp.float32)
    hi = lax.bitcast_convert_type(
        g & jnp.int32(-65536), jnp.float32)
    return lo, hi


def _mlp_body(gu_ref, gi_ref, uid_ref, iid_ref, ft_ref, w1f_ref, b1_ref,
              w2_ref, b2_ref, o_ref):
    hf = lax.dot_general(ft_ref[...], w1f_ref[...], _DN0,
                         preferred_element_type=jnp.float32)
    blk, hid = hf.shape
    ulo, uhi = _unpack_halves(gu_ref[...])
    ilo, ihi = _unpack_halves(gi_ref[...])
    pu = ((uid_ref[...] >> 12) & 1).reshape(blk, 1)
    pi = ((iid_ref[...] >> 12) & 1).reshape(blk, 1)
    u = jnp.where(pu == 0, ulo, uhi)[:, :hid]
    i = jnp.where(pi == 0, ilo, ihi)[:, hid:2 * hid]
    h = jnp.maximum(u + i + hf + b1_ref[...], 0.0)
    o_ref[...] = (
        jnp.dot(h, w2_ref[...], preferred_element_type=jnp.float32)
        + b2_ref[...]
    )


def kernel(userID, itemID, features, user_emb, item_emb, W1, b1, W2, b2):
    del item_emb
    batch = userID.shape[0]
    n_rows = 2 * batch
    num_users = user_emb.shape[0]
    hid = W1.shape[1]

    tabT = user_emb.T
    w_ui = jnp.concatenate([W1[:DIM], W1[DIM:2 * DIM]], axis=1)

    gridp = pl.cdiv(num_users, BLKC)
    n_slab = gridp * HALF
    P = pl.pallas_call(
        _proj_body,
        grid=(gridp,),
        in_specs=[
            pl.BlockSpec((DIM, BLKC), lambda i: (0, i)),
            pl.BlockSpec((DIM, PW), lambda i: (0, 0)),
        ],
        out_specs=pl.BlockSpec((HALF, PW), lambda i: (i, 0)),
        out_shape=jax.ShapeDtypeStruct((n_slab, PW), jnp.int32),
    )(tabT, w_ui)

    gathered = _make_sc_gather(batch)(P, userID, itemID)
    g = gathered.reshape(n_rows, PW)

    fT = features.T
    feat_dim = fT.shape[0]
    w1f = W1[2 * DIM:]
    b1r = b1.reshape(1, hid)
    b2r = b2.reshape(1, 1)

    blk = 2048
    nblk = batch // blk

    out = pl.pallas_call(
        _mlp_body,
        grid=(nblk,),
        in_specs=[
            pl.BlockSpec((blk, PW), lambda i: (i, 0)),
            pl.BlockSpec((blk, PW), lambda i: (i + nblk, 0)),
            pl.BlockSpec((blk,), lambda i: (i,)),
            pl.BlockSpec((blk,), lambda i: (i,)),
            pl.BlockSpec((feat_dim, blk), lambda i: (0, i)),
            pl.BlockSpec((feat_dim, hid), lambda i: (0, 0)),
            pl.BlockSpec((1, hid), lambda i: (0, 0)),
            pl.BlockSpec((hid, 1), lambda i: (0, 0)),
            pl.BlockSpec((1, 1), lambda i: (0, 0)),
        ],
        out_specs=pl.BlockSpec((blk, 1), lambda i: (i, 0)),
        out_shape=jax.ShapeDtypeStruct((batch, 1), jnp.float32),
    )(g, g, userID, itemID, fT, w1f, b1r, W2, b2r)

    return out

# --- scband reference (transcript-rebuilt; emitter-appended) ---
"""Pipeline reference for scband-ncfmodel-83184926589240 (READ-ONLY COPY).

The authoritative reference and input builder live on the scoring server;
editing this copy changes nothing except your own understanding.
"""

import jax, jax.numpy as jnp
import numpy as np

NUM_USERS = 1000000
NUM_ITEMS = 1000000
DIM = 32
FEAT_DIM = 50
BATCH = 16384


def setup_inputs(seed: int = 0) -> dict:
    key = jax.random.key(seed)
    k1, k2, k3, k4, k5, k6, k7, k8, k9 = jax.random.split(key, 9)
    userID = jax.random.randint(k1, (BATCH,), 0, NUM_USERS, dtype=jnp.int64 if jax.config.jax_enable_x64 else jnp.int32)
    itemID = jax.random.randint(k2, (BATCH,), 0, NUM_ITEMS, dtype=jnp.int64 if jax.config.jax_enable_x64 else jnp.int32)
    features = jax.random.normal(k3, (BATCH, FEAT_DIM), dtype=jnp.float32)
    user_emb = jax.random.normal(k4, (NUM_USERS, DIM), dtype=jnp.float32) * 0.02
    item_emb = jax.random.normal(k5, (NUM_ITEMS, DIM), dtype=jnp.float32) * 0.02
    fan_in1 = DIM * 2 + FEAT_DIM
    W1 = jax.random.uniform(k6, (fan_in1, 64), dtype=jnp.float32, minval=-1.0, maxval=1.0) / np.sqrt(fan_in1)
    b1 = jax.random.uniform(k7, (64,), dtype=jnp.float32, minval=-1.0, maxval=1.0) / np.sqrt(fan_in1)
    W2 = jax.random.uniform(k8, (64, 1), dtype=jnp.float32, minval=-1.0, maxval=1.0) / np.sqrt(64)
    b2 = jax.random.uniform(k9, (1,), dtype=jnp.float32, minval=-1.0, maxval=1.0) / np.sqrt(64)
    return {"userID": userID, "itemID": itemID, "features": features,
            "user_emb": user_emb, "item_emb": item_emb,
            "W1": W1, "b1": b1, "W2": W2, "b2": b2}


def reference(userID, itemID, features, user_emb, item_emb, W1, b1, W2, b2):
    # Faithful to the torch module, including its bug: itemID is looked up in
    # the USER embedding table (self.user_embedding(itemID)); item_emb is an
    # unused parameter, exactly as in the original forward.
    userEmbedding = jnp.take(user_emb, userID, axis=0)
    itemEmbedding = jnp.take(user_emb, itemID, axis=0)
    x = jnp.concatenate([userEmbedding, itemEmbedding, features], axis=1)
    x = jax.nn.relu(x @ W1 + b1)
    x = x @ W2 + b2
    return x

if __name__ == "__main__":
    import jax
    _d = setup_inputs()
    print(jax.jit(kernel)(*tuple(_d.values())))

</pallas_src>

<mosaic_0001>
#map = affine_map<(d0, d1) -> (0, 0)>
#map1 = affine_map<(d0, d1) -> (0)>
#map2 = affine_map<(d0, d1) -> (0, 0, 0)>
module attributes {stable_mosaic.version = 14 : i64} {
  func.func @gather_kernel(%arg0: i32, %arg1: i32, %arg2: memref<503808x128xi32, #tpu.memory_space<hbm>>, %arg3: memref<16384xi32, #tpu.memory_space<hbm>>, %arg4: memref<16384xi32, #tpu.memory_space<hbm>>, %arg5: memref<256x128x128xi32, #tpu.memory_space<hbm>>, %arg6: memref<8x128xi32, #tpu.memory_space<vmem>>, %arg7: memref<128x128xi32, #tpu.memory_space<vmem>>, %arg8: memref<128x128xi32, #tpu.memory_space<vmem>>, %arg9: memref<!tpu.dma_semaphore, #tpu.memory_space<semaphore_mem>>, %arg10: memref<!tpu.dma_semaphore, #tpu.memory_space<semaphore_mem>>) attributes {dimension_semantics = [#tpu.dimension_semantics<core_parallel>, #tpu.dimension_semantics<subcore_parallel>], iteration_bounds = array<i64: 2, 16>, scalar_prefetch = 0 : i64, scratch_operands = 5 : i64, tpu.core_type = #tpu.core_type<sc_vector_subcore>, window_params = [{transform_indices = #map}, {transform_indices = #map1}, {transform_indices = #map1}, {transform_indices = #map2}]} {
    %mul3A = arith.constant 2 : i32
    %mul3A_0 = arith.muli %arg1, %mul3A : i32
    %add3A = arith.addi %mul3A_0, %arg0 : i32
    %mul3A_1 = arith.constant 8 : i32
    %mul3A_2 = arith.muli %add3A, %mul3A_1 : i32
    %mul3A_3 = arith.constant 1024 : i32
    %mul3A_4 = arith.muli %add3A, %mul3A_3 : i32
    %sub3A = arith.constant 16 : i32
    %sub3A_5 = arith.subi %add3A, %sub3A : i32
    %mul3A_6 = arith.constant 1024 : i32
    %mul3A_7 = arith.muli %sub3A_5, %mul3A_6 : i32
    %lt3A = arith.constant 16 : i32
    %lt3A_8 = arith.cmpi slt, %add3A, %lt3A : i32
    %convert_element_type3A = arith.extui %lt3A_8 : i1 to i32
    %cond3A = arith.constant 0 : i32
    %cond3A_9 = arith.cmpi ne, %convert_element_type3A, %cond3A : i32
    scf.if %cond3A_9 {
      %add3A_1478 = arith.constant 0 : i32
      %add3A_1479 = arith.addi %mul3A_4, %add3A_1478 : i32
      %dma_start3A_1480 = arith.constant 0 : i32
      %dma_start3A_1481 = arith.constant 0 : i32
      %dma_start3A_1482 = tpu.memref_slice %arg6[%dma_start3A_1480, %dma_start3A_1481] : memref<8x128xi32, #tpu.memory_space<vmem>> -> memref<1x128xi32, #tpu.memory_space<vmem>>
      %dma_start3A_1483 = tpu.memref_squeeze %dma_start3A_1482 : memref<1x128xi32, #tpu.memory_space<vmem>> -> memref<128xi32, #tpu.memory_space<vmem>>
      %dma_start3A_1484 = tpu.memref_slice %arg3[%add3A_1479] : memref<16384xi32, #tpu.memory_space<hbm>> -> memref<128xi32, #tpu.memory_space<hbm>>
      %dma_start3A_1485 = arith.constant 0 : i32
      %dma_start3A_1486 = tpu.memref_slice %arg6[%dma_start3A_1480, %dma_start3A_1485] : memref<8x128xi32, #tpu.memory_space<vmem>> -> memref<1x128xi32, #tpu.memory_space<vmem>>
      %dma_start3A_1487 = tpu.memref_squeeze %dma_start3A_1486 : memref<1x128xi32, #tpu.memory_space<vmem>> -> memref<128xi32, #tpu.memory_space<vmem>>
      %dma_start3A_1488 = tpu.memref_slice %arg3[%add3A_1479] : memref<16384xi32, #tpu.memory_space<hbm>> -> memref<128xi32, #tpu.memory_space<hbm>>
      tpu.enqueue_dma source(%dma_start3A_1488 : memref<128xi32, #tpu.memory_space<hbm>>) target(%dma_start3A_1487 : memref<128xi32, #tpu.memory_space<vmem>>) target_semaphore(%arg9 : memref<!tpu.dma_semaphore, #tpu.memory_space<semaphore_mem>>)
      %add3A_1489 = arith.constant 128 : i32
      %add3A_1490 = arith.addi %mul3A_4, %add3A_1489 : i32
      %dma_start3A_1491 = arith.constant 1 : i32
      %dma_start3A_1492 = arith.constant 0 : i32
      %dma_start3A_1493 = tpu.memref_slice %arg6[%dma_start3A_1491, %dma_start3A_1492] : memref<8x128xi32, #tpu.memory_space<vmem>> -> memref<1x128xi32, #tpu.memory_space<vmem>>
      %dma_start3A_1494 = tpu.memref_squeeze %dma_start3A_1493 : memref<1x128xi32, #tpu.memory_space<vmem>> -> memref<128xi32, #tpu.memory_space<vmem>>
      %dma_start3A_1495 = tpu.memref_slice %arg3[%add3A_1490] : memref<16384xi32, #tpu.memory_space<hbm>> -> memref<128xi32, #tpu.memory_space<hbm>>
      %dma_start3A_1496 = arith.constant 0 : i32
      %dma_start3A_1497 = tpu.memref_slice %arg6[%dma_start3A_1491, %dma_start3A_1496] : memref<8x128xi32, #tpu.memory_space<vmem>> -> memref<1x128xi32, #tpu.memory_space<vmem>>
      %dma_start3A_1498 = tpu.memref_squeeze %dma_start3A_1497 : memref<1x128xi32, #tpu.memory_space<vmem>> -> memref<128xi32, #tpu.memory_space<vmem>>
      %dma_start3A_1499 = tpu.memref_slice %arg3[%add3A_1490] : memref<16384xi32, #tpu.memory_space<hbm>> -> memref<128xi32, #tpu.memory_space<hbm>>
      tpu.enqueue_dma source(%dma_start3A_1499 : memref<128xi32, #tpu.memory_space<hbm>>) target(%dma_start3A_1498 : memref<128xi32, #tpu.memory_space<vmem>>) target_semaphore(%arg9 : memref<!tpu.dma_semaphore, #tpu.memory_space<semaphore_mem>>)
      %add3A_1500 = arith.constant 256 : i32
      %add3A_1501 = arith.addi %mul3A_4, %add3A_1500 : i32
      %dma_start3A_1502 = arith.constant 2 : i32
      %dma_start3A_1503 = arith.constant 0 : i32
      %dma_start3A_1504 = tpu.memref_slice %arg6[%dma_start3A_1502, %dma_start3A_1503] : memref<8x128xi32, #tpu.memory_space<vmem>> -> memref<1x128xi32, #tpu.memory_space<vmem>>
      %dma_start3A_1505 = tpu.memref_squeeze %dma_start3A_1504 : memref<1x128xi32, #tpu.memory_space<vmem>> -> memref<128xi32, #tpu.memory_space<vmem>>
      %dma_start3A_1506 = tpu.memref_slice %arg3[%add3A_1501] : memref<16384xi32, #tpu.memory_space<hbm>> -> memref<128xi32, #tpu.memory_space<hbm>>
      %dma_start3A_1507 = arith.constant 0 : i32
      %dma_start3A_1508 = tpu.memref_slice %arg6[%dma_start3A_1502, %dma_start3A_1507] : memref<8x128xi32, #tpu.memory_space<vmem>> -> memref<1x128xi32, #tpu.memory_space<vmem>>
      %dma_start3A_1509 = tpu.memref_squeeze %dma_start3A_1508 : memref<1x128xi32, #tpu.memory_space<vmem>> -> memref<128xi32, #tpu.memory_space<vmem>>
      %dma_start3A_1510 = tpu.memref_slice %arg3[%add3A_1501] : memref<16384xi32, #tpu.memory_space<hbm>> -> memref<128xi32, #tpu.memory_space<hbm>>
      tpu.enqueue_dma source(%dma_start3A_1510 : memref<128xi32, #tpu.memory_space<hbm>>) target(%dma_start3A_1509 : memref<128xi32, #tpu.memory_space<vmem>>) target_semaphore(%arg9 : memref<!tpu.dma_semaphore, #tpu.memory_space<semaphore_mem>>)
      %add3A_1511 = arith.constant 384 : i32
      %add3A_1512 = arith.addi %mul3A_4, %add3A_1511 : i32
      %dma_start3A_1513 = arith.constant 3 : i32
      %dma_start3A_1514 = arith.constant 0 : i32
      %dma_start3A_1515 = tpu.memref_slice %arg6[%dma_start3A_1513, %dma_start3A_1514] : memref<8x128xi32, #tpu.memory_space<vmem>> -> memref<1x128xi32, #tpu.memory_space<vmem>>
      %dma_start3A_1516 = tpu.memref_squeeze %dma_start3A_1515 : memref<1x128xi32, #tpu.memory_space<vmem>> -> memref<128xi32, #tpu.memory_space<vmem>>
      %dma_start3A_1517 = tpu.memref_slice %arg3[%add3A_1512] : memref<16384xi32, #tpu.memory_space<hbm>> -> memref<128xi32, #tpu.memory_space<hbm>>
      %dma_start3A_1518 = arith.constant 0 : i32
      %dma_start3A_1519 = tpu.memref_slice %arg6[%dma_start3A_1513, %dma_start3A_1518] : memref<8x128xi32, #tpu.memory_space<vmem>> -> memref<1x128xi32, #tpu.memory_space<vmem>>
      %dma_start3A_1520 = tpu.memref_squeeze %dma_start3A_1519 : memref<1x128xi32, #tpu.memory_space<vmem>> -> memref<128xi32, #tpu.memory_space<vmem>>
      %dma_start3A_1521 = tpu.memref_slice %arg3[%add3A_1512] : memref<16384xi32, #tpu.memory_space<hbm>> -> memref<128xi32, #tpu.memory_space<hbm>>
      tpu.enqueue_dma source(%dma_start3A_1521 : memref<128xi32, #tpu.memory_space<hbm>>) target(%dma_start3A_1520 : memref<128xi32, #tpu.memory_space<vmem>>) target_semaphore(%arg9 : memref<!tpu.dma_semaphore, #tpu.memory_space<semaphore_mem>>)
      %add3A_1522 = arith.constant 512 : i32
      %add3A_1523 = arith.addi %mul3A_4, %add3A_1522 : i32
      %dma_start3A_1524 = arith.constant 4 : i32
      %dma_start3A_1525 = arith.constant 0 : i32
      %dma_start3A_1526 = tpu.memref_slice %arg6[%dma_start3A_1524, %dma_start3A_1525] : memref<8x128xi32, #tpu.memory_space<vmem>> -> memref<1x128xi32, #tpu.memory_space<vmem>>
      %dma_start3A_1527 = tpu.memref_squeeze %dma_start3A_1526 : memref<1x128xi32, #tpu.memory_space<vmem>> -> memref<128xi32, #tpu.memory_space<vmem>>
      %dma_start3A_1528 = tpu.memref_slice %arg3[%add3A_1523] : memref<16384xi32, #tpu.memory_space<hbm>> -> memref<128xi32, #tpu.memory_space<hbm>>
      %dma_start3A_1529 = arith.constant 0 : i32
      %dma_start3A_1530 = tpu.memref_slice %arg6[%dma_start3A_1524, %dma_start3A_1529] : memref<8x128xi32, #tpu.memory_space<vmem>> -> memref<1x128xi32, #tpu.memory_space<vmem>>
      %dma_start3A_1531 = tpu.memref_squeeze %dma_start3A_1530 : memref<1x128xi32, #tpu.memory_space<vmem>> -> memref<128xi32, #tpu.memory_space<vmem>>
      %dma_start3A_1532 = tpu.memref_slice %arg3[%add3A_1523] : memref<16384xi32, #tpu.memory_space<hbm>> -> memref<128xi32, #tpu.memory_space<hbm>>
      tpu.enqueue_dma source(%dma_start3A_1532 : memref<128xi32, #tpu.memory_space<hbm>>) target(%dma_start3A_1531 : memref<128xi32, #tpu.memory_space<vmem>>) target_semaphore(%arg9 : memref<!tpu.dma_semaphore, #tpu.memory_space<semaphore_mem>>)
      %add3A_1533 = arith.constant 640 : i32
      %add3A_1534 = arith.addi %mul3A_4, %add3A_1533 : i32
      %dma_start3A_1535 = arith.constant 5 : i32
      %dma_start3A_1536 = arith.constant 0 : i32
      %dma_start3A_1537 = tpu.memref_slice %arg6[%dma_start3A_1535, %dma_start3A_1536] : memref<8x128xi32, #tpu.memory_space<vmem>> -> memref<1x128xi32, #tpu.memory_space<vmem>>
      %dma_start3A_1538 = tpu.memref_squeeze %dma_start3A_1537 : memref<1x128xi32, #tpu.memory_space<vmem>> -> memref<128xi32, #tpu.memory_space<vmem>>
      %dma_start3A_1539 = tpu.memref_slice %arg3[%add3A_1534] : memref<16384xi32, #tpu.memory_space<hbm>> -> memref<128xi32, #tpu.memory_space<hbm>>
      %dma_start3A_1540 = arith.constant 0 : i32
      %dma_start3A_1541 = tpu.memref_slice %arg6[%dma_start3A_1535, %dma_start3A_1540] : memref<8x128xi32, #tpu.memory_space<vmem>> -> memref<1x128xi32, #tpu.memory_space<vmem>>
      %dma_start3A_1542 = tpu.memref_squeeze %dma_start3A_1541 : memref<1x128xi32, #tpu.memory_space<vmem>> -> memref<128xi32, #tpu.memory_space<vmem>>
      %dma_start3A_1543 = tpu.memref_slice %arg3[%add3A_1534] : memref<16384xi32, #tpu.memory_space<hbm>> -> memref<128xi32, #tpu.memory_space<hbm>>
      tpu.enqueue_dma source(%dma_start3A_1543 : memref<128xi32, #tpu.memory_space<hbm>>) target(%dma_start3A_1542 : memref<128xi32, #tpu.memory_space<vmem>>) target_semaphore(%arg9 : memref<!tpu.dma_semaphore, #tpu.memory_space<semaphore_mem>>)
      %add3A_1544 = arith.constant 768 : i32
      %add3A_1545 = arith.addi %mul3A_4, %add3A_1544 : i32
      %dma_start3A_1546 = arith.constant 6 : i32
      %dma_start3A_1547 = arith.constant 0 : i32
      %dma_start3A_1548 = tpu.memref_slice %arg6[%dma_start3A_1546, %dma_start3A_1547] : memref<8x128xi32, #tpu.memory_space<vmem>> -> memref<1x128xi32, #tpu.memory_space<vmem>>
      %dma_start3A_1549 = tpu.memref_squeeze %dma_start3A_1548 : memref<1x128xi32, #tpu.memory_space<vmem>> -> memref<128xi32, #tpu.memory_space<vmem>>
      %dma_start3A_1550 = tpu.memref_slice %arg3[%add3A_1545] : memref<16384xi32, #tpu.memory_space<hbm>> -> memref<128xi32, #tpu.memory_space<hbm>>
      %dma_start3A_1551 = arith.constant 0 : i32
      %dma_start3A_1552 = tpu.memref_slice %arg6[%dma_start3A_1546, %dma_start3A_1551] : memref<8x128xi32, #tpu.memory_space<vmem>> -> memref<1x128xi32, #tpu.memory_space<vmem>>
      %dma_start3A_1553 = tpu.memref_squeeze %dma_start3A_1552 : memref<1x128xi32, #tpu.memory_space<vmem>> -> memref<128xi32, #tpu.memory_space<vmem>>
      %dma_start3A_1554 = tpu.memref_slice %arg3[%add3A_1545] : memref<16384xi32, #tpu.memory_space<hbm>> -> memref<128xi32, #tpu.memory_space<hbm>>
      tpu.enqueue_dma source(%dma_start3A_1554 : memref<128xi32, #tpu.memory_space<hbm>>) target(%dma_start3A_1553 : memref<128xi32, #tpu.memory_space<vmem>>) target_semaphore(%arg9 : memref<!tpu.dma_semaphore, #tpu.memory_space<semaphore_mem>>)
      %add3A_1555 = arith.constant 896 : i32
      %add3A_1556 = arith.addi %mul3A_4, %add3A_1555 : i32
      %dma_start3A_1557 = arith.constant 7 : i32
      %dma_start3A_1558 = arith.constant 0 : i32
      %dma_start3A_1559 = tpu.memref_slice %arg6[%dma_start3A_1557, %dma_start3A_1558] : memref<8x128xi32, #tpu.memory_space<vmem>> -> memref<1x128xi32, #tpu.memory_space<vmem>>
      %dma_start3A_1560 = tpu.memref_squeeze %dma_start3A_1559 : memref<1x128xi32, #tpu.memory_space<vmem>> -> memref<128xi32, #tpu.memory_space<vmem>>
      %dma_start3A_1561 = tpu.memref_slice %arg3[%add3A_1556] : memref<16384xi32, #tpu.memory_space<hbm>> -> memref<128xi32, #tpu.memory_space<hbm>>
      %dma_start3A_1562 = arith.constant 0 : i32
      %dma_start3A_1563 = tpu.memref_slice %arg6[%dma_start3A_1557, %dma_start3A_1562] : memref<8x128xi32, #tpu.memory_space<vmem>> -> memref<1x128xi32, #tpu.memory_space<vmem>>
      %dma_start3A_1564 = tpu.memref_squeeze %dma_start3A_1563 : memref<1x128xi32, #tpu.memory_space<vmem>> -> memref<128xi32, #tpu.memory_space<vmem>>
      %dma_start3A_1565 = tpu.memref_slice %arg3[%add3A_1556] : memref<16384xi32, #tpu.memory_space<hbm>> -> memref<128xi32, #tpu.memory_space<hbm>>
      tpu.enqueue_dma source(%dma_start3A_1565 : memref<128xi32, #tpu.memory_space<hbm>>) target(%dma_start3A_1564 : memref<128xi32, #tpu.memory_space<vmem>>) target_semaphore(%arg9 : memref<!tpu.dma_semaphore, #tpu.memory_space<semaphore_mem>>)
      %dma_wait3A_1566 = arith.constant 0 : i32
      %dma_wait3A_1567 = arith.constant 0 : i32
      %dma_wait3A_1568 = tpu.memref_slice %arg6[%dma_wait3A_1566, %dma_wait3A_1567] : memref<8x128xi32, #tpu.memory_space<vmem>> -> memref<1x128xi32, #tpu.memory_space<vmem>>
      %dma_wait3A_1569 = tpu.memref_squeeze %dma_wait3A_1568 : memref<1x128xi32, #tpu.memory_space<vmem>> -> memref<128xi32, #tpu.memory_space<vmem>>
      %dma_wait3A_1570 = tpu.memref_slice %arg3[%add3A_1479] : memref<16384xi32, #tpu.memory_space<hbm>> -> memref<128xi32, #tpu.memory_space<hbm>>
      %dma_wait3A_1571 = arith.constant 0 : i32
      %dma_wait3A_1572 = tpu.memref_slice %arg6[%dma_wait3A_1566, %dma_wait3A_1571] : memref<8x128xi32, #tpu.memory_space<vmem>> -> memref<1x128xi32, #tpu.memory_space<vmem>>
      %dma_wait3A_1573 = tpu.memref_squeeze %dma_wait3A_1572 : memref<1x128xi32, #tpu.memory_space<vmem>> -> memref<128xi32, #tpu.memory_space<vmem>>
      %dma_wait3A_1574 = tpu.memref_slice %arg3[%add3A_1479] : memref<16384xi32, #tpu.memory_space<hbm>> -> memref<128xi32, #tpu.memory_space<hbm>>
      tpu.wait_dma2 semaphore(%arg9 : memref<!tpu.dma_semaphore, #tpu.memory_space<semaphore_mem>>) src(%dma_wait3A_1574 : memref<128xi32, #tpu.memory_space<hbm>>) dst(%dma_wait3A_1573 : memref<128xi32, #tpu.memory_space<vmem>>)
      %dma_wait3A_1575 = arith.constant 1 : i32
      %dma_wait3A_1576 = arith.constant 0 : i32
      %dma_wait3A_1577 = tpu.memref_slice %arg6[%dma_wait3A_1575, %dma_wait3A_1576] : memref<8x128xi32, #tpu.memory_space<vmem>> -> memref<1x128xi32, #tpu.memory_space<vmem>>
      %dma_wait3A_1578 = tpu.memref_squeeze %dma_wait3A_1577 : memref<1x128xi32, #tpu.memory_space<vmem>> -> memref<128xi32, #tpu.memory_space<vmem>>
      %dma_wait3A_1579 = tpu.memref_slice %arg3[%add3A_1490] : memref<16384xi32, #tpu.memory_space<hbm>> -> memref<128xi32, #tpu.memory_space<hbm>>
      %dma_wait3A_1580 = arith.constant 0 : i32
      %dma_wait3A_1581 = tpu.memref_slice %arg6[%dma_wait3A_1575, %dma_wait3A_1580] : memref<8x128xi32, #tpu.memory_space<vmem>> -> memref<1x128xi32, #tpu.memory_space<vmem>>
      %dma_wait3A_1582 = tpu.memref_squeeze %dma_wait3A_1581 : memref<1x128xi32, #tpu.memory_space<vmem>> -> memref<128xi32, #tpu.memory_space<vmem>>
      %dma_wait3A_1583 = tpu.memref_slice %arg3[%add3A_1490] : memref<16384xi32, #tpu.memory_space<hbm>> -> memref<128xi32, #tpu.memory_space<hbm>>
      tpu.wait_dma2 semaphore(%arg9 : memref<!tpu.dma_semaphore, #tpu.memory_space<semaphore_mem>>) src(%dma_wait3A_1583 : memref<128xi32, #tpu.memory_space<hbm>>) dst(%dma_wait3A_1582 : memref<128xi32, #tpu.memory_space<vmem>>)
      %dma_wait3A_1584 = arith.constant 2 : i32
      %dma_wait3A_1585 = arith.constant 0 : i32
      %dma_wait3A_1586 = tpu.memref_slice %arg6[%dma_wait3A_1584, %dma_wait3A_1585] : memref<8x128xi32, #tpu.memory_space<vmem>> -> memref<1x128xi32, #tpu.memory_space<vmem>>
      %dma_wait3A_1587 = tpu.memref_squeeze %dma_wait3A_1586 : memref<1x128xi32, #tpu.memory_space<vmem>> -> memref<128xi32, #tpu.memory_space<vmem>>
      %dma_wait3A_1588 = tpu.memref_slice %arg3[%add3A_1501] : memref<16384xi32, #tpu.memory_space<hbm>> -> memref<128xi32, #tpu.memory_space<hbm>>
      %dma_wait3A_1589 = arith.constant 0 : i32
      %dma_wait3A_1590 = tpu.memref_slice %arg6[%dma_wait3A_1584, %dma_wait3A_1589] : memref<8x128xi32, #tpu.memory_space<vmem>> -> memref<1x128xi32, #tpu.memory_space<vmem>>
      %dma_wait3A_1591 = tpu.memref_squeeze %dma_wait3A_1590 : memref<1x128xi32, #tpu.memory_space<vmem>> -> memref<128xi32, #tpu.memory_space<vmem>>
      %dma_wait3A_1592 = tpu.memref_slice %arg3[%add3A_1501] : memref<16384xi32, #tpu.memory_space<hbm>> -> memref<128xi32, #tpu.memory_space<hbm>>
      tpu.wait_dma2 semaphore(%arg9 : memref<!tpu.dma_semaphore, #tpu.memory_space<semaphore_mem>>) src(%dma_wait3A_1592 : memref<128xi32, #tpu.memory_space<hbm>>) dst(%dma_wait3A_1591 : memref<128xi32, #tpu.memory_space<vmem>>)
      %dma_wait3A_1593 = arith.constant 3 : i32
      %dma_wait3A_1594 = arith.constant 0 : i32
      %dma_wait3A_1595 = tpu.memref_slice %arg6[%dma_wait3A_1593, %dma_wait3A_1594] : memref<8x128xi32, #tpu.memory_space<vmem>> -> memref<1x128xi32, #tpu.memory_space<vmem>>
      %dma_wait3A_1596 = tpu.memref_squeeze %dma_wait3A_1595 : memref<1x128xi32, #tpu.memory_space<vmem>> -> memref<128xi32, #tpu.memory_space<vmem>>
      %dma_wait3A_1597 = tpu.memref_slice %arg3[%add3A_1512] : memref<16384xi32, #tpu.memory_space<hbm>> -> memref<128xi32, #tpu.memory_space<hbm>>
      %dma_wait3A_1598 = arith.constant 0 : i32
      %dma_wait3A_1599 = tpu.memref_slice %arg6[%dma_wait3A_1593, %dma_wait3A_1598] : memref<8x128xi32, #tpu.memory_space<vmem>> -> memref<1x128xi32, #tpu.memory_space<vmem>>
      %dma_wait3A_1600 = tpu.memref_squeeze %dma_wait3A_1599 : memref<1x128xi32, #tpu.memory_space<vmem>> -> memref<128xi32, #tpu.memory_space<vmem>>
      %dma_wait3A_1601 = tpu.memref_slice %arg3[%add3A_1512] : memref<16384xi32, #tpu.memory_space<hbm>> -> memref<128xi32, #tpu.memory_space<hbm>>
      tpu.wait_dma2 semaphore(%arg9 : memref<!tpu.dma_semaphore, #tpu.memory_space<semaphore_mem>>) src(%dma_wait3A_1601 : memref<128xi32, #tpu.memory_space<hbm>>) dst(%dma_wait3A_1600 : memref<128xi32, #tpu.memory_space<vmem>>)
      %dma_wait3A_1602 = arith.constant 4 : i32
      %dma_wait3A_1603 = arith.constant 0 : i32
      %dma_wait3A_1604 = tpu.memref_slice %arg6[%dma_wait3A_1602, %dma_wait3A_1603] : memref<8x128xi32, #tpu.memory_space<vmem>> -> memref<1x128xi32, #tpu.memory_space<vmem>>
      %dma_wait3A_1605 = tpu.memref_squeeze %dma_wait3A_1604 : memref<1x128xi32, #tpu.memory_space<vmem>> -> memref<128xi32, #tpu.memory_space<vmem>>
      %dma_wait3A_1606 = tpu.memref_slice %arg3[%add3A_1523] : memref<16384xi32, #tpu.memory_space<hbm>> -> memref<128xi32, #tpu.memory_space<hbm>>
      %dma_wait3A_1607 = arith.constant 0 : i32
      %dma_wait3A_1608 = tpu.memref_slice %arg6[%dma_wait3A_1602, %dma_wait3A_1607] : memref<8x128xi32, #tpu.memory_space<vmem>> -> memref<1x128xi32, #tpu.memory_space<vmem>>
      %dma_wait3A_1609 = tpu.memref_squeeze %dma_wait3A_1608 : memref<1x128xi32, #tpu.memory_space<vmem>> -> memref<128xi32, #tpu.memory_space<vmem>>
      %dma_wait3A_1610 = tpu.memref_slice %arg3[%add3A_1523] : memref<16384xi32, #tpu.memory_space<hbm>> -> memref<128xi32, #tpu.memory_space<hbm>>
      tpu.wait_dma2 semaphore(%arg9 : memref<!tpu.dma_semaphore, #tpu.memory_space<semaphore_mem>>) src(%dma_wait3A_1610 : memref<128xi32, #tpu.memory_space<hbm>>) dst(%dma_wait3A_1609 : memref<128xi32, #tpu.memory_space<vmem>>)
      %dma_wait3A_1611 = arith.constant 5 : i32
      %dma_wait3A_1612 = arith.constant 0 : i32
      %dma_wait3A_1613 = tpu.memref_slice %arg6[%dma_wait3A_1611, %dma_wait3A_1612] : memref<8x128xi32, #tpu.memory_space<vmem>> -> memref<1x128xi32, #tpu.memory_space<vmem>>
      %dma_wait3A_1614 = tpu.memref_squeeze %dma_wait3A_1613 : memref<1x128xi32, #tpu.memory_space<vmem>> -> memref<128xi32, #tpu.memory_space<vmem>>
      %dma_wait3A_1615 = tpu.memref_slice %arg3[%add3A_1534] : memref<16384xi32, #tpu.memory_space<hbm>> -> memref<128xi32, #tpu.memory_space<hbm>>
      %dma_wait3A_1616 = arith.constant 0 : i32
      %dma_wait3A_1617 = tpu.memref_slice %arg6[%dma_wait3A_1611, %dma_wait3A_1616] : memref<8x128xi32, #tpu.memory_space<vmem>> -> memref<1x128xi32, #tpu.memory_space<vmem>>
      %dma_wait3A_1618 = tpu.memref_squeeze %dma_wait3A_1617 : memref<1x128xi32, #tpu.memory_space<vmem>> -> memref<128xi32, #tpu.memory_space<vmem>>
      %dma_wait3A_1619 = tpu.memref_slice %arg3[%add3A_1534] : memref<16384xi32, #tpu.memory_space<hbm>> -> memref<128xi32, #tpu.memory_space<hbm>>
      tpu.wait_dma2 semaphore(%arg9 : memref<!tpu.dma_semaphore, #tpu.memory_space<semaphore_mem>>) src(%dma_wait3A_1619 : memref<128xi32, #tpu.memory_space<hbm>>) dst(%dma_wait3A_1618 : memref<128xi32, #tpu.memory_space<vmem>>)
      %dma_wait3A_1620 = arith.constant 6 : i32
      %dma_wait3A_1621 = arith.constant 0 : i32
      %dma_wait3A_1622 = tpu.memref_slice %arg6[%dma_wait3A_1620, %dma_wait3A_1621] : memref<8x128xi32, #tpu.memory_space<vmem>> -> memref<1x128xi32, #tpu.memory_space<vmem>>
      %dma_wait3A_1623 = tpu.memref_squeeze %dma_wait3A_1622 : memref<1x128xi32, #tpu.memory_space<vmem>> -> memref<128xi32, #tpu.memory_space<vmem>>
      %dma_wait3A_1624 = tpu.memref_slice %arg3[%add3A_1545] : memref<16384xi32, #tpu.memory_space<hbm>> -> memref<128xi32, #tpu.memory_space<hbm>>
      %dma_wait3A_1625 = arith.constant 0 : i32
      %dma_wait3A_1626 = tpu.memref_slice %arg6[%dma_wait3A_1620, %dma_wait3A_1625] : memref<8x128xi32, #tpu.memory_space<vmem>> -> memref<1x128xi32, #tpu.memory_space<vmem>>
      %dma_wait3A_1627 = tpu.memref_squeeze %dma_wait3A_1626 : memref<1x128xi32, #tpu.memory_space<vmem>> -> memref<128xi32, #tpu.memory_space<vmem>>
      %dma_wait3A_1628 = tpu.memref_slice %arg3[%add3A_1545] : memref<16384xi32, #tpu.memory_space<hbm>> -> memref<128xi32, #tpu.memory_space<hbm>>
      tpu.wait_dma2 semaphore(%arg9 : memref<!tpu.dma_semaphore, #tpu.memory_space<semaphore_mem>>) src(%dma_wait3A_1628 : memref<128xi32, #tpu.memory_space<hbm>>) dst(%dma_wait3A_1627 : memref<128xi32, #tpu.memory_space<vmem>>)
      %dma_wait3A_1629 = arith.constant 7 : i32
      %dma_wait3A_1630 = arith.constant 0 : i32
      %dma_wait3A_1631 = tpu.memref_slice %arg6[%dma_wait3A_1629, %dma_wait3A_1630] : memref<8x128xi32, #tpu.memory_space<vmem>> -> memref<1x128xi32, #tpu.memory_space<vmem>>
      %dma_wait3A_1632 = tpu.memref_squeeze %dma_wait3A_1631 : memref<1x128xi32, #tpu.memory_space<vmem>> -> memref<128xi32, #tpu.memory_space<vmem>>
      %dma_wait3A_1633 = tpu.memref_slice %arg3[%add3A_1556] : memref<16384xi32, #tpu.memory_space<hbm>> -> memref<128xi32, #tpu.memory_space<hbm>>
      %dma_wait3A_1634 = arith.constant 0 : i32
      %dma_wait3A_1635 = tpu.memref_slice %arg6[%dma_wait3A_1629, %dma_wait3A_1634] : memref<8x128xi32, #tpu.memory_space<vmem>> -> memref<1x128xi32, #tpu.memory_space<vmem>>
      %dma_wait3A_1636 = tpu.memref_squeeze %dma_wait3A_1635 : memref<1x128xi32, #tpu.memory_space<vmem>> -> memref<128xi32, #tpu.memory_space<vmem>>
      %dma_wait3A_1637 = tpu.memref_slice %arg3[%add3A_1556] : memref<16384xi32, #tpu.memory_space<hbm>> -> memref<128xi32, #tpu.memory_space<hbm>>
      tpu.wait_dma2 semaphore(%arg9 : memref<!tpu.dma_semaphore, #tpu.memory_space<semaphore_mem>>) src(%dma_wait3A_1637 : memref<128xi32, #tpu.memory_space<hbm>>) dst(%dma_wait3A_1636 : memref<128xi32, #tpu.memory_space<vmem>>)
    } else {
    }
    %ge3A = arith.constant 16 : i32
    %ge3A_10 = arith.cmpi sge, %add3A, %ge3A : i32
    %convert_element_type3A_11 = arith.extui %ge3A_10 : i1 to i32
    %cond3A_12 = arith.constant 0 : i32
    %cond3A_13 = arith.cmpi ne, %convert_element_type3A_11, %cond3A_12 : i32
    scf.if %cond3A_13 {
      %add3A_1478 = arith.constant 0 : i32
      %add3A_1479 = arith.addi %mul3A_7, %add3A_1478 : i32
      %dma_start3A_1480 = arith.constant 0 : i32
      %dma_start3A_1481 = arith.constant 0 : i32
      %dma_start3A_1482 = tpu.memref_slice %arg6[%dma_start3A_1480, %dma_start3A_1481] : memref<8x128xi32, #tpu.memory_space<vmem>> -> memref<1x128xi32, #tpu.memory_space<vmem>>
      %dma_start3A_1483 = tpu.memref_squeeze %dma_start3A_1482 : memref<1x128xi32, #tpu.memory_space<vmem>> -> memref<128xi32, #tpu.memory_space<vmem>>
      %dma_start3A_1484 = tpu.memref_slice %arg4[%add3A_1479] : memref<16384xi32, #tpu.memory_space<hbm>> -> memref<128xi32, #tpu.memory_space<hbm>>
      %dma_start3A_1485 = arith.constant 0 : i32
      %dma_start3A_1486 = tpu.memref_slice %arg6[%dma_start3A_1480, %dma_start3A_1485] : memref<8x128xi32, #tpu.memory_space<vmem>> -> memref<1x128xi32, #tpu.memory_space<vmem>>
      %dma_start3A_1487 = tpu.memref_squeeze %dma_start3A_1486 : memref<1x128xi32, #tpu.memory_space<vmem>> -> memref<128xi32, #tpu.memory_space<vmem>>
      %dma_start3A_1488 = tpu.memref_slice %arg4[%add3A_1479] : memref<16384xi32, #tpu.memory_space<hbm>> -> memref<128xi32, #tpu.memory_space<hbm>>
      tpu.enqueue_dma source(%dma_start3A_1488 : memref<128xi32, #tpu.memory_space<hbm>>) target(%dma_start3A_1487 : memref<128xi32, #tpu.memory_space<vmem>>) target_semaphore(%arg9 : memref<!tpu.dma_semaphore, #tpu.memory_space<semaphore_mem>>)
      %add3A_1489 = arith.constant 128 : i32
      %add3A_1490 = arith.addi %mul3A_7, %add3A_1489 : i32
      %dma_start3A_1491 = arith.constant 1 : i32
      %dma_start3A_1492 = arith.constant 0 : i32
      %dma_start3A_1493 = tpu.memref_slice %arg6[%dma_start3A_1491, %dma_start3A_1492] : memref<8x128xi32, #tpu.memory_space<vmem>> -> memref<1x128xi32, #tpu.memory_space<vmem>>
      %dma_start3A_1494 = tpu.memref_squeeze %dma_start3A_1493 : memref<1x128xi32, #tpu.memory_space<vmem>> -> memref<128xi32, #tpu.memory_space<vmem>>
      %dma_start3A_1495 = tpu.memref_slice %arg4[%add3A_1490] : memref<16384xi32, #tpu.memory_space<hbm>> -> memref<128xi32, #tpu.memory_space<hbm>>
      %dma_start3A_1496 = arith.constant 0 : i32
      %dma_start3A_1497 = tpu.memref_slice %arg6[%dma_start3A_1491, %dma_start3A_1496] : memref<8x128xi32, #tpu.memory_space<vmem>> -> memref<1x128xi32, #tpu.memory_space<vmem>>
      %dma_start3A_1498 = tpu.memref_squeeze %dma_start3A_1497 : memref<1x128xi32, #tpu.memory_space<vmem>> -> memref<128xi32, #tpu.memory_space<vmem>>
      %dma_start3A_1499 = tpu.memref_slice %arg4[%add3A_1490] : memref<16384xi32, #tpu.memory_space<hbm>> -> memref<128xi32, #tpu.memory_space<hbm>>
      tpu.enqueue_dma source(%dma_start3A_1499 : memref<128xi32, #tpu.memory_space<hbm>>) target(%dma_start3A_1498 : memref<128xi32, #tpu.memory_space<vmem>>) target_semaphore(%arg9 : memref<!tpu.dma_semaphore, #tpu.memory_space<semaphore_mem>>)
      %add3A_1500 = arith.constant 256 : i32
      %add3A_1501 = arith.addi %mul3A_7, %add3A_1500 : i32
      %dma_start3A_1502 = arith.constant 2 : i32
      %dma_start3A_1503 = arith.constant 0 : i32
      %dma_start3A_1504 = tpu.memref_slice %arg6[%dma_start3A_1502, %dma_start3A_1503] : memref<8x128xi32, #tpu.memory_space<vmem>> -> memref<1x128xi32, #tpu.memory_space<vmem>>
      %dma_start3A_1505 = tpu.memref_squeeze %dma_start3A_1504 : memref<1x128xi32, #tpu.memory_space<vmem>> -> memref<128xi32, #tpu.memory_space<vmem>>
      %dma_start3A_1506 = tpu.memref_slice %arg4[%add3A_1501] : memref<16384xi32, #tpu.memory_space<hbm>> -> memref<128xi32, #tpu.memory_space<hbm>>
      %dma_start3A_1507 = arith.constant 0 : i32
      %dma_start3A_1508 = tpu.memref_slice %arg6[%dma_start3A_1502, %dma_start3A_1507] : memref<8x128xi32, #tpu.memory_space<vmem>> -> memref<1x128xi32, #tpu.memory_space<vmem>>
      %dma_start3A_1509 = tpu.memref_squeeze %dma_start3A_1508 : memref<1x128xi32, #tpu.memory_space<vmem>> -> memref<128xi32, #tpu.memory_space<vmem>>
      %dma_start3A_1510 = tpu.memref_slice %arg4[%add3A_1501] : memref<16384xi32, #tpu.memory_space<hbm>> -> memref<128xi32, #tpu.memory_space<hbm>>
      tpu.enqueue_dma source(%dma_start3A_1510 : memref<128xi32, #tpu.memory_space<hbm>>) target(%dma_start3A_1509 : memref<128xi32, #tpu.memory_space<vmem>>) target_semaphore(%arg9 : memref<!tpu.dma_semaphore, #tpu.memory_space<semaphore_mem>>)
      %add3A_1511 = arith.constant 384 : i32
      %add3A_1512 = arith.addi %mul3A_7, %add3A_1511 : i32
      %dma_start3A_1513 = arith.constant 3 : i32
      %dma_start3A_1514 = arith.constant 0 : i32
      %dma_start3A_1515 = tpu.memref_slice %arg6[%dma_start3A_1513, %dma_start3A_1514] : memref<8x128xi32, #tpu.memory_space<vmem>> -> memref<1x128xi32, #tpu.memory_space<vmem>>
      %dma_start3A_1516 = tpu.memref_squeeze %dma_start3A_1515 : memref<1x128xi32, #tpu.memory_space<vmem>> -> memref<128xi32, #tpu.memory_space<vmem>>
      %dma_start3A_1517 = tpu.memref_slice %arg4[%add3A_1512] : memref<16384xi32, #tpu.memory_space<hbm>> -> memref<128xi32, #tpu.memory_space<hbm>>
      %dma_start3A_1518 = arith.constant 0 : i32
      %dma_start3A_1519 = tpu.memref_slice %arg6[%dma_start3A_1513, %dma_start3A_1518] : memref<8x128xi32, #tpu.memory_space<vmem>> -> memref<1x128xi32, #tpu.memory_space<vmem>>
      %dma_start3A_1520 = tpu.memref_squeeze %dma_start3A_1519 : memref<1x128xi32, #tpu.memory_space<vmem>> -> memref<128xi32, #tpu.memory_space<vmem>>
      %dma_start3A_1521 = tpu.memref_slice %arg4[%add3A_1512] : memref<16384xi32, #tpu.memory_space<hbm>> -> memref<128xi32, #tpu.memory_space<hbm>>
      tpu.enqueue_dma source(%dma_start3A_1521 : memref<128xi32, #tpu.memory_space<hbm>>) target(%dma_start3A_1520 : memref<128xi32, #tpu.memory_space<vmem>>) target_semaphore(%arg9 : memref<!tpu.dma_semaphore, #tpu.memory_space<semaphore_mem>>)
      %add3A_1522 = arith.constant 512 : i32
      %add3A_1523 = arith.addi %mul3A_7, %add3A_1522 : i32
      %dma_start3A_1524 = arith.constant 4 : i32
      %dma_start3A_1525 = arith.constant 0 : i32
      %dma_start3A_1526 = tpu.memref_slice %arg6[%dma_start3A_1524, %dma_start3A_1525] : memref<8x128xi32, #tpu.memory_space<vmem>> -> memref<1x128xi32, #tpu.memory_space<vmem>>
      %dma_start3A_1527 = tpu.memref_squeeze %dma_start3A_1526 : memref<1x128xi32, #tpu.memory_space<vmem>> -> memref<128xi32, #tpu.memory_space<vmem>>
      %dma_start3A_1528 = tpu.memref_slice %arg4[%add3A_1523] : memref<16384xi32, #tpu.memory_space<hbm>> -> memref<128xi32, #tpu.memory_space<hbm>>
      %dma_start3A_1529 = arith.constant 0 : i32
      %dma_start3A_1530 = tpu.memref_slice %arg6[%dma_start3A_1524, %dma_start3A_1529] : memref<8x128xi32, #tpu.memory_space<vmem>> -> memref<1x128xi32, #tpu.memory_space<vmem>>
      %dma_start3A_1531 = tpu.memref_squeeze %dma_start3A_1530 : memref<1x128xi32, #tpu.memory_space<vmem>> -> memref<128xi32, #tpu.memory_space<vmem>>
      %dma_start3A_1532 = tpu.memref_slice %arg4[%add3A_1523] : memref<16384xi32, #tpu.memory_space<hbm>> -> memref<128xi32, #tpu.memory_space<hbm>>
      tpu.enqueue_dma source(%dma_start3A_1532 : memref<128xi32, #tpu.memory_space<hbm>>) target(%dma_start3A_1531 : memref<128xi32, #tpu.memory_space<vmem>>) target_semaphore(%arg9 : memref<!tpu.dma_semaphore, #tpu.memory_space<semaphore_mem>>)
      %add3A_1533 = arith.constant 640 : i32
      %add3A_1534 = arith.addi %mul3A_7, %add3A_1533 : i32
      %dma_start3A_1535 = arith.constant 5 : i32
      %dma_start3A_1536 = arith.constant 0 : i32
      %dma_start3A_1537 = tpu.memref_slice %arg6[%dma_start3A_1535, %dma_start3A_1536] : memref<8x128xi32, #tpu.memory_space<vmem>> -> memref<1x128xi32, #tpu.memory_space<vmem>>
      %dma_start3A_1538 = tpu.memref_squeeze %dma_start3A_1537 : memref<1x128xi32, #tpu.memory_space<vmem>> -> memref<128xi32, #tpu.memory_space<vmem>>
      %dma_start3A_1539 = tpu.memref_slice %arg4[%add3A_1534] : memref<16384xi32, #tpu.memory_space<hbm>> -> memref<128xi32, #tpu.memory_space<hbm>>
      %dma_start3A_1540 = arith.constant 0 : i32
      %dma_start3A_1541 = tpu.memref_slice %arg6[%dma_start3A_1535, %dma_start3A_1540] : memref<8x128xi32, #tpu.memory_space<vmem>> -> memref<1x128xi32, #tpu.memory_space<vmem>>
      %dma_start3A_1542 = tpu.memref_squeeze %dma_start3A_1541 : memref<1x128xi32, #tpu.memory_space<vmem>> -> memref<128xi32, #tpu.memory_space<vmem>>
      %dma_start3A_1543 = tpu.memref_slice %arg4[%add3A_1534] : memref<16384xi32, #tpu.memory_space<hbm>> -> memref<128xi32, #tpu.memory_space<hbm>>
      tpu.enqueue_dma source(%dma_start3A_1543 : memref<128xi32, #tpu.memory_space<hbm>>) target(%dma_start3A_1542 : memref<128xi32, #tpu.memory_space<vmem>>) target_semaphore(%arg9 : memref<!tpu.dma_semaphore, #tpu.memory_space<semaphore_mem>>)
      %add3A_1544 = arith.constant 768 : i32
      %add3A_1545 = arith.addi %mul3A_7, %add3A_1544 : i32
      %dma_start3A_1546 = arith.constant 6 : i32
      %dma_start3A_1547 = arith.constant 0 : i32
      %dma_start3A_1548 = tpu.memref_slice %arg6[%dma_start3A_1546, %dma_start3A_1547] : memref<8x128xi32, #tpu.memory_space<vmem>> -> memref<1x128xi32, #tpu.memory_space<vmem>>
      %dma_start3A_1549 = tpu.memref_squeeze %dma_start3A_1548 : memref<1x128xi32, #tpu.memory_space<vmem>> -> memref<128xi32, #tpu.memory_space<vmem>>
      %dma_start3A_1550 = tpu.memref_slice %arg4[%add3A_1545] : memref<16384xi32, #tpu.memory_space<hbm>> -> memref<128xi32, #tpu.memory_space<hbm>>
      %dma_start3A_1551 = arith.constant 0 : i32
      %dma_start3A_1552 = tpu.memref_slice %arg6[%dma_start3A_1546, %dma_start3A_1551] : memref<8x128xi32, #tpu.memory_space<vmem>> -> memref<1x128xi32, #tpu.memory_space<vmem>>
      %dma_start3A_1553 = tpu.memref_squeeze %dma_start3A_1552 : memref<1x128xi32, #tpu.memory_space<vmem>> -> memref<128xi32, #tpu.memory_space<vmem>>
      %dma_start3A_1554 = tpu.memref_slice %arg4[%add3A_1545] : memref<16384xi32, #tpu.memory_space<hbm>> -> memref<128xi32, #tpu.memory_space<hbm>>
      tpu.enqueue_dma source(%dma_start3A_1554 : memref<128xi32, #tpu.memory_space<hbm>>) target(%dma_start3A_1553 : memref<128xi32, #tpu.memory_space<vmem>>) target_semaphore(%arg9 : memref<!tpu.dma_semaphore, #tpu.memory_space<semaphore_mem>>)
      %add3A_1555 = arith.constant 896 : i32
      %add3A_1556 = arith.addi %mul3A_7, %add3A_1555 : i32
      %dma_start3A_1557 = arith.constant 7 : i32
      %dma_start3A_1558 = arith.constant 0 : i32
      %dma_start3A_1559 = tpu.memref_slice %arg6[%dma_start3A_1557, %dma_start3A_1558] : memref<8x128xi32, #tpu.memory_space<vmem>> -> memref<1x128xi32, #tpu.memory_space<vmem>>
      %dma_start3A_1560 = tpu.memref_squeeze %dma_start3A_1559 : memref<1x128xi32, #tpu.memory_space<vmem>> -> memref<128xi32, #tpu.memory_space<vmem>>
      %dma_start3A_1561 = tpu.memref_slice %arg4[%add3A_1556] : memref<16384xi32, #tpu.memory_space<hbm>> -> memref<128xi32, #tpu.memory_space<hbm>>
      %dma_start3A_1562 = arith.constant 0 : i32
      %dma_start3A_1563 = tpu.memref_slice %arg6[%dma_start3A_1557, %dma_start3A_1562] : memref<8x128xi32, #tpu.memory_space<vmem>> -> memref<1x128xi32, #tpu.memory_space<vmem>>
      %dma_start3A_1564 = tpu.memref_squeeze %dma_start3A_1563 : memref<1x128xi32, #tpu.memory_space<vmem>> -> memref<128xi32, #tpu.memory_space<vmem>>
      %dma_start3A_1565 = tpu.memref_slice %arg4[%add3A_1556] : memref<16384xi32, #tpu.memory_space<hbm>> -> memref<128xi32, #tpu.memory_space<hbm>>
      tpu.enqueue_dma source(%dma_start3A_1565 : memref<128xi32, #tpu.memory_space<hbm>>) target(%dma_start3A_1564 : memref<128xi32, #tpu.memory_space<vmem>>) target_semaphore(%arg9 : memref<!tpu.dma_semaphore, #tpu.memory_space<semaphore_mem>>)
      %dma_wait3A_1566 = arith.constant 0 : i32
      %dma_wait3A_1567 = arith.constant 0 : i32
      %dma_wait3A_1568 = tpu.memref_slice %arg6[%dma_wait3A_1566, %dma_wait3A_1567] : memref<8x128xi32, #tpu.memory_space<vmem>> -> memref<1x128xi32, #tpu.memory_space<vmem>>
      %dma_wait3A_1569 = tpu.memref_squeeze %dma_wait3A_1568 : memref<1x128xi32, #tpu.memory_space<vmem>> -> memref<128xi32, #tpu.memory_space<vmem>>
      %dma_wait3A_1570 = tpu.memref_slice %arg4[%add3A_1479] : memref<16384xi32, #tpu.memory_space<hbm>> -> memref<128xi32, #tpu.memory_space<hbm>>
      %dma_wait3A_1571 = arith.constant 0 : i32
      %dma_wait3A_1572 = tpu.memref_slice %arg6[%dma_wait3A_1566, %dma_wait3A_1571] : memref<8x128xi32, #tpu.memory_space<vmem>> -> memref<1x128xi32, #tpu.memory_space<vmem>>
      %dma_wait3A_1573 = tpu.memref_squeeze %dma_wait3A_1572 : memref<1x128xi32, #tpu.memory_space<vmem>> -> memref<128xi32, #tpu.memory_space<vmem>>
      %dma_wait3A_1574 = tpu.memref_slice %arg4[%add3A_1479] : memref<16384xi32, #tpu.memory_space<hbm>> -> memref<128xi32, #tpu.memory_space<hbm>>
      tpu.wait_dma2 semaphore(%arg9 : memref<!tpu.dma_semaphore, #tpu.memory_space<semaphore_mem>>) src(%dma_wait3A_1574 : memref<128xi32, #tpu.memory_space<hbm>>) dst(%dma_wait3A_1573 : memref<128xi32, #tpu.memory_space<vmem>>)
      %dma_wait3A_1575 = arith.constant 1 : i32
      %dma_wait3A_1576 = arith.constant 0 : i32
      %dma_wait3A_1577 = tpu.memref_slice %arg6[%dma_wait3A_1575, %dma_wait3A_1576] : memref<8x128xi32, #tpu.memory_space<vmem>> -> memref<1x128xi32, #tpu.memory_space<vmem>>
      %dma_wait3A_1578 = tpu.memref_squeeze %dma_wait3A_1577 : memref<1x128xi32, #tpu.memory_space<vmem>> -> memref<128xi32, #tpu.memory_space<vmem>>
      %dma_wait3A_1579 = tpu.memref_slice %arg4[%add3A_1490] : memref<16384xi32, #tpu.memory_space<hbm>> -> memref<128xi32, #tpu.memory_space<hbm>>
      %dma_wait3A_1580 = arith.constant 0 : i32
      %dma_wait3A_1581 = tpu.memref_slice %arg6[%dma_wait3A_1575, %dma_wait3A_1580] : memref<8x128xi32, #tpu.memory_space<vmem>> -> memref<1x128xi32, #tpu.memory_space<vmem>>
      %dma_wait3A_1582 = tpu.memref_squeeze %dma_wait3A_1581 : memref<1x128xi32, #tpu.memory_space<vmem>> -> memref<128xi32, #tpu.memory_space<vmem>>
      %dma_wait3A_1583 = tpu.memref_slice %arg4[%add3A_1490] : memref<16384xi32, #tpu.memory_space<hbm>> -> memref<128xi32, #tpu.memory_space<hbm>>
      tpu.wait_dma2 semaphore(%arg9 : memref<!tpu.dma_semaphore, #tpu.memory_space<semaphore_mem>>) src(%dma_wait3A_1583 : memref<128xi32, #tpu.memory_space<hbm>>) dst(%dma_wait3A_1582 : memref<128xi32, #tpu.memory_space<vmem>>)
      %dma_wait3A_1584 = arith.constant 2 : i32
      %dma_wait3A_1585 = arith.constant 0 : i32
      %dma_wait3A_1586 = tpu.memref_slice %arg6[%dma_wait3A_1584, %dma_wait3A_1585] : memref<8x128xi32, #tpu.memory_space<vmem>> -> memref<1x128xi32, #tpu.memory_space<vmem>>
      %dma_wait3A_1587 = tpu.memref_squeeze %dma_wait3A_1586 : memref<1x128xi32, #tpu.memory_space<vmem>> -> memref<128xi32, #tpu.memory_space<vmem>>
      %dma_wait3A_1588 = tpu.memref_slice %arg4[%add3A_1501] : memref<16384xi32, #tpu.memory_space<hbm>> -> memref<128xi32, #tpu.memory_space<hbm>>
      %dma_wait3A_1589 = arith.constant 0 : i32
      %dma_wait3A_1590 = tpu.memref_slice %arg6[%dma_wait3A_1584, %dma_wait3A_1589] : memref<8x128xi32, #tpu.memory_space<vmem>> -> memref<1x128xi32, #tpu.memory_space<vmem>>
      %dma_wait3A_1591 = tpu.memref_squeeze %dma_wait3A_1590 : memref<1x128xi32, #tpu.memory_space<vmem>> -> memref<128xi32, #tpu.memory_space<vmem>>
      %dma_wait3A_1592 = tpu.memref_slice %arg4[%add3A_1501] : memref<16384xi32, #tpu.memory_space<hbm>> -> memref<128xi32, #tpu.memory_space<hbm>>
      tpu.wait_dma2 semaphore(%arg9 : memref<!tpu.dma_semaphore, #tpu.memory_space<semaphore_mem>>) src(%dma_wait3A_1592 : memref<128xi32, #tpu.memory_space<hbm>>) dst(%dma_wait3A_1591 : memref<128xi32, #tpu.memory_space<vmem>>)
      %dma_wait3A_1593 = arith.constant 3 : i32
      %dma_wait3A_1594 = arith.constant 0 : i32
      %dma_wait3A_1595 = tpu.memref_slice %arg6[%dma_wait3A_1593, %dma_wait3A_1594] : memref<8x128xi32, #tpu.memory_space<vmem>> -> memref<1x128xi32, #tpu.memory_space<vmem>>
      %dma_wait3A_1596 = tpu.memref_squeeze %dma_wait3A_1595 : memref<1x128xi32, #tpu.memory_space<vmem>> -> memref<128xi32, #tpu.memory_space<vmem>>
      %dma_wait3A_1597 = tpu.memref_slice %arg4[%add3A_1512] : memref<16384xi32, #tpu.memory_space<hbm>> -> memref<128xi32, #tpu.memory_space<hbm>>
      %dma_wait3A_1598 = arith.constant 0 : i32
      %dma_wait3A_1599 = tpu.memref_slice %arg6[%dma_wait3A_1593, %dma_wait3A_1598] : memref<8x128xi32, #tpu.memory_space<vmem>> -> memref<1x128xi32, #tpu.memory_space<vmem>>
      %dma_wait3A_1600 = tpu.memref_squeeze %dma_wait3A_1599 : memref<1x128xi32, #tpu.memory_space<vmem>> -> memref<128xi32, #tpu.memory_space<vmem>>
      %dma_wait3A_1601 = tpu.memref_slice %arg4[%add3A_1512] : memref<16384xi32, #tpu.memory_space<hbm>> -> memref<128xi32, #tpu.memory_space<hbm>>
      tpu.wait_dma2 semaphore(%arg9 : memref<!tpu.dma_semaphore, #tpu.memory_space<semaphore_mem>>) src(%dma_wait3A_1601 : memref<128xi32, #tpu.memory_space<hbm>>) dst(%dma_wait3A_1600 : memref<128xi32, #tpu.memory_space<vmem>>)
      %dma_wait3A_1602 = arith.constant 4 : i32
      %dma_wait3A_1603 = arith.constant 0 : i32
      %dma_wait3A_1604 = tpu.memref_slice %arg6[%dma_wait3A_1602, %dma_wait3A_1603] : memref<8x128xi32, #tpu.memory_space<vmem>> -> memref<1x128xi32, #tpu.memory_space<vmem>>
      %dma_wait3A_1605 = tpu.memref_squeeze %dma_wait3A_1604 : memref<1x128xi32, #tpu.memory_space<vmem>> -> memref<128xi32, #tpu.memory_space<vmem>>
      %dma_wait3A_1606 = tpu.memref_slice %arg4[%add3A_1523] : memref<16384xi32, #tpu.memory_space<hbm>> -> memref<128xi32, #tpu.memory_space<hbm>>
      %dma_wait3A_1607 = arith.constant 0 : i32
      %dma_wait3A_1608 = tpu.memref_slice %arg6[%dma_wait3A_1602, %dma_wait3A_1607] : memref<8x128xi32, #tpu.memory_space<vmem>> -> memref<1x128xi32, #tpu.memory_space<vmem>>
      %dma_wait3A_1609 = tpu.memref_squeeze %dma_wait3A_1608 : memref<1x128xi32, #tpu.memory_space<vmem>> -> memref<128xi32, #tpu.memory_space<vmem>>
      %dma_wait3A_1610 = tpu.memref_slice %arg4[%add3A_1523] : memref<16384xi32, #tpu.memory_space<hbm>> -> memref<128xi32, #tpu.memory_space<hbm>>
      tpu.wait_dma2 semaphore(%arg9 : memref<!tpu.dma_semaphore, #tpu.memory_space<semaphore_mem>>) src(%dma_wait3A_1610 : memref<128xi32, #tpu.memory_space<hbm>>) dst(%dma_wait3A_1609 : memref<128xi32, #tpu.memory_space<vmem>>)
      %dma_wait3A_1611 = arith.constant 5 : i32
      %dma_wait3A_1612 = arith.constant 0 : i32
      %dma_wait3A_1613 = tpu.memref_slice %arg6[%dma_wait3A_1611, %dma_wait3A_1612] : memref<8x128xi32, #tpu.memory_space<vmem>> -> memref<1x128xi32, #tpu.memory_space<vmem>>
      %dma_wait3A_1614 = tpu.memref_squeeze %dma_wait3A_1613 : memref<1x128xi32, #tpu.memory_space<vmem>> -> memref<128xi32, #tpu.memory_space<vmem>>
      %dma_wait3A_1615 = tpu.memref_slice %arg4[%add3A_1534] : memref<16384xi32, #tpu.memory_space<hbm>> -> memref<128xi32, #tpu.memory_space<hbm>>
      %dma_wait3A_1616 = arith.constant 0 : i32
      %dma_wait3A_1617 = tpu.memref_slice %arg6[%dma_wait3A_1611, %dma_wait3A_1616] : memref<8x128xi32, #tpu.memory_space<vmem>> -> memref<1x128xi32, #tpu.memory_space<vmem>>
      %dma_wait3A_1618 = tpu.memref_squeeze %dma_wait3A_1617 : memref<1x128xi32, #tpu.memory_space<vmem>> -> memref<128xi32, #tpu.memory_space<vmem>>
      %dma_wait3A_1619 = tpu.memref_slice %arg4[%add3A_1534] : memref<16384xi32, #tpu.memory_space<hbm>> -> memref<128xi32, #tpu.memory_space<hbm>>
      tpu.wait_dma2 semaphore(%arg9 : memref<!tpu.dma_semaphore, #tpu.memory_space<semaphore_mem>>) src(%dma_wait3A_1619 : memref<128xi32, #tpu.memory_space<hbm>>) dst(%dma_wait3A_1618 : memref<128xi32, #tpu.memory_space<vmem>>)
      %dma_wait3A_1620 = arith.constant 6 : i32
      %dma_wait3A_1621 = arith.constant 0 : i32
      %dma_wait3A_1622 = tpu.memref_slice %arg6[%dma_wait3A_1620, %dma_wait3A_1621] : memref<8x128xi32, #tpu.memory_space<vmem>> -> memref<1x128xi32, #tpu.memory_space<vmem>>
      %dma_wait3A_1623 = tpu.memref_squeeze %dma_wait3A_1622 : memref<1x128xi32, #tpu.memory_space<vmem>> -> memref<128xi32, #tpu.memory_space<vmem>>
      %dma_wait3A_1624 = tpu.memref_slice %arg4[%add3A_1545] : memref<16384xi32, #tpu.memory_space<hbm>> -> memref<128xi32, #tpu.memory_space<hbm>>
      %dma_wait3A_1625 = arith.constant 0 : i32
      %dma_wait3A_1626 = tpu.memref_slice %arg6[%dma_wait3A_1620, %dma_wait3A_1625] : memref<8x128xi32, #tpu.memory_space<vmem>> -> memref<1x128xi32, #tpu.memory_space<vmem>>
      %dma_wait3A_1627 = tpu.memref_squeeze %dma_wait3A_1626 : memref<1x128xi32, #tpu.memory_space<vmem>> -> memref<128xi32, #tpu.memory_space<vmem>>
      %dma_wait3A_1628 = tpu.memref_slice %arg4[%add3A_1545] : memref<16384xi32, #tpu.memory_space<hbm>> -> memref<128xi32, #tpu.memory_space<hbm>>
      tpu.wait_dma2 semaphore(%arg9 : memref<!tpu.dma_semaphore, #tpu.memory_space<semaphore_mem>>) src(%dma_wait3A_1628 : memref<128xi32, #tpu.memory_space<hbm>>) dst(%dma_wait3A_1627 : memref<128xi32, #tpu.memory_space<vmem>>)
      %dma_wait3A_1629 = arith.constant 7 : i32
      %dma_wait3A_1630 = arith.constant 0 : i32
      %dma_wait3A_1631 = tpu.memref_slice %arg6[%dma_wait3A_1629, %dma_wait3A_1630] : memref<8x128xi32, #tpu.memory_space<vmem>> -> memref<1x128xi32, #tpu.memory_space<vmem>>
      %dma_wait3A_1632 = tpu.memref_squeeze %dma_wait3A_1631 : memref<1x128xi32, #tpu.memory_space<vmem>> -> memref<128xi32, #tpu.memory_space<vmem>>
      %dma_wait3A_1633 = tpu.memref_slice %arg4[%add3A_1556] : memref<16384xi32, #tpu.memory_space<hbm>> -> memref<128xi32, #tpu.memory_space<hbm>>
      %dma_wait3A_1634 = arith.constant 0 : i32
      %dma_wait3A_1635 = tpu.memref_slice %arg6[%dma_wait3A_1629, %dma_wait3A_1634] : memref<8x128xi32, #tpu.memory_space<vmem>> -> memref<1x128xi32, #tpu.memory_space<vmem>>
      %dma_wait3A_1636 = tpu.memref_squeeze %dma_wait3A_1635 : memref<1x128xi32, #tpu.memory_space<vmem>> -> memref<128xi32, #tpu.memory_space<vmem>>
      %dma_wait3A_1637 = tpu.memref_slice %arg4[%add3A_1556] : memref<16384xi32, #tpu.memory_space<hbm>> -> memref<128xi32, #tpu.memory_space<hbm>>
      tpu.wait_dma2 semaphore(%arg9 : memref<!tpu.dma_semaphore, #tpu.memory_space<semaphore_mem>>) src(%dma_wait3A_1637 : memref<128xi32, #tpu.memory_space<hbm>>) dst(%dma_wait3A_1636 : memref<128xi32, #tpu.memory_space<vmem>>)
    } else {
    }
    %get3A = arith.constant 0 : i32
    %get3A_14 = arith.index_cast %get3A : i32 to index
    %get3A_15 = arith.constant 0 : index
    %get3A_16 = tpu.vector_load %arg6[%get3A_14, %get3A_15] {strides = array<i32>} : memref<8x128xi32, #tpu.memory_space<vmem>>, vector<1x16xi32>,
    %get3A_17 = vector.shape_cast %get3A_16 : vector<1x16xi32> to vector<16xi32>
    %shift_right_arithmetic3A = arith.constant 13 : i32
    %shift_right_arithmetic3A_18 = vector.broadcast %shift_right_arithmetic3A : i32 to vector<16xi32>
    %shift_right_arithmetic3A_19 = arith.shrsi %get3A_17, %shift_right_arithmetic3A_18 : vector<16xi32>
    %shift_left3A = arith.constant 12 : i32
    %shift_left3A_20 = vector.broadcast %shift_left3A : i32 to vector<16xi32>
    %shift_left3A_21 = arith.shli %shift_right_arithmetic3A_19, %shift_left3A_20 : vector<16xi32>
    %and3A = arith.constant 4095 : i32
    %and3A_22 = vector.broadcast %and3A : i32 to vector<16xi32>
    %and3A_23 = arith.andi %get3A_17, %and3A_22 : vector<16xi32>
    %or3A = arith.ori %shift_left3A_21, %and3A_23 : vector<16xi32>
    %swap3A = arith.constant 0 : i32
    %swap3A_24 = arith.index_cast %swap3A : i32 to index
    %swap3A_25 = arith.constant 0 : index
    %swap3A_26 = tpu.vector_load %arg6[%swap3A_24, %swap3A_25] {strides = array<i32>} : memref<8x128xi32, #tpu.memory_space<vmem>>, vector<1x16xi32>,
    %swap3A_27 = vector.shape_cast %swap3A_26 : vector<1x16xi32> to vector<16xi32>
    %swap3A_28 = vector.shape_cast %or3A : vector<16xi32> to vector<1x16xi32>
    tpu.vector_store %arg6[%swap3A_24, %swap3A_25], %swap3A_28 {strides = array<i32>} : memref<8x128xi32, #tpu.memory_space<vmem>>, vector<1x16xi32>,
    %get3A_29 = arith.constant 0 : i32
    %get3A_30 = arith.index_cast %get3A_29 : i32 to index
    %get3A_31 = arith.constant 16 : index
    %get3A_32 = tpu.vector_load %arg6[%get3A_30, %get3A_31] {strides = array<i32>} : memref<8x128xi32, #tpu.memory_space<vmem>>, vector<1x16xi32>,
    %get3A_33 = vector.shape_cast %get3A_32 : vector<1x16xi32> to vector<16xi32>
    %shift_right_arithmetic3A_34 = arith.constant 13 : i32
    %shift_right_arithmetic3A_35 = vector.broadcast %shift_right_arithmetic3A_34 : i32 to vector<16xi32>
    %shift_right_arithmetic3A_36 = arith.shrsi %get3A_33, %shift_right_arithmetic3A_35 : vector<16xi32>
    %shift_left3A_37 = arith.constant 12 : i32
    %shift_left3A_38 = vector.broadcast %shift_left3A_37 : i32 to vector<16xi32>
    %shift_left3A_39 = arith.shli %shift_right_arithmetic3A_36, %shift_left3A_38 : vector<16xi32>
    %and3A_40 = arith.constant 4095 : i32
    %and3A_41 = vector.broadcast %and3A_40 : i32 to vector<16xi32>
    %and3A_42 = arith.andi %get3A_33, %and3A_41 : vector<16xi32>
    %or3A_43 = arith.ori %shift_left3A_39, %and3A_42 : vector<16xi32>
    %swap3A_44 = arith.constant 0 : i32
    %swap3A_45 = arith.index_cast %swap3A_44 : i32 to index
    %swap3A_46 = arith.constant 16 : index
    %swap3A_47 = tpu.vector_load %arg6[%swap3A_45, %swap3A_46] {strides = array<i32>} : memref<8x128xi32, #tpu.memory_space<vmem>>, vector<1x16xi32>,
    %swap3A_48 = vector.shape_cast %swap3A_47 : vector<1x16xi32> to vector<16xi32>
    %swap3A_49 = vector.shape_cast %or3A_43 : vector<16xi32> to vector<1x16xi32>
    tpu.vector_store %arg6[%swap3A_45, %swap3A_46], %swap3A_49 {strides = array<i32>} : memref<8x128xi32, #tpu.memory_space<vmem>>, vector<1x16xi32>,
    %get3A_50 = arith.constant 0 : i32
    %get3A_51 = arith.index_cast %get3A_50 : i32 to index
    %get3A_52 = arith.constant 32 : index
    %get3A_53 = tpu.vector_load %arg6[%get3A_51, %get3A_52] {strides = array<i32>} : memref<8x128xi32, #tpu.memory_space<vmem>>, vector<1x16xi32>,
    %get3A_54 = vector.shape_cast %get3A_53 : vector<1x16xi32> to vector<16xi32>
    %shift_right_arithmetic3A_55 = arith.constant 13 : i32
    %shift_right_arithmetic3A_56 = vector.broadcast %shift_right_arithmetic3A_55 : i32 to vector<16xi32>
    %shift_right_arithmetic3A_57 = arith.shrsi %get3A_54, %shift_right_arithmetic3A_56 : vector<16xi32>
    %shift_left3A_58 = arith.constant 12 : i32
    %shift_left3A_59 = vector.broadcast %shift_left3A_58 : i32 to vector<16xi32>
    %shift_left3A_60 = arith.shli %shift_right_arithmetic3A_57, %shift_left3A_59 : vector<16xi32>
    %and3A_61 = arith.constant 4095 : i32
    %and3A_62 = vector.broadcast %and3A_61 : i32 to vector<16xi32>
    %and3A_63 = arith.andi %get3A_54, %and3A_62 : vector<16xi32>
    %or3A_64 = arith.ori %shift_left3A_60, %and3A_63 : vector<16xi32>
    %swap3A_65 = arith.constant 0 : i32
    %swap3A_66 = arith.index_cast %swap3A_65 : i32 to index
    %swap3A_67 = arith.constant 32 : index
    %swap3A_68 = tpu.vector_load %arg6[%swap3A_66, %swap3A_67] {strides = array<i32>} : memref<8x128xi32, #tpu.memory_space<vmem>>, vector<1x16xi32>,
    %swap3A_69 = vector.shape_cast %swap3A_68 : vector<1x16xi32> to vector<16xi32>
    %swap3A_70 = vector.shape_cast %or3A_64 : vector<16xi32> to vector<1x16xi32>
    tpu.vector_store %arg6[%swap3A_66, %swap3A_67], %swap3A_70 {strides = array<i32>} : memref<8x128xi32, #tpu.memory_space<vmem>>, vector<1x16xi32>,
    %get3A_71 = arith.constant 0 : i32
    %get3A_72 = arith.index_cast %get3A_71 : i32 to index
    %get3A_73 = arith.constant 48 : index
    %get3A_74 = tpu.vector_load %arg6[%get3A_72, %get3A_73] {strides = array<i32>} : memref<8x128xi32, #tpu.memory_space<vmem>>, vector<1x16xi32>,
    %get3A_75 = vector.shape_cast %get3A_74 : vector<1x16xi32> to vector<16xi32>
    %shift_right_arithmetic3A_76 = arith.constant 13 : i32
    %shift_right_arithmetic3A_77 = vector.broadcast %shift_right_arithmetic3A_76 : i32 to vector<16xi32>
    %shift_right_arithmetic3A_78 = arith.shrsi %get3A_75, %shift_right_arithmetic3A_77 : vector<16xi32>
    %shift_left3A_79 = arith.constant 12 : i32
    %shift_left3A_80 = vector.broadcast %shift_left3A_79 : i32 to vector<16xi32>
    %shift_left3A_81 = arith.shli %shift_right_arithmetic3A_78, %shift_left3A_80 : vector<16xi32>
    %and3A_82 = arith.constant 4095 : i32
    %and3A_83 = vector.broadcast %and3A_82 : i32 to vector<16xi32>
    %and3A_84 = arith.andi %get3A_75, %and3A_83 : vector<16xi32>
    %or3A_85 = arith.ori %shift_left3A_81, %and3A_84 : vector<16xi32>
    %swap3A_86 = arith.constant 0 : i32
    %swap3A_87 = arith.index_cast %swap3A_86 : i32 to index
    %swap3A_88 = arith.constant 48 : index
    %swap3A_89 = tpu.vector_load %arg6[%swap3A_87, %swap3A_88] {strides = array<i32>} : memref<8x128xi32, #tpu.memory_space<vmem>>, vector<1x16xi32>,
    %swap3A_90 = vector.shape_cast %swap3A_89 : vector<1x16xi32> to vector<16xi32>
    %swap3A_91 = vector.shape_cast %or3A_85 : vector<16xi32> to vector<1x16xi32>
    tpu.vector_store %arg6[%swap3A_87, %swap3A_88], %swap3A_91 {strides = array<i32>} : memref<8x128xi32, #tpu.memory_space<vmem>>, vector<1x16xi32>,
    %get3A_92 = arith.constant 0 : i32
    %get3A_93 = arith.index_cast %get3A_92 : i32 to index
    %get3A_94 = arith.constant 64 : index
    %get3A_95 = tpu.vector_load %arg6[%get3A_93, %get3A_94] {strides = array<i32>} : memref<8x128xi32, #tpu.memory_space<vmem>>, vector<1x16xi32>,
    %get3A_96 = vector.shape_cast %get3A_95 : vector<1x16xi32> to vector<16xi32>
    %shift_right_arithmetic3A_97 = arith.constant 13 : i32
    %shift_right_arithmetic3A_98 = vector.broadcast %shift_right_arithmetic3A_97 : i32 to vector<16xi32>
    %shift_right_arithmetic3A_99 = arith.shrsi %get3A_96, %shift_right_arithmetic3A_98 : vector<16xi32>
    %shift_left3A_100 = arith.constant 12 : i32
    %shift_left3A_101 = vector.broadcast %shift_left3A_100 : i32 to vector<16xi32>
    %shift_left3A_102 = arith.shli %shift_right_arithmetic3A_99, %shift_left3A_101 : vector<16xi32>
    %and3A_103 = arith.constant 4095 : i32
    %and3A_104 = vector.broadcast %and3A_103 : i32 to vector<16xi32>
    %and3A_105 = arith.andi %get3A_96, %and3A_104 : vector<16xi32>
    %or3A_106 = arith.ori %shift_left3A_102, %and3A_105 : vector<16xi32>
    %swap3A_107 = arith.constant 0 : i32
    %swap3A_108 = arith.index_cast %swap3A_107 : i32 to index
    %swap3A_109 = arith.constant 64 : index
    %swap3A_110 = tpu.vector_load %arg6[%swap3A_108, %swap3A_109] {strides = array<i32>} : memref<8x128xi32, #tpu.memory_space<vmem>>, vector<1x16xi32>,
    %swap3A_111 = vector.shape_cast %swap3A_110 : vector<1x16xi32> to vector<16xi32>
    %swap3A_112 = vector.shape_cast %or3A_106 : vector<16xi32> to vector<1x16xi32>
    tpu.vector_store %arg6[%swap3A_108, %swap3A_109], %swap3A_112 {strides = array<i32>} : memref<8x128xi32, #tpu.memory_space<vmem>>, vector<1x16xi32>,
    %get3A_113 = arith.constant 0 : i32
    %get3A_114 = arith.index_cast %get3A_113 : i32 to index
    %get3A_115 = arith.constant 80 : index
    %get3A_116 = tpu.vector_load %arg6[%get3A_114, %get3A_115] {strides = array<i32>} : memref<8x128xi32, #tpu.memory_space<vmem>>, vector<1x16xi32>,
    %get3A_117 = vector.shape_cast %get3A_116 : vector<1x16xi32> to vector<16xi32>
    %shift_right_arithmetic3A_118 = arith.constant 13 : i32
    %shift_right_arithmetic3A_119 = vector.broadcast %shift_right_arithmetic3A_118 : i32 to vector<16xi32>
    %shift_right_arithmetic3A_120 = arith.shrsi %get3A_117, %shift_right_arithmetic3A_119 : vector<16xi32>
    %shift_left3A_121 = arith.constant 12 : i32
    %shift_left3A_122 = vector.broadcast %shift_left3A_121 : i32 to vector<16xi32>
    %shift_left3A_123 = arith.shli %shift_right_arithmetic3A_120, %shift_left3A_122 : vector<16xi32>
    %and3A_124 = arith.constant 4095 : i32
    %and3A_125 = vector.broadcast %and3A_124 : i32 to vector<16xi32>
    %and3A_126 = arith.andi %get3A_117, %and3A_125 : vector<16xi32>
    %or3A_127 = arith.ori %shift_left3A_123, %and3A_126 : vector<16xi32>
    %swap3A_128 = arith.constant 0 : i32
    %swap3A_129 = arith.index_cast %swap3A_128 : i32 to index
    %swap3A_130 = arith.constant 80 : index
    %swap3A_131 = tpu.vector_load %arg6[%swap3A_129, %swap3A_130] {strides = array<i32>} : memref<8x128xi32, #tpu.memory_space<vmem>>, vector<1x16xi32>,
    %swap3A_132 = vector.shape_cast %swap3A_131 : vector<1x16xi32> to vector<16xi32>
    %swap3A_133 = vector.shape_cast %or3A_127 : vector<16xi32> to vector<1x16xi32>
    tpu.vector_store %arg6[%swap3A_129, %swap3A_130], %swap3A_133 {strides = array<i32>} : memref<8x128xi32, #tpu.memory_space<vmem>>, vector<1x16xi32>,
    %get3A_134 = arith.constant 0 : i32
    %get3A_135 = arith.index_cast %get3A_134 : i32 to index
    %get3A_136 = arith.constant 96 : index
    %get3A_137 = tpu.vector_load %arg6[%get3A_135, %get3A_136] {strides = array<i32>} : memref<8x128xi32, #tpu.memory_space<vmem>>, vector<1x16xi32>,
    %get3A_138 = vector.shape_cast %get3A_137 : vector<1x16xi32> to vector<16xi32>
    %shift_right_arithmetic3A_139 = arith.constant 13 : i32
    %shift_right_arithmetic3A_140 = vector.broadcast %shift_right_arithmetic3A_139 : i32 to vector<16xi32>
    %shift_right_arithmetic3A_141 = arith.shrsi %get3A_138, %shift_right_arithmetic3A_140 : vector<16xi32>
    %shift_left3A_142 = arith.constant 12 : i32
    %shift_left3A_143 = vector.broadcast %shift_left3A_142 : i32 to vector<16xi32>
    %shift_left3A_144 = arith.shli %shift_right_arithmetic3A_141, %shift_left3A_143 : vector<16xi32>
    %and3A_145 = arith.constant 4095 : i32
    %and3A_146 = vector.broadcast %and3A_145 : i32 to vector<16xi32>
    %and3A_147 = arith.andi %get3A_138, %and3A_146 : vector<16xi32>
    %or3A_148 = arith.ori %shift_left3A_144, %and3A_147 : vector<16xi32>
    %swap3A_149 = arith.constant 0 : i32
    %swap3A_150 = arith.index_cast %swap3A_149 : i32 to index
    %swap3A_151 = arith.constant 96 : index
    %swap3A_152 = tpu.vector_load %arg6[%swap3A_150, %swap3A_151] {strides = array<i32>} : memref<8x128xi32, #tpu.memory_space<vmem>>, vector<1x16xi32>,
    %swap3A_153 = vector.shape_cast %swap3A_152 : vector<1x16xi32> to vector<16xi32>
    %swap3A_154 = vector.shape_cast %or3A_148 : vector<16xi32> to vector<1x16xi32>
    tpu.vector_store %arg6[%swap3A_150, %swap3A_151], %swap3A_154 {strides = array<i32>} : memref<8x128xi32, #tpu.memory_space<vmem>>, vector<1x16xi32>,
    %get3A_155 = arith.constant 0 : i32
    %get3A_156 = arith.index_cast %get3A_155 : i32 to index
    %get3A_157 = arith.constant 112 : index
    %get3A_158 = tpu.vector_load %arg6[%get3A_156, %get3A_157] {strides = array<i32>} : memref<8x128xi32, #tpu.memory_space<vmem>>, vector<1x16xi32>,
    %get3A_159 = vector.shape_cast %get3A_158 : vector<1x16xi32> to vector<16xi32>
    %shift_right_arithmetic3A_160 = arith.constant 13 : i32
    %shift_right_arithmetic3A_161 = vector.broadcast %shift_right_arithmetic3A_160 : i32 to vector<16xi32>
    %shift_right_arithmetic3A_162 = arith.shrsi %get3A_159, %shift_right_arithmetic3A_161 : vector<16xi32>
    %shift_left3A_163 = arith.constant 12 : i32
    %shift_left3A_164 = vector.broadcast %shift_left3A_163 : i32 to vector<16xi32>
    %shift_left3A_165 = arith.shli %shift_right_arithmetic3A_162, %shift_left3A_164 : vector<16xi32>
    %and3A_166 = arith.constant 4095 : i32
    %and3A_167 = vector.broadcast %and3A_166 : i32 to vector<16xi32>
    %and3A_168 = arith.andi %get3A_159, %and3A_167 : vector<16xi32>
    %or3A_169 = arith.ori %shift_left3A_165, %and3A_168 : vector<16xi32>
    %swap3A_170 = arith.constant 0 : i32
    %swap3A_171 = arith.index_cast %swap3A_170 : i32 to index
    %swap3A_172 = arith.constant 112 : index
    %swap3A_173 = tpu.vector_load %arg6[%swap3A_171, %swap3A_172] {strides = array<i32>} : memref<8x128xi32, #tpu.memory_space<vmem>>, vector<1x16xi32>,
    %swap3A_174 = vector.shape_cast %swap3A_173 : vector<1x16xi32> to vector<16xi32>
    %swap3A_175 = vector.shape_cast %or3A_169 : vector<16xi32> to vector<1x16xi32>
    tpu.vector_store %arg6[%swap3A_171, %swap3A_172], %swap3A_175 {strides = array<i32>} : memref<8x128xi32, #tpu.memory_space<vmem>>, vector<1x16xi32>,
    %get3A_176 = arith.constant 1 : i32
    %get3A_177 = arith.index_cast %get3A_176 : i32 to index
    %get3A_178 = arith.constant 0 : index
    %get3A_179 = tpu.vector_load %arg6[%get3A_177, %get3A_178] {strides = array<i32>} : memref<8x128xi32, #tpu.memory_space<vmem>>, vector<1x16xi32>,
    %get3A_180 = vector.shape_cast %get3A_179 : vector<1x16xi32> to vector<16xi32>
    %shift_right_arithmetic3A_181 = arith.constant 13 : i32
    %shift_right_arithmetic3A_182 = vector.broadcast %shift_right_arithmetic3A_181 : i32 to vector<16xi32>
    %shift_right_arithmetic3A_183 = arith.shrsi %get3A_180, %shift_right_arithmetic3A_182 : vector<16xi32>
    %shift_left3A_184 = arith.constant 12 : i32
    %shift_left3A_185 = vector.broadcast %shift_left3A_184 : i32 to vector<16xi32>
    %shift_left3A_186 = arith.shli %shift_right_arithmetic3A_183, %shift_left3A_185 : vector<16xi32>
    %and3A_187 = arith.constant 4095 : i32
    %and3A_188 = vector.broadcast %and3A_187 : i32 to vector<16xi32>
    %and3A_189 = arith.andi %get3A_180, %and3A_188 : vector<16xi32>
    %or3A_190 = arith.ori %shift_left3A_186, %and3A_189 : vector<16xi32>
    %swap3A_191 = arith.constant 1 : i32
    %swap3A_192 = arith.index_cast %swap3A_191 : i32 to index
    %swap3A_193 = arith.constant 0 : index
    %swap3A_194 = tpu.vector_load %arg6[%swap3A_192, %swap3A_193] {strides = array<i32>} : memref<8x128xi32, #tpu.memory_space<vmem>>, vector<1x16xi32>,
    %swap3A_195 = vector.shape_cast %swap3A_194 : vector<1x16xi32> to vector<16xi32>
    %swap3A_196 = vector.shape_cast %or3A_190 : vector<16xi32> to vector<1x16xi32>
    tpu.vector_store %arg6[%swap3A_192, %swap3A_193], %swap3A_196 {strides = array<i32>} : memref<8x128xi32, #tpu.memory_space<vmem>>, vector<1x16xi32>,
    %get3A_197 = arith.constant 1 : i32
    %get3A_198 = arith.index_cast %get3A_197 : i32 to index
    %get3A_199 = arith.constant 16 : index
    %get3A_200 = tpu.vector_load %arg6[%get3A_198, %get3A_199] {strides = array<i32>} : memref<8x128xi32, #tpu.memory_space<vmem>>, vector<1x16xi32>,
    %get3A_201 = vector.shape_cast %get3A_200 : vector<1x16xi32> to vector<16xi32>
    %shift_right_arithmetic3A_202 = arith.constant 13 : i32
    %shift_right_arithmetic3A_203 = vector.broadcast %shift_right_arithmetic3A_202 : i32 to vector<16xi32>
    %shift_right_arithmetic3A_204 = arith.shrsi %get3A_201, %shift_right_arithmetic3A_203 : vector<16xi32>
    %shift_left3A_205 = arith.constant 12 : i32
    %shift_left3A_206 = vector.broadcast %shift_left3A_205 : i32 to vector<16xi32>
    %shift_left3A_207 = arith.shli %shift_right_arithmetic3A_204, %shift_left3A_206 : vector<16xi32>
    %and3A_208 = arith.constant 4095 : i32
    %and3A_209 = vector.broadcast %and3A_208 : i32 to vector<16xi32>
    %and3A_210 = arith.andi %get3A_201, %and3A_209 : vector<16xi32>
    %or3A_211 = arith.ori %shift_left3A_207, %and3A_210 : vector<16xi32>
    %swap3A_212 = arith.constant 1 : i32
    %swap3A_213 = arith.index_cast %swap3A_212 : i32 to index
    %swap3A_214 = arith.constant 16 : index
    %swap3A_215 = tpu.vector_load %arg6[%swap3A_213, %swap3A_214] {strides = array<i32>} : memref<8x128xi32, #tpu.memory_space<vmem>>, vector<1x16xi32>,
    %swap3A_216 = vector.shape_cast %swap3A_215 : vector<1x16xi32> to vector<16xi32>
    %swap3A_217 = vector.shape_cast %or3A_211 : vector<16xi32> to vector<1x16xi32>
    tpu.vector_store %arg6[%swap3A_213, %swap3A_214], %swap3A_217 {strides = array<i32>} : memref<8x128xi32, #tpu.memory_space<vmem>>, vector<1x16xi32>,
    %get3A_218 = arith.constant 1 : i32
    %get3A_219 = arith.index_cast %get3A_218 : i32 to index
    %get3A_220 = arith.constant 32 : index
    %get3A_221 = tpu.vector_load %arg6[%get3A_219, %get3A_220] {strides = array<i32>} : memref<8x128xi32, #tpu.memory_space<vmem>>, vector<1x16xi32>,
    %get3A_222 = vector.shape_cast %get3A_221 : vector<1x16xi32> to vector<16xi32>
    %shift_right_arithmetic3A_223 = arith.constant 13 : i32
    %shift_right_arithmetic3A_224 = vector.broadcast %shift_right_arithmetic3A_223 : i32 to vector<16xi32>
    %shift_right_arithmetic3A_225 = arith.shrsi %get3A_222, %shift_right_arithmetic3A_224 : vector<16xi32>
    %shift_left3A_226 = arith.constant 12 : i32
    %shift_left3A_227 = vector.broadcast %shift_left3A_226 : i32 to vector<16xi32>
    %shift_left3A_228 = arith.shli %shift_right_arithmetic3A_225, %shift_left3A_227 : vector<16xi32>
    %and3A_229 = arith.constant 4095 : i32
    %and3A_230 = vector.broadcast %and3A_229 : i32 to vector<16xi32>
    %and3A_231 = arith.andi %get3A_222, %and3A_230 : vector<16xi32>
    %or3A_232 = arith.ori %shift_left3A_228, %and3A_231 : vector<16xi32>
    %swap3A_233 = arith.constant 1 : i32
    %swap3A_234 = arith.index_cast %swap3A_233 : i32 to index
    %swap3A_235 = arith.constant 32 : index
    %swap3A_236 = tpu.vector_load %arg6[%swap3A_234, %swap3A_235] {strides = array<i32>} : memref<8x128xi32, #tpu.memory_space<vmem>>, vector<1x16xi32>,
    %swap3A_237 = vector.shape_cast %swap3A_236 : vector<1x16xi32> to vector<16xi32>
    %swap3A_238 = vector.shape_cast %or3A_232 : vector<16xi32> to vector<1x16xi32>
    tpu.vector_store %arg6[%swap3A_234, %swap3A_235], %swap3A_238 {strides = array<i32>} : memref<8x128xi32, #tpu.memory_space<vmem>>, vector<1x16xi32>,
    %get3A_239 = arith.constant 1 : i32
    %get3A_240 = arith.index_cast %get3A_239 : i32 to index
    %get3A_241 = arith.constant 48 : index
    %get3A_242 = tpu.vector_load %arg6[%get3A_240, %get3A_241] {strides = array<i32>} : memref<8x128xi32, #tpu.memory_space<vmem>>, vector<1x16xi32>,
    %get3A_243 = vector.shape_cast %get3A_242 : vector<1x16xi32> to vector<16xi32>
    %shift_right_arithmetic3A_244 = arith.constant 13 : i32
    %shift_right_arithmetic3A_245 = vector.broadcast %shift_right_arithmetic3A_244 : i32 to vector<16xi32>
    %shift_right_arithmetic3A_246 = arith.shrsi %get3A_243, %shift_right_arithmetic3A_245 : vector<16xi32>
    %shift_left3A_247 = arith.constant 12 : i32
    %shift_left3A_248 = vector.broadcast %shift_left3A_247 : i32 to vector<16xi32>
    %shift_left3A_249 = arith.shli %shift_right_arithmetic3A_246, %shift_left3A_248 : vector<16xi32>
    %and3A_250 = arith.constant 4095 : i32
    %and3A_251 = vector.broadcast %and3A_250 : i32 to vector<16xi32>
    %and3A_252 = arith.andi %get3A_243, %and3A_251 : vector<16xi32>
    %or3A_253 = arith.ori %shift_left3A_249, %and3A_252 : vector<16xi32>
    %swap3A_254 = arith.constant 1 : i32
    %swap3A_255 = arith.index_cast %swap3A_254 : i32 to index
    %swap3A_256 = arith.constant 48 : index
    %swap3A_257 = tpu.vector_load %arg6[%swap3A_255, %swap3A_256] {strides = array<i32>} : memref<8x128xi32, #tpu.memory_space<vmem>>, vector<1x16xi32>,
    %swap3A_258 = vector.shape_cast %swap3A_257 : vector<1x16xi32> to vector<16xi32>
    %swap3A_259 = vector.shape_cast %or3A_253 : vector<16xi32> to vector<1x16xi32>
    tpu.vector_store %arg6[%swap3A_255, %swap3A_256], %swap3A_259 {strides = array<i32>} : memref<8x128xi32, #tpu.memory_space<vmem>>, vector<1x16xi32>,
    %get3A_260 = arith.constant 1 : i32
    %get3A_261 = arith.index_cast %get3A_260 : i32 to index
    %get3A_262 = arith.constant 64 : index
    %get3A_263 = tpu.vector_load %arg6[%get3A_261, %get3A_262] {strides = array<i32>} : memref<8x128xi32, #tpu.memory_space<vmem>>, vector<1x16xi32>,
    %get3A_264 = vector.shape_cast %get3A_263 : vector<1x16xi32> to vector<16xi32>
    %shift_right_arithmetic3A_265 = arith.constant 13 : i32
    %shift_right_arithmetic3A_266 = vector.broadcast %shift_right_arithmetic3A_265 : i32 to vector<16xi32>
    %shift_right_arithmetic3A_267 = arith.shrsi %get3A_264, %shift_right_arithmetic3A_266 : vector<16xi32>
    %shift_left3A_268 = arith.constant 12 : i32
    %shift_left3A_269 = vector.broadcast %shift_left3A_268 : i32 to vector<16xi32>
    %shift_left3A_270 = arith.shli %shift_right_arithmetic3A_267, %shift_left3A_269 : vector<16xi32>
    %and3A_271 = arith.constant 4095 : i32
    %and3A_272 = vector.broadcast %and3A_271 : i32 to vector<16xi32>
    %and3A_273 = arith.andi %get3A_264, %and3A_272 : vector<16xi32>
    %or3A_274 = arith.ori %shift_left3A_270, %and3A_273 : vector<16xi32>
    %swap3A_275 = arith.constant 1 : i32
    %swap3A_276 = arith.index_cast %swap3A_275 : i32 to index
    %swap3A_277 = arith.constant 64 : index
    %swap3A_278 = tpu.vector_load %arg6[%swap3A_276, %swap3A_277] {strides = array<i32>} : memref<8x128xi32, #tpu.memory_space<vmem>>, vector<1x16xi32>,
    %swap3A_279 = vector.shape_cast %swap3A_278 : vector<1x16xi32> to vector<16xi32>
    %swap3A_280 = vector.shape_cast %or3A_274 : vector<16xi32> to vector<1x16xi32>
    tpu.vector_store %arg6[%swap3A_276, %swap3A_277], %swap3A_280 {strides = array<i32>} : memref<8x128xi32, #tpu.memory_space<vmem>>, vector<1x16xi32>,
    %get3A_281 = arith.constant 1 : i32
    %get3A_282 = arith.index_cast %get3A_281 : i32 to index
    %get3A_283 = arith.constant 80 : index
    %get3A_284 = tpu.vector_load %arg6[%get3A_282, %get3A_283] {strides = array<i32>} : memref<8x128xi32, #tpu.memory_space<vmem>>, vector<1x16xi32>,
    %get3A_285 = vector.shape_cast %get3A_284 : vector<1x16xi32> to vector<16xi32>
    %shift_right_arithmetic3A_286 = arith.constant 13 : i32
    %shift_right_arithmetic3A_287 = vector.broadcast %shift_right_arithmetic3A_286 : i32 to vector<16xi32>
    %shift_right_arithmetic3A_288 = arith.shrsi %get3A_285, %shift_right_arithmetic3A_287 : vector<16xi32>
    %shift_left3A_289 = arith.constant 12 : i32
    %shift_left3A_290 = vector.broadcast %shift_left3A_289 : i32 to vector<16xi32>
    %shift_left3A_291 = arith.shli %shift_right_arithmetic3A_288, %shift_left3A_290 : vector<16xi32>
    %and3A_292 = arith.constant 4095 : i32
    %and3A_293 = vector.broadcast %and3A_292 : i32 to vector<16xi32>
    %and3A_294 = arith.andi %get3A_285, %and3A_293 : vector<16xi32>
    %or3A_295 = arith.ori %shift_left3A_291, %and3A_294 : vector<16xi32>
    %swap3A_296 = arith.constant 1 : i32
    %swap3A_297 = arith.index_cast %swap3A_296 : i32 to index
    %swap3A_298 = arith.constant 80 : index
    %swap3A_299 = tpu.vector_load %arg6[%swap3A_297, %swap3A_298] {strides = array<i32>} : memref<8x128xi32, #tpu.memory_space<vmem>>, vector<1x16xi32>,
    %swap3A_300 = vector.shape_cast %swap3A_299 : vector<1x16xi32> to vector<16xi32>
    %swap3A_301 = vector.shape_cast %or3A_295 : vector<16xi32> to vector<1x16xi32>
    tpu.vector_store %arg6[%swap3A_297, %swap3A_298], %swap3A_301 {strides = array<i32>} : memref<8x128xi32, #tpu.memory_space<vmem>>, vector<1x16xi32>,
    %get3A_302 = arith.constant 1 : i32
    %get3A_303 = arith.index_cast %get3A_302 : i32 to index
    %get3A_304 = arith.constant 96 : index
    %get3A_305 = tpu.vector_load %arg6[%get3A_303, %get3A_304] {strides = array<i32>} : memref<8x128xi32, #tpu.memory_space<vmem>>, vector<1x16xi32>,
    %get3A_306 = vector.shape_cast %get3A_305 : vector<1x16xi32> to vector<16xi32>
    %shift_right_arithmetic3A_307 = arith.constant 13 : i32
    %shift_right_arithmetic3A_308 = vector.broadcast %shift_right_arithmetic3A_307 : i32 to vector<16xi32>
    %shift_right_arithmetic3A_309 = arith.shrsi %get3A_306, %shift_right_arithmetic3A_308 : vector<16xi32>
    %shift_left3A_310 = arith.constant 12 : i32
    %shift_left3A_311 = vector.broadcast %shift_left3A_310 : i32 to vector<16xi32>
    %shift_left3A_312 = arith.shli %shift_right_arithmetic3A_309, %shift_left3A_311 : vector<16xi32>
    %and3A_313 = arith.constant 4095 : i32
    %and3A_314 = vector.broadcast %and3A_313 : i32 to vector<16xi32>
    %and3A_315 = arith.andi %get3A_306, %and3A_314 : vector<16xi32>
    %or3A_316 = arith.ori %shift_left3A_312, %and3A_315 : vector<16xi32>
    %swap3A_317 = arith.constant 1 : i32
    %swap3A_318 = arith.index_cast %swap3A_317 : i32 to index
    %swap3A_319 = arith.constant 96 : index
    %swap3A_320 = tpu.vector_load %arg6[%swap3A_318, %swap3A_319] {strides = array<i32>} : memref<8x128xi32, #tpu.memory_space<vmem>>, vector<1x16xi32>,
    %swap3A_321 = vector.shape_cast %swap3A_320 : vector<1x16xi32> to vector<16xi32>
    %swap3A_322 = vector.shape_cast %or3A_316 : vector<16xi32> to vector<1x16xi32>
    tpu.vector_store %arg6[%swap3A_318, %swap3A_319], %swap3A_322 {strides = array<i32>} : memref<8x128xi32, #tpu.memory_space<vmem>>, vector<1x16xi32>,
    %get3A_323 = arith.constant 1 : i32
    %get3A_324 = arith.index_cast %get3A_323 : i32 to index
    %get3A_325 = arith.constant 112 : index
    %get3A_326 = tpu.vector_load %arg6[%get3A_324, %get3A_325] {strides = array<i32>} : memref<8x128xi32, #tpu.memory_space<vmem>>, vector<1x16xi32>,
    %get3A_327 = vector.shape_cast %get3A_326 : vector<1x16xi32> to vector<16xi32>
    %shift_right_arithmetic3A_328 = arith.constant 13 : i32
    %shift_right_arithmetic3A_329 = vector.broadcast %shift_right_arithmetic3A_328 : i32 to vector<16xi32>
    %shift_right_arithmetic3A_330 = arith.shrsi %get3A_327, %shift_right_arithmetic3A_329 : vector<16xi32>
    %shift_left3A_331 = arith.constant 12 : i32
    %shift_left3A_332 = vector.broadcast %shift_left3A_331 : i32 to vector<16xi32>
    %shift_left3A_333 = arith.shli %shift_right_arithmetic3A_330, %shift_left3A_332 : vector<16xi32>
    %and3A_334 = arith.constant 4095 : i32
    %and3A_335 = vector.broadcast %and3A_334 : i32 to vector<16xi32>
    %and3A_336 = arith.andi %get3A_327, %and3A_335 : vector<16xi32>
    %or3A_337 = arith.ori %shift_left3A_333, %and3A_336 : vector<16xi32>
    %swap3A_338 = arith.constant 1 : i32
    %swap3A_339 = arith.index_cast %swap3A_338 : i32 to index
    %swap3A_340 = arith.constant 112 : index
    %swap3A_341 = tpu.vector_load %arg6[%swap3A_339, %swap3A_340] {strides = array<i32>} : memref<8x128xi32, #tpu.memory_space<vmem>>, vector<1x16xi32>,
    %swap3A_342 = vector.shape_cast %swap3A_341 : vector<1x16xi32> to vector<16xi32>
    %swap3A_343 = vector.shape_cast %or3A_337 : vector<16xi32> to vector<1x16xi32>
    tpu.vector_store %arg6[%swap3A_339, %swap3A_340], %swap3A_343 {strides = array<i32>} : memref<8x128xi32, #tpu.memory_space<vmem>>, vector<1x16xi32>,
    %get3A_344 = arith.constant 2 : i32
    %get3A_345 = arith.index_cast %get3A_344 : i32 to index
    %get3A_346 = arith.constant 0 : index
    %get3A_347 = tpu.vector_load %arg6[%get3A_345, %get3A_346] {strides = array<i32>} : memref<8x128xi32, #tpu.memory_space<vmem>>, vector<1x16xi32>,
    %get3A_348 = vector.shape_cast %get3A_347 : vector<1x16xi32> to vector<16xi32>
    %shift_right_arithmetic3A_349 = arith.constant 13 : i32
    %shift_right_arithmetic3A_350 = vector.broadcast %shift_right_arithmetic3A_349 : i32 to vector<16xi32>
    %shift_right_arithmetic3A_351 = arith.shrsi %get3A_348, %shift_right_arithmetic3A_350 : vector<16xi32>
    %shift_left3A_352 = arith.constant 12 : i32
    %shift_left3A_353 = vector.broadcast %shift_left3A_352 : i32 to vector<16xi32>
    %shift_left3A_354 = arith.shli %shift_right_arithmetic3A_351, %shift_left3A_353 : vector<16xi32>
    %and3A_355 = arith.constant 4095 : i32
    %and3A_356 = vector.broadcast %and3A_355 : i32 to vector<16xi32>
    %and3A_357 = arith.andi %get3A_348, %and3A_356 : vector<16xi32>
    %or3A_358 = arith.ori %shift_left3A_354, %and3A_357 : vector<16xi32>
    %swap3A_359 = arith.constant 2 : i32
    %swap3A_360 = arith.index_cast %swap3A_359 : i32 to index
    %swap3A_361 = arith.constant 0 : index
    %swap3A_362 = tpu.vector_load %arg6[%swap3A_360, %swap3A_361] {strides = array<i32>} : memref<8x128xi32, #tpu.memory_space<vmem>>, vector<1x16xi32>,
    %swap3A_363 = vector.shape_cast %swap3A_362 : vector<1x16xi32> to vector<16xi32>
    %swap3A_364 = vector.shape_cast %or3A_358 : vector<16xi32> to vector<1x16xi32>
    tpu.vector_store %arg6[%swap3A_360, %swap3A_361], %swap3A_364 {strides = array<i32>} : memref<8x128xi32, #tpu.memory_space<vmem>>, vector<1x16xi32>,
    %get3A_365 = arith.constant 2 : i32
    %get3A_366 = arith.index_cast %get3A_365 : i32 to index
    %get3A_367 = arith.constant 16 : index
    %get3A_368 = tpu.vector_load %arg6[%get3A_366, %get3A_367] {strides = array<i32>} : memref<8x128xi32, #tpu.memory_space<vmem>>, vector<1x16xi32>,
    %get3A_369 = vector.shape_cast %get3A_368 : vector<1x16xi32> to vector<16xi32>
    %shift_right_arithmetic3A_370 = arith.constant 13 : i32
    %shift_right_arithmetic3A_371 = vector.broadcast %shift_right_arithmetic3A_370 : i32 to vector<16xi32>
    %shift_right_arithmetic3A_372 = arith.shrsi %get3A_369, %shift_right_arithmetic3A_371 : vector<16xi32>
    %shift_left3A_373 = arith.constant 12 : i32
    %shift_left3A_374 = vector.broadcast %shift_left3A_373 : i32 to vector<16xi32>
    %shift_left3A_375 = arith.shli %shift_right_arithmetic3A_372, %shift_left3A_374 : vector<16xi32>
    %and3A_376 = arith.constant 4095 : i32
    %and3A_377 = vector.broadcast %and3A_376 : i32 to vector<16xi32>
    %and3A_378 = arith.andi %get3A_369, %and3A_377 : vector<16xi32>
    %or3A_379 = arith.ori %shift_left3A_375, %and3A_378 : vector<16xi32>
    %swap3A_380 = arith.constant 2 : i32
    %swap3A_381 = arith.index_cast %swap3A_380 : i32 to index
    %swap3A_382 = arith.constant 16 : index
    %swap3A_383 = tpu.vector_load %arg6[%swap3A_381, %swap3A_382] {strides = array<i32>} : memref<8x128xi32, #tpu.memory_space<vmem>>, vector<1x16xi32>,
    %swap3A_384 = vector.shape_cast %swap3A_383 : vector<1x16xi32> to vector<16xi32>
    %swap3A_385 = vector.shape_cast %or3A_379 : vector<16xi32> to vector<1x16xi32>
    tpu.vector_store %arg6[%swap3A_381, %swap3A_382], %swap3A_385 {strides = array<i32>} : memref<8x128xi32, #tpu.memory_space<vmem>>, vector<1x16xi32>,
    %get3A_386 = arith.constant 2 : i32
    %get3A_387 = arith.index_cast %get3A_386 : i32 to index
    %get3A_388 = arith.constant 32 : index
    %get3A_389 = tpu.vector_load %arg6[%get3A_387, %get3A_388] {strides = array<i32>} : memref<8x128xi32, #tpu.memory_space<vmem>>, vector<1x16xi32>,
    %get3A_390 = vector.shape_cast %get3A_389 : vector<1x16xi32> to vector<16xi32>
    %shift_right_arithmetic3A_391 = arith.constant 13 : i32
    %shift_right_arithmetic3A_392 = vector.broadcast %shift_right_arithmetic3A_391 : i32 to vector<16xi32>
    %shift_right_arithmetic3A_393 = arith.shrsi %get3A_390, %shift_right_arithmetic3A_392 : vector<16xi32>
    %shift_left3A_394 = arith.constant 12 : i32
    %shift_left3A_395 = vector.broadcast %shift_left3A_394 : i32 to vector<16xi32>
    %shift_left3A_396 = arith.shli %shift_right_arithmetic3A_393, %shift_left3A_395 : vector<16xi32>
    %and3A_397 = arith.constant 4095 : i32
    %and3A_398 = vector.broadcast %and3A_397 : i32 to vector<16xi32>
    %and3A_399 = arith.andi %get3A_390, %and3A_398 : vector<16xi32>
    %or3A_400 = arith.ori %shift_left3A_396, %and3A_399 : vector<16xi32>
    %swap3A_401 = arith.constant 2 : i32
    %swap3A_402 = arith.index_cast %swap3A_401 : i32 to index
    %swap3A_403 = arith.constant 32 : index
    %swap3A_404 = tpu.vector_load %arg6[%swap3A_402, %swap3A_403] {strides = array<i32>} : memref<8x128xi32, #tpu.memory_space<vmem>>, vector<1x16xi32>,
    %swap3A_405 = vector.shape_cast %swap3A_404 : vector<1x16xi32> to vector<16xi32>
    %swap3A_406 = vector.shape_cast %or3A_400 : vector<16xi32> to vector<1x16xi32>
    tpu.vector_store %arg6[%swap3A_402, %swap3A_403], %swap3A_406 {strides = array<i32>} : memref<8x128xi32, #tpu.memory_space<vmem>>, vector<1x16xi32>,
    %get3A_407 = arith.constant 2 : i32
    %get3A_408 = arith.index_cast %get3A_407 : i32 to index
    %get3A_409 = arith.constant 48 : index
    %get3A_410 = tpu.vector_load %arg6[%get3A_408, %get3A_409] {strides = array<i32>} : memref<8x128xi32, #tpu.memory_space<vmem>>, vector<1x16xi32>,
    %get3A_411 = vector.shape_cast %get3A_410 : vector<1x16xi32> to vector<16xi32>
    %shift_right_arithmetic3A_412 = arith.constant 13 : i32
    %shift_right_arithmetic3A_413 = vector.broadcast %shift_right_arithmetic3A_412 : i32 to vector<16xi32>
    %shift_right_arithmetic3A_414 = arith.shrsi %get3A_411, %shift_right_arithmetic3A_413 : vector<16xi32>
    %shift_left3A_415 = arith.constant 12 : i32
    %shift_left3A_416 = vector.broadcast %shift_left3A_415 : i32 to vector<16xi32>
    %shift_left3A_417 = arith.shli %shift_right_arithmetic3A_414, %shift_left3A_416 : vector<16xi32>
    %and3A_418 = arith.constant 4095 : i32
    %and3A_419 = vector.broadcast %and3A_418 : i32 to vector<16xi32>
    %and3A_420 = arith.andi %get3A_411, %and3A_419 : vector<16xi32>
    %or3A_421 = arith.ori %shift_left3A_417, %and3A_420 : vector<16xi32>
    %swap3A_422 = arith.constant 2 : i32
    %swap3A_423 = arith.index_cast %swap3A_422 : i32 to index
    %swap3A_424 = arith.constant 48 : index
    %swap3A_425 = tpu.vector_load %arg6[%swap3A_423, %swap3A_424] {strides = array<i32>} : memref<8x128xi32, #tpu.memory_space<vmem>>, vector<1x16xi32>,
    %swap3A_426 = vector.shape_cast %swap3A_425 : vector<1x16xi32> to vector<16xi32>
    %swap3A_427 = vector.shape_cast %or3A_421 : vector<16xi32> to vector<1x16xi32>
    tpu.vector_store %arg6[%swap3A_423, %swap3A_424], %swap3A_427 {strides = array<i32>} : memref<8x128xi32, #tpu.memory_space<vmem>>, vector<1x16xi32>,
    %get3A_428 = arith.constant 2 : i32
    %get3A_429 = arith.index_cast %get3A_428 : i32 to index
    %get3A_430 = arith.constant 64 : index
    %get3A_431 = tpu.vector_load %arg6[%get3A_429, %get3A_430] {strides = array<i32>} : memref<8x128xi32, #tpu.memory_space<vmem>>, vector<1x16xi32>,
    %get3A_432 = vector.shape_cast %get3A_431 : vector<1x16xi32> to vector<16xi32>
    %shift_right_arithmetic3A_433 = arith.constant 13 : i32
    %shift_right_arithmetic3A_434 = vector.broadcast %shift_right_arithmetic3A_433 : i32 to vector<16xi32>
    %shift_right_arithmetic3A_435 = arith.shrsi %get3A_432, %shift_right_arithmetic3A_434 : vector<16xi32>
    %shift_left3A_436 = arith.constant 12 : i32
    %shift_left3A_437 = vector.broadcast %shift_left3A_436 : i32 to vector<16xi32>
    %shift_left3A_438 = arith.shli %shift_right_arithmetic3A_435, %shift_left3A_437 : vector<16xi32>
    %and3A_439 = arith.constant 4095 : i32
    %and3A_440 = vector.broadcast %and3A_439 : i32 to vector<16xi32>
    %and3A_441 = arith.andi %get3A_432, %and3A_440 : vector<16xi32>
    %or3A_442 = arith.ori %shift_left3A_438, %and3A_441 : vector<16xi32>
    %swap3A_443 = arith.constant 2 : i32
    %swap3A_444 = arith.index_cast %swap3A_443 : i32 to index
    %swap3A_445 = arith.constant 64 : index
    %swap3A_446 = tpu.vector_load %arg6[%swap3A_444, %swap3A_445] {strides = array<i32>} : memref<8x128xi32, #tpu.memory_space<vmem>>, vector<1x16xi32>,
    %swap3A_447 = vector.shape_cast %swap3A_446 : vector<1x16xi32> to vector<16xi32>
    %swap3A_448 = vector.shape_cast %or3A_442 : vector<16xi32> to vector<1x16xi32>
    tpu.vector_store %arg6[%swap3A_444, %swap3A_445], %swap3A_448 {strides = array<i32>} : memref<8x128xi32, #tpu.memory_space<vmem>>, vector<1x16xi32>,
    %get3A_449 = arith.constant 2 : i32
    %get3A_450 = arith.index_cast %get3A_449 : i32 to index
    %get3A_451 = arith.constant 80 : index
    %get3A_452 = tpu.vector_load %arg6[%get3A_450, %get3A_451] {strides = array<i32>} : memref<8x128xi32, #tpu.memory_space<vmem>>, vector<1x16xi32>,
    %get3A_453 = vector.shape_cast %get3A_452 : vector<1x16xi32> to vector<16xi32>
    %shift_right_arithmetic3A_454 = arith.constant 13 : i32
    %shift_right_arithmetic3A_455 = vector.broadcast %shift_right_arithmetic3A_454 : i32 to vector<16xi32>
    %shift_right_arithmetic3A_456 = arith.shrsi %get3A_453, %shift_right_arithmetic3A_455 : vector<16xi32>
    %shift_left3A_457 = arith.constant 12 : i32
    %shift_left3A_458 = vector.broadcast %shift_left3A_457 : i32 to vector<16xi32>
    %shift_left3A_459 = arith.shli %shift_right_arithmetic3A_456, %shift_left3A_458 : vector<16xi32>
    %and3A_460 = arith.constant 4095 : i32
    %and3A_461 = vector.broadcast %and3A_460 : i32 to vector<16xi32>
    %and3A_462 = arith.andi %get3A_453, %and3A_461 : vector<16xi32>
    %or3A_463 = arith.ori %shift_left3A_459, %and3A_462 : vector<16xi32>
    %swap3A_464 = arith.constant 2 : i32
    %swap3A_465 = arith.index_cast %swap3A_464 : i32 to index
    %swap3A_466 = arith.constant 80 : index
    %swap3A_467 = tpu.vector_load %arg6[%swap3A_465, %swap3A_466] {strides = array<i32>} : memref<8x128xi32, #tpu.memory_space<vmem>>, vector<1x16xi32>,
    %swap3A_468 = vector.shape_cast %swap3A_467 : vector<1x16xi32> to vector<16xi32>
    %swap3A_469 = vector.shape_cast %or3A_463 : vector<16xi32> to vector<1x16xi32>
    tpu.vector_store %arg6[%swap3A_465, %swap3A_466], %swap3A_469 {strides = array<i32>} : memref<8x128xi32, #tpu.memory_space<vmem>>, vector<1x16xi32>,
    %get3A_470 = arith.constant 2 : i32
    %get3A_471 = arith.index_cast %get3A_470 : i32 to index
    %get3A_472 = arith.constant 96 : index
    %get3A_473 = tpu.vector_load %arg6[%get3A_471, %get3A_472] {strides = array<i32>} : memref<8x128xi32, #tpu.memory_space<vmem>>, vector<1x16xi32>,
    %get3A_474 = vector.shape_cast %get3A_473 : vector<1x16xi32> to vector<16xi32>
    %shift_right_arithmetic3A_475 = arith.constant 13 : i32
    %shift_right_arithmetic3A_476 = vector.broadcast %shift_right_arithmetic3A_475 : i32 to vector<16xi32>
    %shift_right_arithmetic3A_477 = arith.shrsi %get3A_474, %shift_right_arithmetic3A_476 : vector<16xi32>
    %shift_left3A_478 = arith.constant 12 : i32
    %shift_left3A_479 = vector.broadcast %shift_left3A_478 : i32 to vector<16xi32>
    %shift_left3A_480 = arith.shli %shift_right_arithmetic3A_477, %shift_left3A_479 : vector<16xi32>
    %and3A_481 = arith.constant 4095 : i32
    %and3A_482 = vector.broadcast %and3A_481 : i32 to vector<16xi32>
    %and3A_483 = arith.andi %get3A_474, %and3A_482 : vector<16xi32>
    %or3A_484 = arith.ori %shift_left3A_480, %and3A_483 : vector<16xi32>
    %swap3A_485 = arith.constant 2 : i32
    %swap3A_486 = arith.index_cast %swap3A_485 : i32 to index
    %swap3A_487 = arith.constant 96 : index
    %swap3A_488 = tpu.vector_load %arg6[%swap3A_486, %swap3A_487] {strides = array<i32>} : memref<8x128xi32, #tpu.memory_space<vmem>>, vector<1x16xi32>,
    %swap3A_489 = vector.shape_cast %swap3A_488 : vector<1x16xi32> to vector<16xi32>
    %swap3A_490 = vector.shape_cast %or3A_484 : vector<16xi32> to vector<1x16xi32>
    tpu.vector_store %arg6[%swap3A_486, %swap3A_487], %swap3A_490 {strides = array<i32>} : memref<8x128xi32, #tpu.memory_space<vmem>>, vector<1x16xi32>,
    %get3A_491 = arith.constant 2 : i32
    %get3A_492 = arith.index_cast %get3A_491 : i32 to index
    %get3A_493 = arith.constant 112 : index
    %get3A_494 = tpu.vector_load %arg6[%get3A_492, %get3A_493] {strides = array<i32>} : memref<8x128xi32, #tpu.memory_space<vmem>>, vector<1x16xi32>,
    %get3A_495 = vector.shape_cast %get3A_494 : vector<1x16xi32> to vector<16xi32>
    %shift_right_arithmetic3A_496 = arith.constant 13 : i32
    %shift_right_arithmetic3A_497 = vector.broadcast %shift_right_arithmetic3A_496 : i32 to vector<16xi32>
    %shift_right_arithmetic3A_498 = arith.shrsi %get3A_495, %shift_right_arithmetic3A_497 : vector<16xi32>
    %shift_left3A_499 = arith.constant 12 : i32
    %shift_left3A_500 = vector.broadcast %shift_left3A_499 : i32 to vector<16xi32>
    %shift_left3A_501 = arith.shli %shift_right_arithmetic3A_498, %shift_left3A_500 : vector<16xi32>
    %and3A_502 = arith.constant 4095 : i32
    %and3A_503 = vector.broadcast %and3A_502 : i32 to vector<16xi32>
    %and3A_504 = arith.andi %get3A_495, %and3A_503 : vector<16xi32>
    %or3A_505 = arith.ori %shift_left3A_501, %and3A_504 : vector<16xi32>
    %swap3A_506 = arith.constant 2 : i32
    %swap3A_507 = arith.index_cast %swap3A_506 : i32 to index
    %swap3A_508 = arith.constant 112 : index
    %swap3A_509 = tpu.vector_load %arg6[%swap3A_507, %swap3A_508] {strides = array<i32>} : memref<8x128xi32, #tpu.memory_space<vmem>>, vector<1x16xi32>,
    %swap3A_510 = vector.shape_cast %swap3A_509 : vector<1x16xi32> to vector<16xi32>
    %swap3A_511 = vector.shape_cast %or3A_505 : vector<16xi32> to vector<1x16xi32>
    tpu.vector_store %arg6[%swap3A_507, %swap3A_508], %swap3A_511 {strides = array<i32>} : memref<8x128xi32, #tpu.memory_space<vmem>>, vector<1x16xi32>,
    %get3A_512 = arith.constant 3 : i32
    %get3A_513 = arith.index_cast %get3A_512 : i32 to index
    %get3A_514 = arith.constant 0 : index
    %get3A_515 = tpu.vector_load %arg6[%get3A_513, %get3A_514] {strides = array<i32>} : memref<8x128xi32, #tpu.memory_space<vmem>>, vector<1x16xi32>,
    %get3A_516 = vector.shape_cast %get3A_515 : vector<1x16xi32> to vector<16xi32>
    %shift_right_arithmetic3A_517 = arith.constant 13 : i32
    %shift_right_arithmetic3A_518 = vector.broadcast %shift_right_arithmetic3A_517 : i32 to vector<16xi32>
    %shift_right_arithmetic3A_519 = arith.shrsi %get3A_516, %shift_right_arithmetic3A_518 : vector<16xi32>
    %shift_left3A_520 = arith.constant 12 : i32
    %shift_left3A_521 = vector.broadcast %shift_left3A_520 : i32 to vector<16xi32>
    %shift_left3A_522 = arith.shli %shift_right_arithmetic3A_519, %shift_left3A_521 : vector<16xi32>
    %and3A_523 = arith.constant 4095 : i32
    %and3A_524 = vector.broadcast %and3A_523 : i32 to vector<16xi32>
    %and3A_525 = arith.andi %get3A_516, %and3A_524 : vector<16xi32>
    %or3A_526 = arith.ori %shift_left3A_522, %and3A_525 : vector<16xi32>
    %swap3A_527 = arith.constant 3 : i32
    %swap3A_528 = arith.index_cast %swap3A_527 : i32 to index
    %swap3A_529 = arith.constant 0 : index
    %swap3A_530 = tpu.vector_load %arg6[%swap3A_528, %swap3A_529] {strides = array<i32>} : memref<8x128xi32, #tpu.memory_space<vmem>>, vector<1x16xi32>,
    %swap3A_531 = vector.shape_cast %swap3A_530 : vector<1x16xi32> to vector<16xi32>
    %swap3A_532 = vector.shape_cast %or3A_526 : vector<16xi32> to vector<1x16xi32>
    tpu.vector_store %arg6[%swap3A_528, %swap3A_529], %swap3A_532 {strides = array<i32>} : memref<8x128xi32, #tpu.memory_space<vmem>>, vector<1x16xi32>,
    %get3A_533 = arith.constant 3 : i32
    %get3A_534 = arith.index_cast %get3A_533 : i32 to index
    %get3A_535 = arith.constant 16 : index
    %get3A_536 = tpu.vector_load %arg6[%get3A_534, %get3A_535] {strides = array<i32>} : memref<8x128xi32, #tpu.memory_space<vmem>>, vector<1x16xi32>,
    %get3A_537 = vector.shape_cast %get3A_536 : vector<1x16xi32> to vector<16xi32>
    %shift_right_arithmetic3A_538 = arith.constant 13 : i32
    %shift_right_arithmetic3A_539 = vector.broadcast %shift_right_arithmetic3A_538 : i32 to vector<16xi32>
    %shift_right_arithmetic3A_540 = arith.shrsi %get3A_537, %shift_right_arithmetic3A_539 : vector<16xi32>
    %shift_left3A_541 = arith.constant 12 : i32
    %shift_left3A_542 = vector.broadcast %shift_left3A_541 : i32 to vector<16xi32>
    %shift_left3A_543 = arith.shli %shift_right_arithmetic3A_540, %shift_left3A_542 : vector<16xi32>
    %and3A_544 = arith.constant 4095 : i32
    %and3A_545 = vector.broadcast %and3A_544 : i32 to vector<16xi32>
    %and3A_546 = arith.andi %get3A_537, %and3A_545 : vector<16xi32>
    %or3A_547 = arith.ori %shift_left3A_543, %and3A_546 : vector<16xi32>
    %swap3A_548 = arith.constant 3 : i32
    %swap3A_549 = arith.index_cast %swap3A_548 : i32 to index
    %swap3A_550 = arith.constant 16 : index
    %swap3A_551 = tpu.vector_load %arg6[%swap3A_549, %swap3A_550] {strides = array<i32>} : memref<8x128xi32, #tpu.memory_space<vmem>>, vector<1x16xi32>,
    %swap3A_552 = vector.shape_cast %swap3A_551 : vector<1x16xi32> to vector<16xi32>
    %swap3A_553 = vector.shape_cast %or3A_547 : vector<16xi32> to vector<1x16xi32>
    tpu.vector_store %arg6[%swap3A_549, %swap3A_550], %swap3A_553 {strides = array<i32>} : memref<8x128xi32, #tpu.memory_space<vmem>>, vector<1x16xi32>,
    %get3A_554 = arith.constant 3 : i32
    %get3A_555 = arith.index_cast %get3A_554 : i32 to index
    %get3A_556 = arith.constant 32 : index
    %get3A_557 = tpu.vector_load %arg6[%get3A_555, %get3A_556] {strides = array<i32>} : memref<8x128xi32, #tpu.memory_space<vmem>>, vector<1x16xi32>,
    %get3A_558 = vector.shape_cast %get3A_557 : vector<1x16xi32> to vector<16xi32>
    %shift_right_arithmetic3A_559 = arith.constant 13 : i32
    %shift_right_arithmetic3A_560 = vector.broadcast %shift_right_arithmetic3A_559 : i32 to vector<16xi32>
    %shift_right_arithmetic3A_561 = arith.shrsi %get3A_558, %shift_right_arithmetic3A_560 : vector<16xi32>
    %shift_left3A_562 = arith.constant 12 : i32
    %shift_left3A_563 = vector.broadcast %shift_left3A_562 : i32 to vector<16xi32>
    %shift_left3A_564 = arith.shli %shift_right_arithmetic3A_561, %shift_left3A_563 : vector<16xi32>
    %and3A_565 = arith.constant 4095 : i32
    %and3A_566 = vector.broadcast %and3A_565 : i32 to vector<16xi32>
    %and3A_567 = arith.andi %get3A_558, %and3A_566 : vector<16xi32>
    %or3A_568 = arith.ori %shift_left3A_564, %and3A_567 : vector<16xi32>
    %swap3A_569 = arith.constant 3 : i32
    %swap3A_570 = arith.index_cast %swap3A_569 : i32 to index
    %swap3A_571 = arith.constant 32 : index
    %swap3A_572 = tpu.vector_load %arg6[%swap3A_570, %swap3A_571] {strides = array<i32>} : memref<8x128xi32, #tpu.memory_space<vmem>>, vector<1x16xi32>,
    %swap3A_573 = vector.shape_cast %swap3A_572 : vector<1x16xi32> to vector<16xi32>
    %swap3A_574 = vector.shape_cast %or3A_568 : vector<16xi32> to vector<1x16xi32>
    tpu.vector_store %arg6[%swap3A_570, %swap3A_571], %swap3A_574 {strides = array<i32>} : memref<8x128xi32, #tpu.memory_space<vmem>>, vector<1x16xi32>,
    %get3A_575 = arith.constant 3 : i32
    %get3A_576 = arith.index_cast %get3A_575 : i32 to index
    %get3A_577 = arith.constant 48 : index
    %get3A_578 = tpu.vector_load %arg6[%get3A_576, %get3A_577] {strides = array<i32>} : memref<8x128xi32, #tpu.memory_space<vmem>>, vector<1x16xi32>,
    %get3A_579 = vector.shape_cast %get3A_578 : vector<1x16xi32> to vector<16xi32>
    %shift_right_arithmetic3A_580 = arith.constant 13 : i32
    %shift_right_arithmetic3A_581 = vector.broadcast %shift_right_arithmetic3A_580 : i32 to vector<16xi32>
    %shift_right_arithmetic3A_582 = arith.shrsi %get3A_579, %shift_right_arithmetic3A_581 : vector<16xi32>
    %shift_left3A_583 = arith.constant 12 : i32
    %shift_left3A_584 = vector.broadcast %shift_left3A_583 : i32 to vector<16xi32>
    %shift_left3A_585 = arith.shli %shift_right_arithmetic3A_582, %shift_left3A_584 : vector<16xi32>
    %and3A_586 = arith.constant 4095 : i32
    %and3A_587 = vector.broadcast %and3A_586 : i32 to vector<16xi32>
    %and3A_588 = arith.andi %get3A_579, %and3A_587 : vector<16xi32>
    %or3A_589 = arith.ori %shift_left3A_585, %and3A_588 : vector<16xi32>
    %swap3A_590 = arith.constant 3 : i32
    %swap3A_591 = arith.index_cast %swap3A_590 : i32 to index
    %swap3A_592 = arith.constant 48 : index
    %swap3A_593 = tpu.vector_load %arg6[%swap3A_591, %swap3A_592] {strides = array<i32>} : memref<8x128xi32, #tpu.memory_space<vmem>>, vector<1x16xi32>,
    %swap3A_594 = vector.shape_cast %swap3A_593 : vector<1x16xi32> to vector<16xi32>
    %swap3A_595 = vector.shape_cast %or3A_589 : vector<16xi32> to vector<1x16xi32>
    tpu.vector_store %arg6[%swap3A_591, %swap3A_592], %swap3A_595 {strides = array<i32>} : memref<8x128xi32, #tpu.memory_space<vmem>>, vector<1x16xi32>,
    %get3A_596 = arith.constant 3 : i32
    %get3A_597 = arith.index_cast %get3A_596 : i32 to index
    %get3A_598 = arith.constant 64 : index
    %get3A_599 = tpu.vector_load %arg6[%get3A_597, %get3A_598] {strides = array<i32>} : memref<8x128xi32, #tpu.memory_space<vmem>>, vector<1x16xi32>,
    %get3A_600 = vector.shape_cast %get3A_599 : vector<1x16xi32> to vector<16xi32>
    %shift_right_arithmetic3A_601 = arith.constant 13 : i32
    %shift_right_arithmetic3A_602 = vector.broadcast %shift_right_arithmetic3A_601 : i32 to vector<16xi32>
    %shift_right_arithmetic3A_603 = arith.shrsi %get3A_600, %shift_right_arithmetic3A_602 : vector<16xi32>
    %shift_left3A_604 = arith.constant 12 : i32
    %shift_left3A_605 = vector.broadcast %shift_left3A_604 : i32 to vector<16xi32>
    %shift_left3A_606 = arith.shli %shift_right_arithmetic3A_603, %shift_left3A_605 : vector<16xi32>
    %and3A_607 = arith.constant 4095 : i32
    %and3A_608 = vector.broadcast %and3A_607 : i32 to vector<16xi32>
    %and3A_609 = arith.andi %get3A_600, %and3A_608 : vector<16xi32>
    %or3A_610 = arith.ori %shift_left3A_606, %and3A_609 : vector<16xi32>
    %swap3A_611 = arith.constant 3 : i32
    %swap3A_612 = arith.index_cast %swap3A_611 : i32 to index
    %swap3A_613 = arith.constant 64 : index
    %swap3A_614 = tpu.vector_load %arg6[%swap3A_612, %swap3A_613] {strides = array<i32>} : memref<8x128xi32, #tpu.memory_space<vmem>>, vector<1x16xi32>,
    %swap3A_615 = vector.shape_cast %swap3A_614 : vector<1x16xi32> to vector<16xi32>
    %swap3A_616 = vector.shape_cast %or3A_610 : vector<16xi32> to vector<1x16xi32>
    tpu.vector_store %arg6[%swap3A_612, %swap3A_613], %swap3A_616 {strides = array<i32>} : memref<8x128xi32, #tpu.memory_space<vmem>>, vector<1x16xi32>,
    %get3A_617 = arith.constant 3 : i32
    %get3A_618 = arith.index_cast %get3A_617 : i32 to index
    %get3A_619 = arith.constant 80 : index
    %get3A_620 = tpu.vector_load %arg6[%get3A_618, %get3A_619] {strides = array<i32>} : memref<8x128xi32, #tpu.memory_space<vmem>>, vector<1x16xi32>,
    %get3A_621 = vector.shape_cast %get3A_620 : vector<1x16xi32> to vector<16xi32>
    %shift_right_arithmetic3A_622 = arith.constant 13 : i32
    %shift_right_arithmetic3A_623 = vector.broadcast %shift_right_arithmetic3A_622 : i32 to vector<16xi32>
    %shift_right_arithmetic3A_624 = arith.shrsi %get3A_621, %shift_right_arithmetic3A_623 : vector<16xi32>
    %shift_left3A_625 = arith.constant 12 : i32
    %shift_left3A_626 = vector.broadcast %shift_left3A_625 : i32 to vector<16xi32>
    %shift_left3A_627 = arith.shli %shift_right_arithmetic3A_624, %shift_left3A_626 : vector<16xi32>
    %and3A_628 = arith.constant 4095 : i32
    %and3A_629 = vector.broadcast %and3A_628 : i32 to vector<16xi32>
    %and3A_630 = arith.andi %get3A_621, %and3A_629 : vector<16xi32>
    %or3A_631 = arith.ori %shift_left3A_627, %and3A_630 : vector<16xi32>
    %swap3A_632 = arith.constant 3 : i32
    %swap3A_633 = arith.index_cast %swap3A_632 : i32 to index
    %swap3A_634 = arith.constant 80 : index
    %swap3A_635 = tpu.vector_load %arg6[%swap3A_633, %swap3A_634] {strides = array<i32>} : memref<8x128xi32, #tpu.memory_space<vmem>>, vector<1x16xi32>,
    %swap3A_636 = vector.shape_cast %swap3A_635 : vector<1x16xi32> to vector<16xi32>
    %swap3A_637 = vector.shape_cast %or3A_631 : vector<16xi32> to vector<1x16xi32>
    tpu.vector_store %arg6[%swap3A_633, %swap3A_634], %swap3A_637 {strides = array<i32>} : memref<8x128xi32, #tpu.memory_space<vmem>>, vector<1x16xi32>,
    %get3A_638 = arith.constant 3 : i32
    %get3A_639 = arith.index_cast %get3A_638 : i32 to index
    %get3A_640 = arith.constant 96 : index
    %get3A_641 = tpu.vector_load %arg6[%get3A_639, %get3A_640] {strides = array<i32>} : memref<8x128xi32, #tpu.memory_space<vmem>>, vector<1x16xi32>,
    %get3A_642 = vector.shape_cast %get3A_641 : vector<1x16xi32> to vector<16xi32>
    %shift_right_arithmetic3A_643 = arith.constant 13 : i32
    %shift_right_arithmetic3A_644 = vector.broadcast %shift_right_arithmetic3A_643 : i32 to vector<16xi32>
    %shift_right_arithmetic3A_645 = arith.shrsi %get3A_642, %shift_right_arithmetic3A_644 : vector<16xi32>
    %shift_left3A_646 = arith.constant 12 : i32
    %shift_left3A_647 = vector.broadcast %shift_left3A_646 : i32 to vector<16xi32>
    %shift_left3A_648 = arith.shli %shift_right_arithmetic3A_645, %shift_left3A_647 : vector<16xi32>
    %and3A_649 = arith.constant 4095 : i32
    %and3A_650 = vector.broadcast %and3A_649 : i32 to vector<16xi32>
    %and3A_651 = arith.andi %get3A_642, %and3A_650 : vector<16xi32>
    %or3A_652 = arith.ori %shift_left3A_648, %and3A_651 : vector<16xi32>
    %swap3A_653 = arith.constant 3 : i32
    %swap3A_654 = arith.index_cast %swap3A_653 : i32 to index
    %swap3A_655 = arith.constant 96 : index
    %swap3A_656 = tpu.vector_load %arg6[%swap3A_654, %swap3A_655] {strides = array<i32>} : memref<8x128xi32, #tpu.memory_space<vmem>>, vector<1x16xi32>,
    %swap3A_657 = vector.shape_cast %swap3A_656 : vector<1x16xi32> to vector<16xi32>
    %swap3A_658 = vector.shape_cast %or3A_652 : vector<16xi32> to vector<1x16xi32>
    tpu.vector_store %arg6[%swap3A_654, %swap3A_655], %swap3A_658 {strides = array<i32>} : memref<8x128xi32, #tpu.memory_space<vmem>>, vector<1x16xi32>,
    %get3A_659 = arith.constant 3 : i32
    %get3A_660 = arith.index_cast %get3A_659 : i32 to index
    %get3A_661 = arith.constant 112 : index
    %get3A_662 = tpu.vector_load %arg6[%get3A_660, %get3A_661] {strides = array<i32>} : memref<8x128xi32, #tpu.memory_space<vmem>>, vector<1x16xi32>,
    %get3A_663 = vector.shape_cast %get3A_662 : vector<1x16xi32> to vector<16xi32>
    %shift_right_arithmetic3A_664 = arith.constant 13 : i32
    %shift_right_arithmetic3A_665 = vector.broadcast %shift_right_arithmetic3A_664 : i32 to vector<16xi32>
    %shift_right_arithmetic3A_666 = arith.shrsi %get3A_663, %shift_right_arithmetic3A_665 : vector<16xi32>
    %shift_left3A_667 = arith.constant 12 : i32
    %shift_left3A_668 = vector.broadcast %shift_left3A_667 : i32 to vector<16xi32>
    %shift_left3A_669 = arith.shli %shift_right_arithmetic3A_666, %shift_left3A_668 : vector<16xi32>
    %and3A_670 = arith.constant 4095 : i32
    %and3A_671 = vector.broadcast %and3A_670 : i32 to vector<16xi32>
    %and3A_672 = arith.andi %get3A_663, %and3A_671 : vector<16xi32>
    %or3A_673 = arith.ori %shift_left3A_669, %and3A_672 : vector<16xi32>
    %swap3A_674 = arith.constant 3 : i32
    %swap3A_675 = arith.index_cast %swap3A_674 : i32 to index
    %swap3A_676 = arith.constant 112 : index
    %swap3A_677 = tpu.vector_load %arg6[%swap3A_675, %swap3A_676] {strides = array<i32>} : memref<8x128xi32, #tpu.memory_space<vmem>>, vector<1x16xi32>,
    %swap3A_678 = vector.shape_cast %swap3A_677 : vector<1x16xi32> to vector<16xi32>
    %swap3A_679 = vector.shape_cast %or3A_673 : vector<16xi32> to vector<1x16xi32>
    tpu.vector_store %arg6[%swap3A_675, %swap3A_676], %swap3A_679 {strides = array<i32>} : memref<8x128xi32, #tpu.memory_space<vmem>>, vector<1x16xi32>,
    %get3A_680 = arith.constant 4 : i32
    %get3A_681 = arith.index_cast %get3A_680 : i32 to index
    %get3A_682 = arith.constant 0 : index
    %get3A_683 = tpu.vector_load %arg6[%get3A_681, %get3A_682] {strides = array<i32>} : memref<8x128xi32, #tpu.memory_space<vmem>>, vector<1x16xi32>,
    %get3A_684 = vector.shape_cast %get3A_683 : vector<1x16xi32> to vector<16xi32>
    %shift_right_arithmetic3A_685 = arith.constant 13 : i32
    %shift_right_arithmetic3A_686 = vector.broadcast %shift_right_arithmetic3A_685 : i32 to vector<16xi32>
    %shift_right_arithmetic3A_687 = arith.shrsi %get3A_684, %shift_right_arithmetic3A_686 : vector<16xi32>
    %shift_left3A_688 = arith.constant 12 : i32
    %shift_left3A_689 = vector.broadcast %shift_left3A_688 : i32 to vector<16xi32>
    %shift_left3A_690 = arith.shli %shift_right_arithmetic3A_687, %shift_left3A_689 : vector<16xi32>
    %and3A_691 = arith.constant 4095 : i32
    %and3A_692 = vector.broadcast %and3A_691 : i32 to vector<16xi32>
    %and3A_693 = arith.andi %get3A_684, %and3A_692 : vector<16xi32>
    %or3A_694 = arith.ori %shift_left3A_690, %and3A_693 : vector<16xi32>
    %swap3A_695 = arith.constant 4 : i32
    %swap3A_696 = arith.index_cast %swap3A_695 : i32 to index
    %swap3A_697 = arith.constant 0 : index
    %swap3A_698 = tpu.vector_load %arg6[%swap3A_696, %swap3A_697] {strides = array<i32>} : memref<8x128xi32, #tpu.memory_space<vmem>>, vector<1x16xi32>,
    %swap3A_699 = vector.shape_cast %swap3A_698 : vector<1x16xi32> to vector<16xi32>
    %swap3A_700 = vector.shape_cast %or3A_694 : vector<16xi32> to vector<1x16xi32>
    tpu.vector_store %arg6[%swap3A_696, %swap3A_697], %swap3A_700 {strides = array<i32>} : memref<8x128xi32, #tpu.memory_space<vmem>>, vector<1x16xi32>,
    %get3A_701 = arith.constant 4 : i32
    %get3A_702 = arith.index_cast %get3A_701 : i32 to index
    %get3A_703 = arith.constant 16 : index
    %get3A_704 = tpu.vector_load %arg6[%get3A_702, %get3A_703] {strides = array<i32>} : memref<8x128xi32, #tpu.memory_space<vmem>>, vector<1x16xi32>,
    %get3A_705 = vector.shape_cast %get3A_704 : vector<1x16xi32> to vector<16xi32>
    %shift_right_arithmetic3A_706 = arith.constant 13 : i32
    %shift_right_arithmetic3A_707 = vector.broadcast %shift_right_arithmetic3A_706 : i32 to vector<16xi32>
    %shift_right_arithmetic3A_708 = arith.shrsi %get3A_705, %shift_right_arithmetic3A_707 : vector<16xi32>
    %shift_left3A_709 = arith.constant 12 : i32
    %shift_left3A_710 = vector.broadcast %shift_left3A_709 : i32 to vector<16xi32>
    %shift_left3A_711 = arith.shli %shift_right_arithmetic3A_708, %shift_left3A_710 : vector<16xi32>
    %and3A_712 = arith.constant 4095 : i32
    %and3A_713 = vector.broadcast %and3A_712 : i32 to vector<16xi32>
    %and3A_714 = arith.andi %get3A_705, %and3A_713 : vector<16xi32>
    %or3A_715 = arith.ori %shift_left3A_711, %and3A_714 : vector<16xi32>
    %swap3A_716 = arith.constant 4 : i32
    %swap3A_717 = arith.index_cast %swap3A_716 : i32 to index
    %swap3A_718 = arith.constant 16 : index
    %swap3A_719 = tpu.vector_load %arg6[%swap3A_717, %swap3A_718] {strides = array<i32>} : memref<8x128xi32, #tpu.memory_space<vmem>>, vector<1x16xi32>,
    %swap3A_720 = vector.shape_cast %swap3A_719 : vector<1x16xi32> to vector<16xi32>
    %swap3A_721 = vector.shape_cast %or3A_715 : vector<16xi32> to vector<1x16xi32>
    tpu.vector_store %arg6[%swap3A_717, %swap3A_718], %swap3A_721 {strides = array<i32>} : memref<8x128xi32, #tpu.memory_space<vmem>>, vector<1x16xi32>,
    %get3A_722 = arith.constant 4 : i32
    %get3A_723 = arith.index_cast %get3A_722 : i32 to index
    %get3A_724 = arith.constant 32 : index
    %get3A_725 = tpu.vector_load %arg6[%get3A_723, %get3A_724] {strides = array<i32>} : memref<8x128xi32, #tpu.memory_space<vmem>>, vector<1x16xi32>,
    %get3A_726 = vector.shape_cast %get3A_725 : vector<1x16xi32> to vector<16xi32>
    %shift_right_arithmetic3A_727 = arith.constant 13 : i32
    %shift_right_arithmetic3A_728 = vector.broadcast %shift_right_arithmetic3A_727 : i32 to vector<16xi32>
    %shift_right_arithmetic3A_729 = arith.shrsi %get3A_726, %shift_right_arithmetic3A_728 : vector<16xi32>
    %shift_left3A_730 = arith.constant 12 : i32
    %shift_left3A_731 = vector.broadcast %shift_left3A_730 : i32 to vector<16xi32>
    %shift_left3A_732 = arith.shli %shift_right_arithmetic3A_729, %shift_left3A_731 : vector<16xi32>
    %and3A_733 = arith.constant 4095 : i32
    %and3A_734 = vector.broadcast %and3A_733 : i32 to vector<16xi32>
    %and3A_735 = arith.andi %get3A_726, %and3A_734 : vector<16xi32>
    %or3A_736 = arith.ori %shift_left3A_732, %and3A_735 : vector<16xi32>
    %swap3A_737 = arith.constant 4 : i32
    %swap3A_738 = arith.index_cast %swap3A_737 : i32 to index
    %swap3A_739 = arith.constant 32 : index
    %swap3A_740 = tpu.vector_load %arg6[%swap3A_738, %swap3A_739] {strides = array<i32>} : memref<8x128xi32, #tpu.memory_space<vmem>>, vector<1x16xi32>,
    %swap3A_741 = vector.shape_cast %swap3A_740 : vector<1x16xi32> to vector<16xi32>
    %swap3A_742 = vector.shape_cast %or3A_736 : vector<16xi32> to vector<1x16xi32>
    tpu.vector_store %arg6[%swap3A_738, %swap3A_739], %swap3A_742 {strides = array<i32>} : memref<8x128xi32, #tpu.memory_space<vmem>>, vector<1x16xi32>,
    %get3A_743 = arith.constant 4 : i32
    %get3A_744 = arith.index_cast %get3A_743 : i32 to index
    %get3A_745 = arith.constant 48 : index
    %get3A_746 = tpu.vector_load %arg6[%get3A_744, %get3A_745] {strides = array<i32>} : memref<8x128xi32, #tpu.memory_space<vmem>>, vector<1x16xi32>,
    %get3A_747 = vector.shape_cast %get3A_746 : vector<1x16xi32> to vector<16xi32>
    %shift_right_arithmetic3A_748 = arith.constant 13 : i32
    %shift_right_arithmetic3A_749 = vector.broadcast %shift_right_arithmetic3A_748 : i32 to vector<16xi32>
    %shift_right_arithmetic3A_750 = arith.shrsi %get3A_747, %shift_right_arithmetic3A_749 : vector<16xi32>
    %shift_left3A_751 = arith.constant 12 : i32
    %shift_left3A_752 = vector.broadcast %shift_left3A_751 : i32 to vector<16xi32>
    %shift_left3A_753 = arith.shli %shift_right_arithmetic3A_750, %shift_left3A_752 : vector<16xi32>
    %and3A_754 = arith.constant 4095 : i32
    %and3A_755 = vector.broadcast %and3A_754 : i32 to vector<16xi32>
    %and3A_756 = arith.andi %get3A_747, %and3A_755 : vector<16xi32>
    %or3A_757 = arith.ori %shift_left3A_753, %and3A_756 : vector<16xi32>
    %swap3A_758 = arith.constant 4 : i32
    %swap3A_759 = arith.index_cast %swap3A_758 : i32 to index
    %swap3A_760 = arith.constant 48 : index
    %swap3A_761 = tpu.vector_load %arg6[%swap3A_759, %swap3A_760] {strides = array<i32>} : memref<8x128xi32, #tpu.memory_space<vmem>>, vector<1x16xi32>,
    %swap3A_762 = vector.shape_cast %swap3A_761 : vector<1x16xi32> to vector<16xi32>
    %swap3A_763 = vector.shape_cast %or3A_757 : vector<16xi32> to vector<1x16xi32>
    tpu.vector_store %arg6[%swap3A_759, %swap3A_760], %swap3A_763 {strides = array<i32>} : memref<8x128xi32, #tpu.memory_space<vmem>>, vector<1x16xi32>,
    %get3A_764 = arith.constant 4 : i32
    %get3A_765 = arith.index_cast %get3A_764 : i32 to index
    %get3A_766 = arith.constant 64 : index
    %get3A_767 = tpu.vector_load %arg6[%get3A_765, %get3A_766] {strides = array<i32>} : memref<8x128xi32, #tpu.memory_space<vmem>>, vector<1x16xi32>,
    %get3A_768 = vector.shape_cast %get3A_767 : vector<1x16xi32> to vector<16xi32>
    %shift_right_arithmetic3A_769 = arith.constant 13 : i32
    %shift_right_arithmetic3A_770 = vector.broadcast %shift_right_arithmetic3A_769 : i32 to vector<16xi32>
    %shift_right_arithmetic3A_771 = arith.shrsi %get3A_768, %shift_right_arithmetic3A_770 : vector<16xi32>
    %shift_left3A_772 = arith.constant 12 : i32
    %shift_left3A_773 = vector.broadcast %shift_left3A_772 : i32 to vector<16xi32>
    %shift_left3A_774 = arith.shli %shift_right_arithmetic3A_771, %shift_left3A_773 : vector<16xi32>
    %and3A_775 = arith.constant 4095 : i32
    %and3A_776 = vector.broadcast %and3A_775 : i32 to vector<16xi32>
    %and3A_777 = arith.andi %get3A_768, %and3A_776 : vector<16xi32>
    %or3A_778 = arith.ori %shift_left3A_774, %and3A_777 : vector<16xi32>
    %swap3A_779 = arith.constant 4 : i32
    %swap3A_780 = arith.index_cast %swap3A_779 : i32 to index
    %swap3A_781 = arith.constant 64 : index
    %swap3A_782 = tpu.vector_load %arg6[%swap3A_780, %swap3A_781] {strides = array<i32>} : memref<8x128xi32, #tpu.memory_space<vmem>>, vector<1x16xi32>,
    %swap3A_783 = vector.shape_cast %swap3A_782 : vector<1x16xi32> to vector<16xi32>
    %swap3A_784 = vector.shape_cast %or3A_778 : vector<16xi32> to vector<1x16xi32>
    tpu.vector_store %arg6[%swap3A_780, %swap3A_781], %swap3A_784 {strides = array<i32>} : memref<8x128xi32, #tpu.memory_space<vmem>>, vector<1x16xi32>,
    %get3A_785 = arith.constant 4 : i32
    %get3A_786 = arith.index_cast %get3A_785 : i32 to index
    %get3A_787 = arith.constant 80 : index
    %get3A_788 = tpu.vector_load %arg6[%get3A_786, %get3A_787] {strides = array<i32>} : memref<8x128xi32, #tpu.memory_space<vmem>>, vector<1x16xi32>,
    %get3A_789 = vector.shape_cast %get3A_788 : vector<1x16xi32> to vector<16xi32>
    %shift_right_arithmetic3A_790 = arith.constant 13 : i32
    %shift_right_arithmetic3A_791 = vector.broadcast %shift_right_arithmetic3A_790 : i32 to vector<16xi32>
    %shift_right_arithmetic3A_792 = arith.shrsi %get3A_789, %shift_right_arithmetic3A_791 : vector<16xi32>
    %shift_left3A_793 = arith.constant 12 : i32
    %shift_left3A_794 = vector.broadcast %shift_left3A_793 : i32 to vector<16xi32>
    %shift_left3A_795 = arith.shli %shift_right_arithmetic3A_792, %shift_left3A_794 : vector<16xi32>
    %and3A_796 = arith.constant 4095 : i32
    %and3A_797 = vector.broadcast %and3A_796 : i32 to vector<16xi32>
    %and3A_798 = arith.andi %get3A_789, %and3A_797 : vector<16xi32>
    %or3A_799 = arith.ori %shift_left3A_795, %and3A_798 : vector<16xi32>
    %swap3A_800 = arith.constant 4 : i32
    %swap3A_801 = arith.index_cast %swap3A_800 : i32 to index
    %swap3A_802 = arith.constant 80 : index
    %swap3A_803 = tpu.vector_load %arg6[%swap3A_801, %swap3A_802] {strides = array<i32>} : memref<8x128xi32, #tpu.memory_space<vmem>>, vector<1x16xi32>,
    %swap3A_804 = vector.shape_cast %swap3A_803 : vector<1x16xi32> to vector<16xi32>
    %swap3A_805 = vector.shape_cast %or3A_799 : vector<16xi32> to vector<1x16xi32>
    tpu.vector_store %arg6[%swap3A_801, %swap3A_802], %swap3A_805 {strides = array<i32>} : memref<8x128xi32, #tpu.memory_space<vmem>>, vector<1x16xi32>,
    %get3A_806 = arith.constant 4 : i32
    %get3A_807 = arith.index_cast %get3A_806 : i32 to index
    %get3A_808 = arith.constant 96 : index
    %get3A_809 = tpu.vector_load %arg6[%get3A_807, %get3A_808] {strides = array<i32>} : memref<8x128xi32, #tpu.memory_space<vmem>>, vector<1x16xi32>,
    %get3A_810 = vector.shape_cast %get3A_809 : vector<1x16xi32> to vector<16xi32>
    %shift_right_arithmetic3A_811 = arith.constant 13 : i32
    %shift_right_arithmetic3A_812 = vector.broadcast %shift_right_arithmetic3A_811 : i32 to vector<16xi32>
    %shift_right_arithmetic3A_813 = arith.shrsi %get3A_810, %shift_right_arithmetic3A_812 : vector<16xi32>
    %shift_left3A_814 = arith.constant 12 : i32
    %shift_left3A_815 = vector.broadcast %shift_left3A_814 : i32 to vector<16xi32>
    %shift_left3A_816 = arith.shli %shift_right_arithmetic3A_813, %shift_left3A_815 : vector<16xi32>
    %and3A_817 = arith.constant 4095 : i32
    %and3A_818 = vector.broadcast %and3A_817 : i32 to vector<16xi32>
    %and3A_819 = arith.andi %get3A_810, %and3A_818 : vector<16xi32>
    %or3A_820 = arith.ori %shift_left3A_816, %and3A_819 : vector<16xi32>
    %swap3A_821 = arith.constant 4 : i32
    %swap3A_822 = arith.index_cast %swap3A_821 : i32 to index
    %swap3A_823 = arith.constant 96 : index
    %swap3A_824 = tpu.vector_load %arg6[%swap3A_822, %swap3A_823] {strides = array<i32>} : memref<8x128xi32, #tpu.memory_space<vmem>>, vector<1x16xi32>,
    %swap3A_825 = vector.shape_cast %swap3A_824 : vector<1x16xi32> to vector<16xi32>
    %swap3A_826 = vector.shape_cast %or3A_820 : vector<16xi32> to vector<1x16xi32>
    tpu.vector_store %arg6[%swap3A_822, %swap3A_823], %swap3A_826 {strides = array<i32>} : memref<8x128xi32, #tpu.memory_space<vmem>>, vector<1x16xi32>,
    %get3A_827 = arith.constant 4 : i32
    %get3A_828 = arith.index_cast %get3A_827 : i32 to index
    %get3A_829 = arith.constant 112 : index
    %get3A_830 = tpu.vector_load %arg6[%get3A_828, %get3A_829] {strides = array<i32>} : memref<8x128xi32, #tpu.memory_space<vmem>>, vector<1x16xi32>,
    %get3A_831 = vector.shape_cast %get3A_830 : vector<1x16xi32> to vector<16xi32>
    %shift_right_arithmetic3A_832 = arith.constant 13 : i32
    %shift_right_arithmetic3A_833 = vector.broadcast %shift_right_arithmetic3A_832 : i32 to vector<16xi32>
    %shift_right_arithmetic3A_834 = arith.shrsi %get3A_831, %shift_right_arithmetic3A_833 : vector<16xi32>
    %shift_left3A_835 = arith.constant 12 : i32
    %shift_left3A_836 = vector.broadcast %shift_left3A_835 : i32 to vector<16xi32>
    %shift_left3A_837 = arith.shli %shift_right_arithmetic3A_834, %shift_left3A_836 : vector<16xi32>
    %and3A_838 = arith.constant 4095 : i32
    %and3A_839 = vector.broadcast %and3A_838 : i32 to vector<16xi32>
    %and3A_840 = arith.andi %get3A_831, %and3A_839 : vector<16xi32>
    %or3A_841 = arith.ori %shift_left3A_837, %and3A_840 : vector<16xi32>
    %swap3A_842 = arith.constant 4 : i32
    %swap3A_843 = arith.index_cast %swap3A_842 : i32 to index
    %swap3A_844 = arith.constant 112 : index
    %swap3A_845 = tpu.vector_load %arg6[%swap3A_843, %swap3A_844] {strides = array<i32>} : memref<8x128xi32, #tpu.memory_space<vmem>>, vector<1x16xi32>,
    %swap3A_846 = vector.shape_cast %swap3A_845 : vector<1x16xi32> to vector<16xi32>
    %swap3A_847 = vector.shape_cast %or3A_841 : vector<16xi32> to vector<1x16xi32>
    tpu.vector_store %arg6[%swap3A_843, %swap3A_844], %swap3A_847 {strides = array<i32>} : memref<8x128xi32, #tpu.memory_space<vmem>>, vector<1x16xi32>,
    %get3A_848 = arith.constant 5 : i32
    %get3A_849 = arith.index_cast %get3A_848 : i32 to index
    %get3A_850 = arith.constant 0 : index
    %get3A_851 = tpu.vector_load %arg6[%get3A_849, %get3A_850] {strides = array<i32>} : memref<8x128xi32, #tpu.memory_space<vmem>>, vector<1x16xi32>,
    %get3A_852 = vector.shape_cast %get3A_851 : vector<1x16xi32> to vector<16xi32>
    %shift_right_arithmetic3A_853 = arith.constant 13 : i32
    %shift_right_arithmetic3A_854 = vector.broadcast %shift_right_arithmetic3A_853 : i32 to vector<16xi32>
    %shift_right_arithmetic3A_855 = arith.shrsi %get3A_852, %shift_right_arithmetic3A_854 : vector<16xi32>
    %shift_left3A_856 = arith.constant 12 : i32
    %shift_left3A_857 = vector.broadcast %shift_left3A_856 : i32 to vector<16xi32>
    %shift_left3A_858 = arith.shli %shift_right_arithmetic3A_855, %shift_left3A_857 : vector<16xi32>
    %and3A_859 = arith.constant 4095 : i32
    %and3A_860 = vector.broadcast %and3A_859 : i32 to vector<16xi32>
    %and3A_861 = arith.andi %get3A_852, %and3A_860 : vector<16xi32>
    %or3A_862 = arith.ori %shift_left3A_858, %and3A_861 : vector<16xi32>
    %swap3A_863 = arith.constant 5 : i32
    %swap3A_864 = arith.index_cast %swap3A_863 : i32 to index
    %swap3A_865 = arith.constant 0 : index
    %swap3A_866 = tpu.vector_load %arg6[%swap3A_864, %swap3A_865] {strides = array<i32>} : memref<8x128xi32, #tpu.memory_space<vmem>>, vector<1x16xi32>,
    %swap3A_867 = vector.shape_cast %swap3A_866 : vector<1x16xi32> to vector<16xi32>
    %swap3A_868 = vector.shape_cast %or3A_862 : vector<16xi32> to vector<1x16xi32>
    tpu.vector_store %arg6[%swap3A_864, %swap3A_865], %swap3A_868 {strides = array<i32>} : memref<8x128xi32, #tpu.memory_space<vmem>>, vector<1x16xi32>,
    %get3A_869 = arith.constant 5 : i32
    %get3A_870 = arith.index_cast %get3A_869 : i32 to index
    %get3A_871 = arith.constant 16 : index
    %get3A_872 = tpu.vector_load %arg6[%get3A_870, %get3A_871] {strides = array<i32>} : memref<8x128xi32, #tpu.memory_space<vmem>>, vector<1x16xi32>,
    %get3A_873 = vector.shape_cast %get3A_872 : vector<1x16xi32> to vector<16xi32>
    %shift_right_arithmetic3A_874 = arith.constant 13 : i32
    %shift_right_arithmetic3A_875 = vector.broadcast %shift_right_arithmetic3A_874 : i32 to vector<16xi32>
    %shift_right_arithmetic3A_876 = arith.shrsi %get3A_873, %shift_right_arithmetic3A_875 : vector<16xi32>
    %shift_left3A_877 = arith.constant 12 : i32
    %shift_left3A_878 = vector.broadcast %shift_left3A_877 : i32 to vector<16xi32>
    %shift_left3A_879 = arith.shli %shift_right_arithmetic3A_876, %shift_left3A_878 : vector<16xi32>
    %and3A_880 = arith.constant 4095 : i32
    %and3A_881 = vector.broadcast %and3A_880 : i32 to vector<16xi32>
    %and3A_882 = arith.andi %get3A_873, %and3A_881 : vector<16xi32>
    %or3A_883 = arith.ori %shift_left3A_879, %and3A_882 : vector<16xi32>
    %swap3A_884 = arith.constant 5 : i32
    %swap3A_885 = arith.index_cast %swap3A_884 : i32 to index
    %swap3A_886 = arith.constant 16 : index
    %swap3A_887 = tpu.vector_load %arg6[%swap3A_885, %swap3A_886] {strides = array<i32>} : memref<8x128xi32, #tpu.memory_space<vmem>>, vector<1x16xi32>,
    %swap3A_888 = vector.shape_cast %swap3A_887 : vector<1x16xi32> to vector<16xi32>
    %swap3A_889 = vector.shape_cast %or3A_883 : vector<16xi32> to vector<1x16xi32>
    tpu.vector_store %arg6[%swap3A_885, %swap3A_886], %swap3A_889 {strides = array<i32>} : memref<8x128xi32, #tpu.memory_space<vmem>>, vector<1x16xi32>,
    %get3A_890 = arith.constant 5 : i32
    %get3A_891 = arith.index_cast %get3A_890 : i32 to index
    %get3A_892 = arith.constant 32 : index
    %get3A_893 = tpu.vector_load %arg6[%get3A_891, %get3A_892] {strides = array<i32>} : memref<8x128xi32, #tpu.memory_space<vmem>>, vector<1x16xi32>,
    %get3A_894 = vector.shape_cast %get3A_893 : vector<1x16xi32> to vector<16xi32>
    %shift_right_arithmetic3A_895 = arith.constant 13 : i32
    %shift_right_arithmetic3A_896 = vector.broadcast %shift_right_arithmetic3A_895 : i32 to vector<16xi32>
    %shift_right_arithmetic3A_897 = arith.shrsi %get3A_894, %shift_right_arithmetic3A_896 : vector<16xi32>
    %shift_left3A_898 = arith.constant 12 : i32
    %shift_left3A_899 = vector.broadcast %shift_left3A_898 : i32 to vector<16xi32>
    %shift_left3A_900 = arith.shli %shift_right_arithmetic3A_897, %shift_left3A_899 : vector<16xi32>
    %and3A_901 = arith.constant 4095 : i32
    %and3A_902 = vector.broadcast %and3A_901 : i32 to vector<16xi32>
    %and3A_903 = arith.andi %get3A_894, %and3A_902 : vector<16xi32>
    %or3A_904 = arith.ori %shift_left3A_900, %and3A_903 : vector<16xi32>
    %swap3A_905 = arith.constant 5 : i32
    %swap3A_906 = arith.index_cast %swap3A_905 : i32 to index
    %swap3A_907 = arith.constant 32 : index
    %swap3A_908 = tpu.vector_load %arg6[%swap3A_906, %swap3A_907] {strides = array<i32>} : memref<8x128xi32, #tpu.memory_space<vmem>>, vector<1x16xi32>,
    %swap3A_909 = vector.shape_cast %swap3A_908 : vector<1x16xi32> to vector<16xi32>
    %swap3A_910 = vector.shape_cast %or3A_904 : vector<16xi32> to vector<1x16xi32>
    tpu.vector_store %arg6[%swap3A_906, %swap3A_907], %swap3A_910 {strides = array<i32>} : memref<8x128xi32, #tpu.memory_space<vmem>>, vector<1x16xi32>,
    %get3A_911 = arith.constant 5 : i32
    %get3A_912 = arith.index_cast %get3A_911 : i32 to index
    %get3A_913 = arith.constant 48 : index
    %get3A_914 = tpu.vector_load %arg6[%get3A_912, %get3A_913] {strides = array<i32>} : memref<8x128xi32, #tpu.memory_space<vmem>>, vector<1x16xi32>,
    %get3A_915 = vector.shape_cast %get3A_914 : vector<1x16xi32> to vector<16xi32>
    %shift_right_arithmetic3A_916 = arith.constant 13 : i32
    %shift_right_arithmetic3A_917 = vector.broadcast %shift_right_arithmetic3A_916 : i32 to vector<16xi32>
    %shift_right_arithmetic3A_918 = arith.shrsi %get3A_915, %shift_right_arithmetic3A_917 : vector<16xi32>
    %shift_left3A_919 = arith.constant 12 : i32
    %shift_left3A_920 = vector.broadcast %shift_left3A_919 : i32 to vector<16xi32>
    %shift_left3A_921 = arith.shli %shift_right_arithmetic3A_918, %shift_left3A_920 : vector<16xi32>
    %and3A_922 = arith.constant 4095 : i32
    %and3A_923 = vector.broadcast %and3A_922 : i32 to vector<16xi32>
    %and3A_924 = arith.andi %get3A_915, %and3A_923 : vector<16xi32>
    %or3A_925 = arith.ori %shift_left3A_921, %and3A_924 : vector<16xi32>
    %swap3A_926 = arith.constant 5 : i32
    %swap3A_927 = arith.index_cast %swap3A_926 : i32 to index
    %swap3A_928 = arith.constant 48 : index
    %swap3A_929 = tpu.vector_load %arg6[%swap3A_927, %swap3A_928] {strides = array<i32>} : memref<8x128xi32, #tpu.memory_space<vmem>>, vector<1x16xi32>,
    %swap3A_930 = vector.shape_cast %swap3A_929 : vector<1x16xi32> to vector<16xi32>
    %swap3A_931 = vector.shape_cast %or3A_925 : vector<16xi32> to vector<1x16xi32>
    tpu.vector_store %arg6[%swap3A_927, %swap3A_928], %swap3A_931 {strides = array<i32>} : memref<8x128xi32, #tpu.memory_space<vmem>>, vector<1x16xi32>,
    %get3A_932 = arith.constant 5 : i32
    %get3A_933 = arith.index_cast %get3A_932 : i32 to index
    %get3A_934 = arith.constant 64 : index
    %get3A_935 = tpu.vector_load %arg6[%get3A_933, %get3A_934] {strides = array<i32>} : memref<8x128xi32, #tpu.memory_space<vmem>>, vector<1x16xi32>,
    %get3A_936 = vector.shape_cast %get3A_935 : vector<1x16xi32> to vector<16xi32>
    %shift_right_arithmetic3A_937 = arith.constant 13 : i32
    %shift_right_arithmetic3A_938 = vector.broadcast %shift_right_arithmetic3A_937 : i32 to vector<16xi32>
    %shift_right_arithmetic3A_939 = arith.shrsi %get3A_936, %shift_right_arithmetic3A_938 : vector<16xi32>
    %shift_left3A_940 = arith.constant 12 : i32
    %shift_left3A_941 = vector.broadcast %shift_left3A_940 : i32 to vector<16xi32>
    %shift_left3A_942 = arith.shli %shift_right_arithmetic3A_939, %shift_left3A_941 : vector<16xi32>
    %and3A_943 = arith.constant 4095 : i32
    %and3A_944 = vector.broadcast %and3A_943 : i32 to vector<16xi32>
    %and3A_945 = arith.andi %get3A_936, %and3A_944 : vector<16xi32>
    %or3A_946 = arith.ori %shift_left3A_942, %and3A_945 : vector<16xi32>
    %swap3A_947 = arith.constant 5 : i32
    %swap3A_948 = arith.index_cast %swap3A_947 : i32 to index
    %swap3A_949 = arith.constant 64 : index
    %swap3A_950 = tpu.vector_load %arg6[%swap3A_948, %swap3A_949] {strides = array<i32>} : memref<8x128xi32, #tpu.memory_space<vmem>>, vector<1x16xi32>,
    %swap3A_951 = vector.shape_cast %swap3A_950 : vector<1x16xi32> to vector<16xi32>
    %swap3A_952 = vector.shape_cast %or3A_946 : vector<16xi32> to vector<1x16xi32>
    tpu.vector_store %arg6[%swap3A_948, %swap3A_949], %swap3A_952 {strides = array<i32>} : memref<8x128xi32, #tpu.memory_space<vmem>>, vector<1x16xi32>,
    %get3A_953 = arith.constant 5 : i32
    %get3A_954 = arith.index_cast %get3A_953 : i32 to index
    %get3A_955 = arith.constant 80 : index
    %get3A_956 = tpu.vector_load %arg6[%get3A_954, %get3A_955] {strides = array<i32>} : memref<8x128xi32, #tpu.memory_space<vmem>>, vector<1x16xi32>,
    %get3A_957 = vector.shape_cast %get3A_956 : vector<1x16xi32> to vector<16xi32>
    %shift_right_arithmetic3A_958 = arith.constant 13 : i32
    %shift_right_arithmetic3A_959 = vector.broadcast %shift_right_arithmetic3A_958 : i32 to vector<16xi32>
    %shift_right_arithmetic3A_960 = arith.shrsi %get3A_957, %shift_right_arithmetic3A_959 : vector<16xi32>
    %shift_left3A_961 = arith.constant 12 : i32
    %shift_left3A_962 = vector.broadcast %shift_left3A_961 : i32 to vector<16xi32>
    %shift_left3A_963 = arith.shli %shift_right_arithmetic3A_960, %shift_left3A_962 : vector<16xi32>
    %and3A_964 = arith.constant 4095 : i32
    %and3A_965 = vector.broadcast %and3A_964 : i32 to vector<16xi32>
    %and3A_966 = arith.andi %get3A_957, %and3A_965 : vector<16xi32>
    %or3A_967 = arith.ori %shift_left3A_963, %and3A_966 : vector<16xi32>
    %swap3A_968 = arith.constant 5 : i32
    %swap3A_969 = arith.index_cast %swap3A_968 : i32 to index
    %swap3A_970 = arith.constant 80 : index
    %swap3A_971 = tpu.vector_load %arg6[%swap3A_969, %swap3A_970] {strides = array<i32>} : memref<8x128xi32, #tpu.memory_space<vmem>>, vector<1x16xi32>,
    %swap3A_972 = vector.shape_cast %swap3A_971 : vector<1x16xi32> to vector<16xi32>
    %swap3A_973 = vector.shape_cast %or3A_967 : vector<16xi32> to vector<1x16xi32>
    tpu.vector_store %arg6[%swap3A_969, %swap3A_970], %swap3A_973 {strides = array<i32>} : memref<8x128xi32, #tpu.memory_space<vmem>>, vector<1x16xi32>,
    %get3A_974 = arith.constant 5 : i32
    %get3A_975 = arith.index_cast %get3A_974 : i32 to index
    %get3A_976 = arith.constant 96 : index
    %get3A_977 = tpu.vector_load %arg6[%get3A_975, %get3A_976] {strides = array<i32>} : memref<8x128xi32, #tpu.memory_space<vmem>>, vector<1x16xi32>,
    %get3A_978 = vector.shape_cast %get3A_977 : vector<1x16xi32> to vector<16xi32>
    %shift_right_arithmetic3A_979 = arith.constant 13 : i32
    %shift_right_arithmetic3A_980 = vector.broadcast %shift_right_arithmetic3A_979 : i32 to vector<16xi32>
    %shift_right_arithmetic3A_981 = arith.shrsi %get3A_978, %shift_right_arithmetic3A_980 : vector<16xi32>
    %shift_left3A_982 = arith.constant 12 : i32
    %shift_left3A_983 = vector.broadcast %shift_left3A_982 : i32 to vector<16xi32>
    %shift_left3A_984 = arith.shli %shift_right_arithmetic3A_981, %shift_left3A_983 : vector<16xi32>
    %and3A_985 = arith.constant 4095 : i32
    %and3A_986 = vector.broadcast %and3A_985 : i32 to vector<16xi32>
    %and3A_987 = arith.andi %get3A_978, %and3A_986 : vector<16xi32>
    %or3A_988 = arith.ori %shift_left3A_984, %and3A_987 : vector<16xi32>
    %swap3A_989 = arith.constant 5 : i32
    %swap3A_990 = arith.index_cast %swap3A_989 : i32 to index
    %swap3A_991 = arith.constant 96 : index
    %swap3A_992 = tpu.vector_load %arg6[%swap3A_990, %swap3A_991] {strides = array<i32>} : memref<8x128xi32, #tpu.memory_space<vmem>>, vector<1x16xi32>,
    %swap3A_993 = vector.shape_cast %swap3A_992 : vector<1x16xi32> to vector<16xi32>
    %swap3A_994 = vector.shape_cast %or3A_988 : vector<16xi32> to vector<1x16xi32>
    tpu.vector_store %arg6[%swap3A_990, %swap3A_991], %swap3A_994 {strides = array<i32>} : memref<8x128xi32, #tpu.memory_space<vmem>>, vector<1x16xi32>,
    %get3A_995 = arith.constant 5 : i32
    %get3A_996 = arith.index_cast %get3A_995 : i32 to index
    %get3A_997 = arith.constant 112 : index
    %get3A_998 = tpu.vector_load %arg6[%get3A_996, %get3A_997] {strides = array<i32>} : memref<8x128xi32, #tpu.memory_space<vmem>>, vector<1x16xi32>,
    %get3A_999 = vector.shape_cast %get3A_998 : vector<1x16xi32> to vector<16xi32>
    %shift_right_arithmetic3A_1000 = arith.constant 13 : i32
    %shift_right_arithmetic3A_1001 = vector.broadcast %shift_right_arithmetic3A_1000 : i32 to vector<16xi32>
    %shift_right_arithmetic3A_1002 = arith.shrsi %get3A_999, %shift_right_arithmetic3A_1001 : vector<16xi32>
    %shift_left3A_1003 = arith.constant 12 : i32
    %shift_left3A_1004 = vector.broadcast %shift_left3A_1003 : i32 to vector<16xi32>
    %shift_left3A_1005 = arith.shli %shift_right_arithmetic3A_1002, %shift_left3A_1004 : vector<16xi32>
    %and3A_1006 = arith.constant 4095 : i32
    %and3A_1007 = vector.broadcast %and3A_1006 : i32 to vector<16xi32>
    %and3A_1008 = arith.andi %get3A_999, %and3A_1007 : vector<16xi32>
    %or3A_1009 = arith.ori %shift_left3A_1005, %and3A_1008 : vector<16xi32>
    %swap3A_1010 = arith.constant 5 : i32
    %swap3A_1011 = arith.index_cast %swap3A_1010 : i32 to index
    %swap3A_1012 = arith.constant 112 : index
    %swap3A_1013 = tpu.vector_load %arg6[%swap3A_1011, %swap3A_1012] {strides = array<i32>} : memref<8x128xi32, #tpu.memory_space<vmem>>, vector<1x16xi32>,
    %swap3A_1014 = vector.shape_cast %swap3A_1013 : vector<1x16xi32> to vector<16xi32>
    %swap3A_1015 = vector.shape_cast %or3A_1009 : vector<16xi32> to vector<1x16xi32>
    tpu.vector_store %arg6[%swap3A_1011, %swap3A_1012], %swap3A_1015 {strides = array<i32>} : memref<8x128xi32, #tpu.memory_space<vmem>>, vector<1x16xi32>,
    %get3A_1016 = arith.constant 6 : i32
    %get3A_1017 = arith.index_cast %get3A_1016 : i32 to index
    %get3A_1018 = arith.constant 0 : index
    %get3A_1019 = tpu.vector_load %arg6[%get3A_1017, %get3A_1018] {strides = array<i32>} : memref<8x128xi32, #tpu.memory_space<vmem>>, vector<1x16xi32>,
    %get3A_1020 = vector.shape_cast %get3A_1019 : vector<1x16xi32> to vector<16xi32>
    %shift_right_arithmetic3A_1021 = arith.constant 13 : i32
    %shift_right_arithmetic3A_1022 = vector.broadcast %shift_right_arithmetic3A_1021 : i32 to vector<16xi32>
    %shift_right_arithmetic3A_1023 = arith.shrsi %get3A_1020, %shift_right_arithmetic3A_1022 : vector<16xi32>
    %shift_left3A_1024 = arith.constant 12 : i32
    %shift_left3A_1025 = vector.broadcast %shift_left3A_1024 : i32 to vector<16xi32>
    %shift_left3A_1026 = arith.shli %shift_right_arithmetic3A_1023, %shift_left3A_1025 : vector<16xi32>
    %and3A_1027 = arith.constant 4095 : i32
    %and3A_1028 = vector.broadcast %and3A_1027 : i32 to vector<16xi32>
    %and3A_1029 = arith.andi %get3A_1020, %and3A_1028 : vector<16xi32>
    %or3A_1030 = arith.ori %shift_left3A_1026, %and3A_1029 : vector<16xi32>
    %swap3A_1031 = arith.constant 6 : i32
    %swap3A_1032 = arith.index_cast %swap3A_1031 : i32 to index
    %swap3A_1033 = arith.constant 0 : index
    %swap3A_1034 = tpu.vector_load %arg6[%swap3A_1032, %swap3A_1033] {strides = array<i32>} : memref<8x128xi32, #tpu.memory_space<vmem>>, vector<1x16xi32>,
    %swap3A_1035 = vector.shape_cast %swap3A_1034 : vector<1x16xi32> to vector<16xi32>
    %swap3A_1036 = vector.shape_cast %or3A_1030 : vector<16xi32> to vector<1x16xi32>
    tpu.vector_store %arg6[%swap3A_1032, %swap3A_1033], %swap3A_1036 {strides = array<i32>} : memref<8x128xi32, #tpu.memory_space<vmem>>, vector<1x16xi32>,
    %get3A_1037 = arith.constant 6 : i32
    %get3A_1038 = arith.index_cast %get3A_1037 : i32 to index
    %get3A_1039 = arith.constant 16 : index
    %get3A_1040 = tpu.vector_load %arg6[%get3A_1038, %get3A_1039] {strides = array<i32>} : memref<8x128xi32, #tpu.memory_space<vmem>>, vector<1x16xi32>,
    %get3A_1041 = vector.shape_cast %get3A_1040 : vector<1x16xi32> to vector<16xi32>
    %shift_right_arithmetic3A_1042 = arith.constant 13 : i32
    %shift_right_arithmetic3A_1043 = vector.broadcast %shift_right_arithmetic3A_1042 : i32 to vector<16xi32>
    %shift_right_arithmetic3A_1044 = arith.shrsi %get3A_1041, %shift_right_arithmetic3A_1043 : vector<16xi32>
    %shift_left3A_1045 = arith.constant 12 : i32
    %shift_left3A_1046 = vector.broadcast %shift_left3A_1045 : i32 to vector<16xi32>
    %shift_left3A_1047 = arith.shli %shift_right_arithmetic3A_1044, %shift_left3A_1046 : vector<16xi32>
    %and3A_1048 = arith.constant 4095 : i32
    %and3A_1049 = vector.broadcast %and3A_1048 : i32 to vector<16xi32>
    %and3A_1050 = arith.andi %get3A_1041, %and3A_1049 : vector<16xi32>
    %or3A_1051 = arith.ori %shift_left3A_1047, %and3A_1050 : vector<16xi32>
    %swap3A_1052 = arith.constant 6 : i32
    %swap3A_1053 = arith.index_cast %swap3A_1052 : i32 to index
    %swap3A_1054 = arith.constant 16 : index
    %swap3A_1055 = tpu.vector_load %arg6[%swap3A_1053, %swap3A_1054] {strides = array<i32>} : memref<8x128xi32, #tpu.memory_space<vmem>>, vector<1x16xi32>,
    %swap3A_1056 = vector.shape_cast %swap3A_1055 : vector<1x16xi32> to vector<16xi32>
    %swap3A_1057 = vector.shape_cast %or3A_1051 : vector<16xi32> to vector<1x16xi32>
    tpu.vector_store %arg6[%swap3A_1053, %swap3A_1054], %swap3A_1057 {strides = array<i32>} : memref<8x128xi32, #tpu.memory_space<vmem>>, vector<1x16xi32>,
    %get3A_1058 = arith.constant 6 : i32
    %get3A_1059 = arith.index_cast %get3A_1058 : i32 to index
    %get3A_1060 = arith.constant 32 : index
    %get3A_1061 = tpu.vector_load %arg6[%get3A_1059, %get3A_1060] {strides = array<i32>} : memref<8x128xi32, #tpu.memory_space<vmem>>, vector<1x16xi32>,
    %get3A_1062 = vector.shape_cast %get3A_1061 : vector<1x16xi32> to vector<16xi32>
    %shift_right_arithmetic3A_1063 = arith.constant 13 : i32
    %shift_right_arithmetic3A_1064 = vector.broadcast %shift_right_arithmetic3A_1063 : i32 to vector<16xi32>
    %shift_right_arithmetic3A_1065 = arith.shrsi %get3A_1062, %shift_right_arithmetic3A_1064 : vector<16xi32>
    %shift_left3A_1066 = arith.constant 12 : i32
    %shift_left3A_1067 = vector.broadcast %shift_left3A_1066 : i32 to vector<16xi32>
    %shift_left3A_1068 = arith.shli %shift_right_arithmetic3A_1065, %shift_left3A_1067 : vector<16xi32>
    %and3A_1069 = arith.constant 4095 : i32
    %and3A_1070 = vector.broadcast %and3A_1069 : i32 to vector<16xi32>
    %and3A_1071 = arith.andi %get3A_1062, %and3A_1070 : vector<16xi32>
    %or3A_1072 = arith.ori %shift_left3A_1068, %and3A_1071 : vector<16xi32>
    %swap3A_1073 = arith.constant 6 : i32
    %swap3A_1074 = arith.index_cast %swap3A_1073 : i32 to index
    %swap3A_1075 = arith.constant 32 : index
    %swap3A_1076 = tpu.vector_load %arg6[%swap3A_1074, %swap3A_1075] {strides = array<i32>} : memref<8x128xi32, #tpu.memory_space<vmem>>, vector<1x16xi32>,
    %swap3A_1077 = vector.shape_cast %swap3A_1076 : vector<1x16xi32> to vector<16xi32>
    %swap3A_1078 = vector.shape_cast %or3A_1072 : vector<16xi32> to vector<1x16xi32>
    tpu.vector_store %arg6[%swap3A_1074, %swap3A_1075], %swap3A_1078 {strides = array<i32>} : memref<8x128xi32, #tpu.memory_space<vmem>>, vector<1x16xi32>,
    %get3A_1079 = arith.constant 6 : i32
    %get3A_1080 = arith.index_cast %get3A_1079 : i32 to index
    %get3A_1081 = arith.constant 48 : index
    %get3A_1082 = tpu.vector_load %arg6[%get3A_1080, %get3A_1081] {strides = array<i32>} : memref<8x128xi32, #tpu.memory_space<vmem>>, vector<1x16xi32>,
    %get3A_1083 = vector.shape_cast %get3A_1082 : vector<1x16xi32> to vector<16xi32>
    %shift_right_arithmetic3A_1084 = arith.constant 13 : i32
    %shift_right_arithmetic3A_1085 = vector.broadcast %shift_right_arithmetic3A_1084 : i32 to vector<16xi32>
    %shift_right_arithmetic3A_1086 = arith.shrsi %get3A_1083, %shift_right_arithmetic3A_1085 : vector<16xi32>
    %shift_left3A_1087 = arith.constant 12 : i32
    %shift_left3A_1088 = vector.broadcast %shift_left3A_1087 : i32 to vector<16xi32>
    %shift_left3A_1089 = arith.shli %shift_right_arithmetic3A_1086, %shift_left3A_1088 : vector<16xi32>
    %and3A_1090 = arith.constant 4095 : i32
    %and3A_1091 = vector.broadcast %and3A_1090 : i32 to vector<16xi32>
    %and3A_1092 = arith.andi %get3A_1083, %and3A_1091 : vector<16xi32>
    %or3A_1093 = arith.ori %shift_left3A_1089, %and3A_1092 : vector<16xi32>
    %swap3A_1094 = arith.constant 6 : i32
    %swap3A_1095 = arith.index_cast %swap3A_1094 : i32 to index
    %swap3A_1096 = arith.constant 48 : index
    %swap3A_1097 = tpu.vector_load %arg6[%swap3A_1095, %swap3A_1096] {strides = array<i32>} : memref<8x128xi32, #tpu.memory_space<vmem>>, vector<1x16xi32>,
    %swap3A_1098 = vector.shape_cast %swap3A_1097 : vector<1x16xi32> to vector<16xi32>
    %swap3A_1099 = vector.shape_cast %or3A_1093 : vector<16xi32> to vector<1x16xi32>
    tpu.vector_store %arg6[%swap3A_1095, %swap3A_1096], %swap3A_1099 {strides = array<i32>} : memref<8x128xi32, #tpu.memory_space<vmem>>, vector<1x16xi32>,
    %get3A_1100 = arith.constant 6 : i32
    %get3A_1101 = arith.index_cast %get3A_1100 : i32 to index
    %get3A_1102 = arith.constant 64 : index
    %get3A_1103 = tpu.vector_load %arg6[%get3A_1101, %get3A_1102] {strides = array<i32>} : memref<8x128xi32, #tpu.memory_space<vmem>>, vector<1x16xi32>,
    %get3A_1104 = vector.shape_cast %get3A_1103 : vector<1x16xi32> to vector<16xi32>
    %shift_right_arithmetic3A_1105 = arith.constant 13 : i32
    %shift_right_arithmetic3A_1106 = vector.broadcast %shift_right_arithmetic3A_1105 : i32 to vector<16xi32>
    %shift_right_arithmetic3A_1107 = arith.shrsi %get3A_1104, %shift_right_arithmetic3A_1106 : vector<16xi32>
    %shift_left3A_1108 = arith.constant 12 : i32
    %shift_left3A_1109 = vector.broadcast %shift_left3A_1108 : i32 to vector<16xi32>
    %shift_left3A_1110 = arith.shli %shift_right_arithmetic3A_1107, %shift_left3A_1109 : vector<16xi32>
    %and3A_1111 = arith.constant 4095 : i32
    %and3A_1112 = vector.broadcast %and3A_1111 : i32 to vector<16xi32>
    %and3A_1113 = arith.andi %get3A_1104, %and3A_1112 : vector<16xi32>
    %or3A_1114 = arith.ori %shift_left3A_1110, %and3A_1113 : vector<16xi32>
    %swap3A_1115 = arith.constant 6 : i32
    %swap3A_1116 = arith.index_cast %swap3A_1115 : i32 to index
    %swap3A_1117 = arith.constant 64 : index
    %swap3A_1118 = tpu.vector_load %arg6[%swap3A_1116, %swap3A_1117] {strides = array<i32>} : memref<8x128xi32, #tpu.memory_space<vmem>>, vector<1x16xi32>,
    %swap3A_1119 = vector.shape_cast %swap3A_1118 : vector<1x16xi32> to vector<16xi32>
    %swap3A_1120 = vector.shape_cast %or3A_1114 : vector<16xi32> to vector<1x16xi32>
    tpu.vector_store %arg6[%swap3A_1116, %swap3A_1117], %swap3A_1120 {strides = array<i32>} : memref<8x128xi32, #tpu.memory_space<vmem>>, vector<1x16xi32>,
    %get3A_1121 = arith.constant 6 : i32
    %get3A_1122 = arith.index_cast %get3A_1121 : i32 to index
    %get3A_1123 = arith.constant 80 : index
    %get3A_1124 = tpu.vector_load %arg6[%get3A_1122, %get3A_1123] {strides = array<i32>} : memref<8x128xi32, #tpu.memory_space<vmem>>, vector<1x16xi32>,
    %get3A_1125 = vector.shape_cast %get3A_1124 : vector<1x16xi32> to vector<16xi32>
    %shift_right_arithmetic3A_1126 = arith.constant 13 : i32
    %shift_right_arithmetic3A_1127 = vector.broadcast %shift_right_arithmetic3A_1126 : i32 to vector<16xi32>
    %shift_right_arithmetic3A_1128 = arith.shrsi %get3A_1125, %shift_right_arithmetic3A_1127 : vector<16xi32>
    %shift_left3A_1129 = arith.constant 12 : i32
    %shift_left3A_1130 = vector.broadcast %shift_left3A_1129 : i32 to vector<16xi32>
    %shift_left3A_1131 = arith.shli %shift_right_arithmetic3A_1128, %shift_left3A_1130 : vector<16xi32>
    %and3A_1132 = arith.constant 4095 : i32
    %and3A_1133 = vector.broadcast %and3A_1132 : i32 to vector<16xi32>
    %and3A_1134 = arith.andi %get3A_1125, %and3A_1133 : vector<16xi32>
    %or3A_1135 = arith.ori %shift_left3A_1131, %and3A_1134 : vector<16xi32>
    %swap3A_1136 = arith.constant 6 : i32
    %swap3A_1137 = arith.index_cast %swap3A_1136 : i32 to index
    %swap3A_1138 = arith.constant 80 : index
    %swap3A_1139 = tpu.vector_load %arg6[%swap3A_1137, %swap3A_1138] {strides = array<i32>} : memref<8x128xi32, #tpu.memory_space<vmem>>, vector<1x16xi32>,
    %swap3A_1140 = vector.shape_cast %swap3A_1139 : vector<1x16xi32> to vector<16xi32>
    %swap3A_1141 = vector.shape_cast %or3A_1135 : vector<16xi32> to vector<1x16xi32>
    tpu.vector_store %arg6[%swap3A_1137, %swap3A_1138], %swap3A_1141 {strides = array<i32>} : memref<8x128xi32, #tpu.memory_space<vmem>>, vector<1x16xi32>,
    %get3A_1142 = arith.constant 6 : i32
    %get3A_1143 = arith.index_cast %get3A_1142 : i32 to index
    %get3A_1144 = arith.constant 96 : index
    %get3A_1145 = tpu.vector_load %arg6[%get3A_1143, %get3A_1144] {strides = array<i32>} : memref<8x128xi32, #tpu.memory_space<vmem>>, vector<1x16xi32>,
    %get3A_1146 = vector.shape_cast %get3A_1145 : vector<1x16xi32> to vector<16xi32>
    %shift_right_arithmetic3A_1147 = arith.constant 13 : i32
    %shift_right_arithmetic3A_1148 = vector.broadcast %shift_right_arithmetic3A_1147 : i32 to vector<16xi32>
    %shift_right_arithmetic3A_1149 = arith.shrsi %get3A_1146, %shift_right_arithmetic3A_1148 : vector<16xi32>
    %shift_left3A_1150 = arith.constant 12 : i32
    %shift_left3A_1151 = vector.broadcast %shift_left3A_1150 : i32 to vector<16xi32>
    %shift_left3A_1152 = arith.shli %shift_right_arithmetic3A_1149, %shift_left3A_1151 : vector<16xi32>
    %and3A_1153 = arith.constant 4095 : i32
    %and3A_1154 = vector.broadcast %and3A_1153 : i32 to vector<16xi32>
    %and3A_1155 = arith.andi %get3A_1146, %and3A_1154 : vector<16xi32>
    %or3A_1156 = arith.ori %shift_left3A_1152, %and3A_1155 : vector<16xi32>
    %swap3A_1157 = arith.constant 6 : i32
    %swap3A_1158 = arith.index_cast %swap3A_1157 : i32 to index
    %swap3A_1159 = arith.constant 96 : index
    %swap3A_1160 = tpu.vector_load %arg6[%swap3A_1158, %swap3A_1159] {strides = array<i32>} : memref<8x128xi32, #tpu.memory_space<vmem>>, vector<1x16xi32>,
    %swap3A_1161 = vector.shape_cast %swap3A_1160 : vector<1x16xi32> to vector<16xi32>
    %swap3A_1162 = vector.shape_cast %or3A_1156 : vector<16xi32> to vector<1x16xi32>
    tpu.vector_store %arg6[%swap3A_1158, %swap3A_1159], %swap3A_1162 {strides = array<i32>} : memref<8x128xi32, #tpu.memory_space<vmem>>, vector<1x16xi32>,
    %get3A_1163 = arith.constant 6 : i32
    %get3A_1164 = arith.index_cast %get3A_1163 : i32 to index
    %get3A_1165 = arith.constant 112 : index
    %get3A_1166 = tpu.vector_load %arg6[%get3A_1164, %get3A_1165] {strides = array<i32>} : memref<8x128xi32, #tpu.memory_space<vmem>>, vector<1x16xi32>,
    %get3A_1167 = vector.shape_cast %get3A_1166 : vector<1x16xi32> to vector<16xi32>
    %shift_right_arithmetic3A_1168 = arith.constant 13 : i32
    %shift_right_arithmetic3A_1169 = vector.broadcast %shift_right_arithmetic3A_1168 : i32 to vector<16xi32>
    %shift_right_arithmetic3A_1170 = arith.shrsi %get3A_1167, %shift_right_arithmetic3A_1169 : vector<16xi32>
    %shift_left3A_1171 = arith.constant 12 : i32
    %shift_left3A_1172 = vector.broadcast %shift_left3A_1171 : i32 to vector<16xi32>
    %shift_left3A_1173 = arith.shli %shift_right_arithmetic3A_1170, %shift_left3A_1172 : vector<16xi32>
    %and3A_1174 = arith.constant 4095 : i32
    %and3A_1175 = vector.broadcast %and3A_1174 : i32 to vector<16xi32>
    %and3A_1176 = arith.andi %get3A_1167, %and3A_1175 : vector<16xi32>
    %or3A_1177 = arith.ori %shift_left3A_1173, %and3A_1176 : vector<16xi32>
    %swap3A_1178 = arith.constant 6 : i32
    %swap3A_1179 = arith.index_cast %swap3A_1178 : i32 to index
    %swap3A_1180 = arith.constant 112 : index
    %swap3A_1181 = tpu.vector_load %arg6[%swap3A_1179, %swap3A_1180] {strides = array<i32>} : memref<8x128xi32, #tpu.memory_space<vmem>>, vector<1x16xi32>,
    %swap3A_1182 = vector.shape_cast %swap3A_1181 : vector<1x16xi32> to vector<16xi32>
    %swap3A_1183 = vector.shape_cast %or3A_1177 : vector<16xi32> to vector<1x16xi32>
    tpu.vector_store %arg6[%swap3A_1179, %swap3A_1180], %swap3A_1183 {strides = array<i32>} : memref<8x128xi32, #tpu.memory_space<vmem>>, vector<1x16xi32>,
    %get3A_1184 = arith.constant 7 : i32
    %get3A_1185 = arith.index_cast %get3A_1184 : i32 to index
    %get3A_1186 = arith.constant 0 : index
    %get3A_1187 = tpu.vector_load %arg6[%get3A_1185, %get3A_1186] {strides = array<i32>} : memref<8x128xi32, #tpu.memory_space<vmem>>, vector<1x16xi32>,
    %get3A_1188 = vector.shape_cast %get3A_1187 : vector<1x16xi32> to vector<16xi32>
    %shift_right_arithmetic3A_1189 = arith.constant 13 : i32
    %shift_right_arithmetic3A_1190 = vector.broadcast %shift_right_arithmetic3A_1189 : i32 to vector<16xi32>
    %shift_right_arithmetic3A_1191 = arith.shrsi %get3A_1188, %shift_right_arithmetic3A_1190 : vector<16xi32>
    %shift_left3A_1192 = arith.constant 12 : i32
    %shift_left3A_1193 = vector.broadcast %shift_left3A_1192 : i32 to vector<16xi32>
    %shift_left3A_1194 = arith.shli %shift_right_arithmetic3A_1191, %shift_left3A_1193 : vector<16xi32>
    %and3A_1195 = arith.constant 4095 : i32
    %and3A_1196 = vector.broadcast %and3A_1195 : i32 to vector<16xi32>
    %and3A_1197 = arith.andi %get3A_1188, %and3A_1196 : vector<16xi32>
    %or3A_1198 = arith.ori %shift_left3A_1194, %and3A_1197 : vector<16xi32>
    %swap3A_1199 = arith.constant 7 : i32
    %swap3A_1200 = arith.index_cast %swap3A_1199 : i32 to index
    %swap3A_1201 = arith.constant 0 : index
    %swap3A_1202 = tpu.vector_load %arg6[%swap3A_1200, %swap3A_1201] {strides = array<i32>} : memref<8x128xi32, #tpu.memory_space<vmem>>, vector<1x16xi32>,
    %swap3A_1203 = vector.shape_cast %swap3A_1202 : vector<1x16xi32> to vector<16xi32>
    %swap3A_1204 = vector.shape_cast %or3A_1198 : vector<16xi32> to vector<1x16xi32>
    tpu.vector_store %arg6[%swap3A_1200, %swap3A_1201], %swap3A_1204 {strides = array<i32>} : memref<8x128xi32, #tpu.memory_space<vmem>>, vector<1x16xi32>,
    %get3A_1205 = arith.constant 7 : i32
    %get3A_1206 = arith.index_cast %get3A_1205 : i32 to index
    %get3A_1207 = arith.constant 16 : index
    %get3A_1208 = tpu.vector_load %arg6[%get3A_1206, %get3A_1207] {strides = array<i32>} : memref<8x128xi32, #tpu.memory_space<vmem>>, vector<1x16xi32>,
    %get3A_1209 = vector.shape_cast %get3A_1208 : vector<1x16xi32> to vector<16xi32>
    %shift_right_arithmetic3A_1210 = arith.constant 13 : i32
    %shift_right_arithmetic3A_1211 = vector.broadcast %shift_right_arithmetic3A_1210 : i32 to vector<16xi32>
    %shift_right_arithmetic3A_1212 = arith.shrsi %get3A_1209, %shift_right_arithmetic3A_1211 : vector<16xi32>
    %shift_left3A_1213 = arith.constant 12 : i32
    %shift_left3A_1214 = vector.broadcast %shift_left3A_1213 : i32 to vector<16xi32>
    %shift_left3A_1215 = arith.shli %shift_right_arithmetic3A_1212, %shift_left3A_1214 : vector<16xi32>
    %and3A_1216 = arith.constant 4095 : i32
    %and3A_1217 = vector.broadcast %and3A_1216 : i32 to vector<16xi32>
    %and3A_1218 = arith.andi %get3A_1209, %and3A_1217 : vector<16xi32>
    %or3A_1219 = arith.ori %shift_left3A_1215, %and3A_1218 : vector<16xi32>
    %swap3A_1220 = arith.constant 7 : i32
    %swap3A_1221 = arith.index_cast %swap3A_1220 : i32 to index
    %swap3A_1222 = arith.constant 16 : index
    %swap3A_1223 = tpu.vector_load %arg6[%swap3A_1221, %swap3A_1222] {strides = array<i32>} : memref<8x128xi32, #tpu.memory_space<vmem>>, vector<1x16xi32>,
    %swap3A_1224 = vector.shape_cast %swap3A_1223 : vector<1x16xi32> to vector<16xi32>
    %swap3A_1225 = vector.shape_cast %or3A_1219 : vector<16xi32> to vector<1x16xi32>
    tpu.vector_store %arg6[%swap3A_1221, %swap3A_1222], %swap3A_1225 {strides = array<i32>} : memref<8x128xi32, #tpu.memory_space<vmem>>, vector<1x16xi32>,
    %get3A_1226 = arith.constant 7 : i32
    %get3A_1227 = arith.index_cast %get3A_1226 : i32 to index
    %get3A_1228 = arith.constant 32 : index
    %get3A_1229 = tpu.vector_load %arg6[%get3A_1227, %get3A_1228] {strides = array<i32>} : memref<8x128xi32, #tpu.memory_space<vmem>>, vector<1x16xi32>,
    %get3A_1230 = vector.shape_cast %get3A_1229 : vector<1x16xi32> to vector<16xi32>
    %shift_right_arithmetic3A_1231 = arith.constant 13 : i32
    %shift_right_arithmetic3A_1232 = vector.broadcast %shift_right_arithmetic3A_1231 : i32 to vector<16xi32>
    %shift_right_arithmetic3A_1233 = arith.shrsi %get3A_1230, %shift_right_arithmetic3A_1232 : vector<16xi32>
    %shift_left3A_1234 = arith.constant 12 : i32
    %shift_left3A_1235 = vector.broadcast %shift_left3A_1234 : i32 to vector<16xi32>
    %shift_left3A_1236 = arith.shli %shift_right_arithmetic3A_1233, %shift_left3A_1235 : vector<16xi32>
    %and3A_1237 = arith.constant 4095 : i32
    %and3A_1238 = vector.broadcast %and3A_1237 : i32 to vector<16xi32>
    %and3A_1239 = arith.andi %get3A_1230, %and3A_1238 : vector<16xi32>
    %or3A_1240 = arith.ori %shift_left3A_1236, %and3A_1239 : vector<16xi32>
    %swap3A_1241 = arith.constant 7 : i32
    %swap3A_1242 = arith.index_cast %swap3A_1241 : i32 to index
    %swap3A_1243 = arith.constant 32 : index
    %swap3A_1244 = tpu.vector_load %arg6[%swap3A_1242, %swap3A_1243] {strides = array<i32>} : memref<8x128xi32, #tpu.memory_space<vmem>>, vector<1x16xi32>,
    %swap3A_1245 = vector.shape_cast %swap3A_1244 : vector<1x16xi32> to vector<16xi32>
    %swap3A_1246 = vector.shape_cast %or3A_1240 : vector<16xi32> to vector<1x16xi32>
    tpu.vector_store %arg6[%swap3A_1242, %swap3A_1243], %swap3A_1246 {strides = array<i32>} : memref<8x128xi32, #tpu.memory_space<vmem>>, vector<1x16xi32>,
    %get3A_1247 = arith.constant 7 : i32
    %get3A_1248 = arith.index_cast %get3A_1247 : i32 to index
    %get3A_1249 = arith.constant 48 : index
    %get3A_1250 = tpu.vector_load %arg6[%get3A_1248, %get3A_1249] {strides = array<i32>} : memref<8x128xi32, #tpu.memory_space<vmem>>, vector<1x16xi32>,
    %get3A_1251 = vector.shape_cast %get3A_1250 : vector<1x16xi32> to vector<16xi32>
    %shift_right_arithmetic3A_1252 = arith.constant 13 : i32
    %shift_right_arithmetic3A_1253 = vector.broadcast %shift_right_arithmetic3A_1252 : i32 to vector<16xi32>
    %shift_right_arithmetic3A_1254 = arith.shrsi %get3A_1251, %shift_right_arithmetic3A_1253 : vector<16xi32>
    %shift_left3A_1255 = arith.constant 12 : i32
    %shift_left3A_1256 = vector.broadcast %shift_left3A_1255 : i32 to vector<16xi32>
    %shift_left3A_1257 = arith.shli %shift_right_arithmetic3A_1254, %shift_left3A_1256 : vector<16xi32>
    %and3A_1258 = arith.constant 4095 : i32
    %and3A_1259 = vector.broadcast %and3A_1258 : i32 to vector<16xi32>
    %and3A_1260 = arith.andi %get3A_1251, %and3A_1259 : vector<16xi32>
    %or3A_1261 = arith.ori %shift_left3A_1257, %and3A_1260 : vector<16xi32>
    %swap3A_1262 = arith.constant 7 : i32
    %swap3A_1263 = arith.index_cast %swap3A_1262 : i32 to index
    %swap3A_1264 = arith.constant 48 : index
    %swap3A_1265 = tpu.vector_load %arg6[%swap3A_1263, %swap3A_1264] {strides = array<i32>} : memref<8x128xi32, #tpu.memory_space<vmem>>, vector<1x16xi32>,
    %swap3A_1266 = vector.shape_cast %swap3A_1265 : vector<1x16xi32> to vector<16xi32>
    %swap3A_1267 = vector.shape_cast %or3A_1261 : vector<16xi32> to vector<1x16xi32>
    tpu.vector_store %arg6[%swap3A_1263, %swap3A_1264], %swap3A_1267 {strides = array<i32>} : memref<8x128xi32, #tpu.memory_space<vmem>>, vector<1x16xi32>,
    %get3A_1268 = arith.constant 7 : i32
    %get3A_1269 = arith.index_cast %get3A_1268 : i32 to index
    %get3A_1270 = arith.constant 64 : index
    %get3A_1271 = tpu.vector_load %arg6[%get3A_1269, %get3A_1270] {strides = array<i32>} : memref<8x128xi32, #tpu.memory_space<vmem>>, vector<1x16xi32>,
    %get3A_1272 = vector.shape_cast %get3A_1271 : vector<1x16xi32> to vector<16xi32>
    %shift_right_arithmetic3A_1273 = arith.constant 13 : i32
    %shift_right_arithmetic3A_1274 = vector.broadcast %shift_right_arithmetic3A_1273 : i32 to vector<16xi32>
    %shift_right_arithmetic3A_1275 = arith.shrsi %get3A_1272, %shift_right_arithmetic3A_1274 : vector<16xi32>
    %shift_left3A_1276 = arith.constant 12 : i32
    %shift_left3A_1277 = vector.broadcast %shift_left3A_1276 : i32 to vector<16xi32>
    %shift_left3A_1278 = arith.shli %shift_right_arithmetic3A_1275, %shift_left3A_1277 : vector<16xi32>
    %and3A_1279 = arith.constant 4095 : i32
    %and3A_1280 = vector.broadcast %and3A_1279 : i32 to vector<16xi32>
    %and3A_1281 = arith.andi %get3A_1272, %and3A_1280 : vector<16xi32>
    %or3A_1282 = arith.ori %shift_left3A_1278, %and3A_1281 : vector<16xi32>
    %swap3A_1283 = arith.constant 7 : i32
    %swap3A_1284 = arith.index_cast %swap3A_1283 : i32 to index
    %swap3A_1285 = arith.constant 64 : index
    %swap3A_1286 = tpu.vector_load %arg6[%swap3A_1284, %swap3A_1285] {strides = array<i32>} : memref<8x128xi32, #tpu.memory_space<vmem>>, vector<1x16xi32>,
    %swap3A_1287 = vector.shape_cast %swap3A_1286 : vector<1x16xi32> to vector<16xi32>
    %swap3A_1288 = vector.shape_cast %or3A_1282 : vector<16xi32> to vector<1x16xi32>
    tpu.vector_store %arg6[%swap3A_1284, %swap3A_1285], %swap3A_1288 {strides = array<i32>} : memref<8x128xi32, #tpu.memory_space<vmem>>, vector<1x16xi32>,
    %get3A_1289 = arith.constant 7 : i32
    %get3A_1290 = arith.index_cast %get3A_1289 : i32 to index
    %get3A_1291 = arith.constant 80 : index
    %get3A_1292 = tpu.vector_load %arg6[%get3A_1290, %get3A_1291] {strides = array<i32>} : memref<8x128xi32, #tpu.memory_space<vmem>>, vector<1x16xi32>,
    %get3A_1293 = vector.shape_cast %get3A_1292 : vector<1x16xi32> to vector<16xi32>
    %shift_right_arithmetic3A_1294 = arith.constant 13 : i32
    %shift_right_arithmetic3A_1295 = vector.broadcast %shift_right_arithmetic3A_1294 : i32 to vector<16xi32>
    %shift_right_arithmetic3A_1296 = arith.shrsi %get3A_1293, %shift_right_arithmetic3A_1295 : vector<16xi32>
    %shift_left3A_1297 = arith.constant 12 : i32
    %shift_left3A_1298 = vector.broadcast %shift_left3A_1297 : i32 to vector<16xi32>
    %shift_left3A_1299 = arith.shli %shift_right_arithmetic3A_1296, %shift_left3A_1298 : vector<16xi32>
    %and3A_1300 = arith.constant 4095 : i32
    %and3A_1301 = vector.broadcast %and3A_1300 : i32 to vector<16xi32>
    %and3A_1302 = arith.andi %get3A_1293, %and3A_1301 : vector<16xi32>
    %or3A_1303 = arith.ori %shift_left3A_1299, %and3A_1302 : vector<16xi32>
    %swap3A_1304 = arith.constant 7 : i32
    %swap3A_1305 = arith.index_cast %swap3A_1304 : i32 to index
    %swap3A_1306 = arith.constant 80 : index
    %swap3A_1307 = tpu.vector_load %arg6[%swap3A_1305, %swap3A_1306] {strides = array<i32>} : memref<8x128xi32, #tpu.memory_space<vmem>>, vector<1x16xi32>,
    %swap3A_1308 = vector.shape_cast %swap3A_1307 : vector<1x16xi32> to vector<16xi32>
    %swap3A_1309 = vector.shape_cast %or3A_1303 : vector<16xi32> to vector<1x16xi32>
    tpu.vector_store %arg6[%swap3A_1305, %swap3A_1306], %swap3A_1309 {strides = array<i32>} : memref<8x128xi32, #tpu.memory_space<vmem>>, vector<1x16xi32>,
    %get3A_1310 = arith.constant 7 : i32
    %get3A_1311 = arith.index_cast %get3A_1310 : i32 to index
    %get3A_1312 = arith.constant 96 : index
    %get3A_1313 = tpu.vector_load %arg6[%get3A_1311, %get3A_1312] {strides = array<i32>} : memref<8x128xi32, #tpu.memory_space<vmem>>, vector<1x16xi32>,
    %get3A_1314 = vector.shape_cast %get3A_1313 : vector<1x16xi32> to vector<16xi32>
    %shift_right_arithmetic3A_1315 = arith.constant 13 : i32
    %shift_right_arithmetic3A_1316 = vector.broadcast %shift_right_arithmetic3A_1315 : i32 to vector<16xi32>
    %shift_right_arithmetic3A_1317 = arith.shrsi %get3A_1314, %shift_right_arithmetic3A_1316 : vector<16xi32>
    %shift_left3A_1318 = arith.constant 12 : i32
    %shift_left3A_1319 = vector.broadcast %shift_left3A_1318 : i32 to vector<16xi32>
    %shift_left3A_1320 = arith.shli %shift_right_arithmetic3A_1317, %shift_left3A_1319 : vector<16xi32>
    %and3A_1321 = arith.constant 4095 : i32
    %and3A_1322 = vector.broadcast %and3A_1321 : i32 to vector<16xi32>
    %and3A_1323 = arith.andi %get3A_1314, %and3A_1322 : vector<16xi32>
    %or3A_1324 = arith.ori %shift_left3A_1320, %and3A_1323 : vector<16xi32>
    %swap3A_1325 = arith.constant 7 : i32
    %swap3A_1326 = arith.index_cast %swap3A_1325 : i32 to index
    %swap3A_1327 = arith.constant 96 : index
    %swap3A_1328 = tpu.vector_load %arg6[%swap3A_1326, %swap3A_1327] {strides = array<i32>} : memref<8x128xi32, #tpu.memory_space<vmem>>, vector<1x16xi32>,
    %swap3A_1329 = vector.shape_cast %swap3A_1328 : vector<1x16xi32> to vector<16xi32>
    %swap3A_1330 = vector.shape_cast %or3A_1324 : vector<16xi32> to vector<1x16xi32>
    tpu.vector_store %arg6[%swap3A_1326, %swap3A_1327], %swap3A_1330 {strides = array<i32>} : memref<8x128xi32, #tpu.memory_space<vmem>>, vector<1x16xi32>,
    %get3A_1331 = arith.constant 7 : i32
    %get3A_1332 = arith.index_cast %get3A_1331 : i32 to index
    %get3A_1333 = arith.constant 112 : index
    %get3A_1334 = tpu.vector_load %arg6[%get3A_1332, %get3A_1333] {strides = array<i32>} : memref<8x128xi32, #tpu.memory_space<vmem>>, vector<1x16xi32>,
    %get3A_1335 = vector.shape_cast %get3A_1334 : vector<1x16xi32> to vector<16xi32>
    %shift_right_arithmetic3A_1336 = arith.constant 13 : i32
    %shift_right_arithmetic3A_1337 = vector.broadcast %shift_right_arithmetic3A_1336 : i32 to vector<16xi32>
    %shift_right_arithmetic3A_1338 = arith.shrsi %get3A_1335, %shift_right_arithmetic3A_1337 : vector<16xi32>
    %shift_left3A_1339 = arith.constant 12 : i32
    %shift_left3A_1340 = vector.broadcast %shift_left3A_1339 : i32 to vector<16xi32>
    %shift_left3A_1341 = arith.shli %shift_right_arithmetic3A_1338, %shift_left3A_1340 : vector<16xi32>
    %and3A_1342 = arith.constant 4095 : i32
    %and3A_1343 = vector.broadcast %and3A_1342 : i32 to vector<16xi32>
    %and3A_1344 = arith.andi %get3A_1335, %and3A_1343 : vector<16xi32>
    %or3A_1345 = arith.ori %shift_left3A_1341, %and3A_1344 : vector<16xi32>
    %swap3A_1346 = arith.constant 7 : i32
    %swap3A_1347 = arith.index_cast %swap3A_1346 : i32 to index
    %swap3A_1348 = arith.constant 112 : index
    %swap3A_1349 = tpu.vector_load %arg6[%swap3A_1347, %swap3A_1348] {strides = array<i32>} : memref<8x128xi32, #tpu.memory_space<vmem>>, vector<1x16xi32>,
    %swap3A_1350 = vector.shape_cast %swap3A_1349 : vector<1x16xi32> to vector<16xi32>
    %swap3A_1351 = vector.shape_cast %or3A_1345 : vector<16xi32> to vector<1x16xi32>
    tpu.vector_store %arg6[%swap3A_1347, %swap3A_1348], %swap3A_1351 {strides = array<i32>} : memref<8x128xi32, #tpu.memory_space<vmem>>, vector<1x16xi32>,
    %dma_start3A = arith.constant 0 : i32
    %dma_start3A_1352 = arith.constant 0 : i32
    %dma_start3A_1353 = tpu.memref_slice %arg6[%dma_start3A, %dma_start3A_1352] : memref<8x128xi32, #tpu.memory_space<vmem>> -> memref<1x128xi32, #tpu.memory_space<vmem>>
    %dma_start3A_1354 = tpu.memref_squeeze %dma_start3A_1353 : memref<1x128xi32, #tpu.memory_space<vmem>> -> memref<128xi32, #tpu.memory_space<vmem>>
    %dma_start3A_1355 = arith.constant 0 : i32
    %dma_start3A_1356 = arith.constant 0 : i32
    %dma_start3A_1357 = tpu.memref_slice %arg2[%dma_start3A_1355, %dma_start3A_1356] : memref<503808x128xi32, #tpu.memory_space<hbm>> -> memref<503808x128xi32, #tpu.memory_space<hbm>>
    tpu.enqueue_indirect_dma source(%dma_start3A_1357 : memref<503808x128xi32, #tpu.memory_space<hbm>>) target(%arg7 : memref<128x128xi32, #tpu.memory_space<vmem>>) offsets(%dma_start3A_1354 : memref<128xi32, #tpu.memory_space<vmem>>) semaphore(%arg9 : memref<!tpu.dma_semaphore, #tpu.memory_space<semaphore_mem>>)
    %dma_start3A_1358 = arith.constant 1 : i32
    %dma_start3A_1359 = arith.constant 0 : i32
    %dma_start3A_1360 = tpu.memref_slice %arg6[%dma_start3A_1358, %dma_start3A_1359] : memref<8x128xi32, #tpu.memory_space<vmem>> -> memref<1x128xi32, #tpu.memory_space<vmem>>
    %dma_start3A_1361 = tpu.memref_squeeze %dma_start3A_1360 : memref<1x128xi32, #tpu.memory_space<vmem>> -> memref<128xi32, #tpu.memory_space<vmem>>
    %dma_start3A_1362 = arith.constant 0 : i32
    %dma_start3A_1363 = arith.constant 0 : i32
    %dma_start3A_1364 = tpu.memref_slice %arg2[%dma_start3A_1362, %dma_start3A_1363] : memref<503808x128xi32, #tpu.memory_space<hbm>> -> memref<503808x128xi32, #tpu.memory_space<hbm>>
    tpu.enqueue_indirect_dma source(%dma_start3A_1364 : memref<503808x128xi32, #tpu.memory_space<hbm>>) target(%arg8 : memref<128x128xi32, #tpu.memory_space<vmem>>) offsets(%dma_start3A_1361 : memref<128xi32, #tpu.memory_space<vmem>>) semaphore(%arg10 : memref<!tpu.dma_semaphore, #tpu.memory_space<semaphore_mem>>)
    %dma_wait3A = arith.constant 0 : i32
    %dma_wait3A_1365 = arith.constant 0 : i32
    %dma_wait3A_1366 = tpu.memref_slice %arg6[%dma_wait3A, %dma_wait3A_1365] : memref<8x128xi32, #tpu.memory_space<vmem>> -> memref<1x128xi32, #tpu.memory_space<vmem>>
    %dma_wait3A_1367 = tpu.memref_squeeze %dma_wait3A_1366 : memref<1x128xi32, #tpu.memory_space<vmem>> -> memref<128xi32, #tpu.memory_space<vmem>>
    %dma_wait3A_1368 = arith.constant 0 : i32
    %dma_wait3A_1369 = arith.constant 0 : i32
    %dma_wait3A_1370 = tpu.memref_slice %arg2[%dma_wait3A_1368, %dma_wait3A_1369] : memref<503808x128xi32, #tpu.memory_space<hbm>> -> memref<503808x128xi32, #tpu.memory_space<hbm>>
    tpu.wait_indirect_dma semaphore(%arg9 : memref<!tpu.dma_semaphore, #tpu.memory_space<semaphore_mem>>) src(%dma_wait3A_1370 : memref<503808x128xi32, #tpu.memory_space<hbm>>) dst(%arg7 : memref<128x128xi32, #tpu.memory_space<vmem>>)
    %add3A_1371 = arith.constant 0 : i32
    %add3A_1372 = arith.addi %mul3A_2, %add3A_1371 : i32
    "tpu.region"() ({
      %run_scoped3A = tpu.sem_alloc : memref<!tpu.dma_semaphore, #tpu.memory_space<semaphore_mem>>
      %dma_start3A_1478 = arith.constant 0 : i32
      %dma_start3A_1479 = arith.constant 0 : i32
      %dma_start3A_1480 = tpu.memref_slice %arg5[%add3A_1372, %dma_start3A_1478, %dma_start3A_1479] : memref<256x128x128xi32, #tpu.memory_space<hbm>> -> memref<1x128x128xi32, #tpu.memory_space<hbm>>
      %dma_start3A_1481 = tpu.memref_squeeze %dma_start3A_1480 : memref<1x128x128xi32, #tpu.memory_space<hbm>> -> memref<128x128xi32, #tpu.memory_space<hbm>>
      %dma_start3A_1482 = arith.constant 0 : i32
      %dma_start3A_1483 = arith.constant 0 : i32
      %dma_start3A_1484 = tpu.memref_slice %arg5[%add3A_1372, %dma_start3A_1482, %dma_start3A_1483] : memref<256x128x128xi32, #tpu.memory_space<hbm>> -> memref<1x128x128xi32, #tpu.memory_space<hbm>>
      %dma_start3A_1485 = tpu.memref_squeeze %dma_start3A_1484 : memref<1x128x128xi32, #tpu.memory_space<hbm>> -> memref<128x128xi32, #tpu.memory_space<hbm>>
      tpu.enqueue_dma source(%arg7 : memref<128x128xi32, #tpu.memory_space<vmem>>) target(%dma_start3A_1485 : memref<128x128xi32, #tpu.memory_space<hbm>>) target_semaphore(%run_scoped3A : memref<!tpu.dma_semaphore, #tpu.memory_space<semaphore_mem>>)
      %dma_wait3A_1486 = arith.constant 0 : i32
      %dma_wait3A_1487 = arith.constant 0 : i32
      %dma_wait3A_1488 = tpu.memref_slice %arg5[%add3A_1372, %dma_wait3A_1486, %dma_wait3A_1487] : memref<256x128x128xi32, #tpu.memory_space<hbm>> -> memref<1x128x128xi32, #tpu.memory_space<hbm>>
      %dma_wait3A_1489 = tpu.memref_squeeze %dma_wait3A_1488 : memref<1x128x128xi32, #tpu.memory_space<hbm>> -> memref<128x128xi32, #tpu.memory_space<hbm>>
      %dma_wait3A_1490 = arith.constant 0 : i32
      %dma_wait3A_1491 = arith.constant 0 : i32
      %dma_wait3A_1492 = tpu.memref_slice %arg5[%add3A_1372, %dma_wait3A_1490, %dma_wait3A_1491] : memref<256x128x128xi32, #tpu.memory_space<hbm>> -> memref<1x128x128xi32, #tpu.memory_space<hbm>>
      %dma_wait3A_1493 = tpu.memref_squeeze %dma_wait3A_1492 : memref<1x128x128xi32, #tpu.memory_space<hbm>> -> memref<128x128xi32, #tpu.memory_space<hbm>>
      tpu.wait_dma2 semaphore(%run_scoped3A : memref<!tpu.dma_semaphore, #tpu.memory_space<semaphore_mem>>) src(%arg7 : memref<128x128xi32, #tpu.memory_space<vmem>>) dst(%dma_wait3A_1493 : memref<128x128xi32, #tpu.memory_space<hbm>>)
      tpu.yield
    }) : () -> ()
    %dma_start3A_1373 = arith.constant 2 : i32
    %dma_start3A_1374 = arith.constant 0 : i32
    %dma_start3A_1375 = tpu.memref_slice %arg6[%dma_start3A_1373, %dma_start3A_1374] : memref<8x128xi32, #tpu.memory_space<vmem>> -> memref<1x128xi32, #tpu.memory_space<vmem>>
    %dma_start3A_1376 = tpu.memref_squeeze %dma_start3A_1375 : memref<1x128xi32, #tpu.memory_space<vmem>> -> memref<128xi32, #tpu.memory_space<vmem>>
    %dma_start3A_1377 = arith.constant 0 : i32
    %dma_start3A_1378 = arith.constant 0 : i32
    %dma_start3A_1379 = tpu.memref_slice %arg2[%dma_start3A_1377, %dma_start3A_1378] : memref<503808x128xi32, #tpu.memory_space<hbm>> -> memref<503808x128xi32, #tpu.memory_space<hbm>>
    tpu.enqueue_indirect_dma source(%dma_start3A_1379 : memref<503808x128xi32, #tpu.memory_space<hbm>>) target(%arg7 : memref<128x128xi32, #tpu.memory_space<vmem>>) offsets(%dma_start3A_1376 : memref<128xi32, #tpu.memory_space<vmem>>) semaphore(%arg9 : memref<!tpu.dma_semaphore, #tpu.memory_space<semaphore_mem>>)
    %dma_wait3A_1380 = arith.constant 1 : i32
    %dma_wait3A_1381 = arith.constant 0 : i32
    %dma_wait3A_1382 = tpu.memref_slice %arg6[%dma_wait3A_1380, %dma_wait3A_1381] : memref<8x128xi32, #tpu.memory_space<vmem>> -> memref<1x128xi32, #tpu.memory_space<vmem>>
    %dma_wait3A_1383 = tpu.memref_squeeze %dma_wait3A_1382 : memref<1x128xi32, #tpu.memory_space<vmem>> -> memref<128xi32, #tpu.memory_space<vmem>>
    %dma_wait3A_1384 = arith.constant 0 : i32
    %dma_wait3A_1385 = arith.constant 0 : i32
    %dma_wait3A_1386 = tpu.memref_slice %arg2[%dma_wait3A_1384, %dma_wait3A_1385] : memref<503808x128xi32, #tpu.memory_space<hbm>> -> memref<503808x128xi32, #tpu.memory_space<hbm>>
    tpu.wait_indirect_dma semaphore(%arg10 : memref<!tpu.dma_semaphore, #tpu.memory_space<semaphore_mem>>) src(%dma_wait3A_1386 : memref<503808x128xi32, #tpu.memory_space<hbm>>) dst(%arg8 : memref<128x128xi32, #tpu.memory_space<vmem>>)
    %add3A_1387 = arith.constant 1 : i32
    %add3A_1388 = arith.addi %mul3A_2, %add3A_1387 : i32
    "tpu.region"() ({
      %run_scoped3A = tpu.sem_alloc : memref<!tpu.dma_semaphore, #tpu.memory_space<semaphore_mem>>
      %dma_start3A_1478 = arith.constant 0 : i32
      %dma_start3A_1479 = arith.constant 0 : i32
      %dma_start3A_1480 = tpu.memref_slice %arg5[%add3A_1388, %dma_start3A_1478, %dma_start3A_1479] : memref<256x128x128xi32, #tpu.memory_space<hbm>> -> memref<1x128x128xi32, #tpu.memory_space<hbm>>
      %dma_start3A_1481 = tpu.memref_squeeze %dma_start3A_1480 : memref<1x128x128xi32, #tpu.memory_space<hbm>> -> memref<128x128xi32, #tpu.memory_space<hbm>>
      %dma_start3A_1482 = arith.constant 0 : i32
      %dma_start3A_1483 = arith.constant 0 : i32
      %dma_start3A_1484 = tpu.memref_slice %arg5[%add3A_1388, %dma_start3A_1482, %dma_start3A_1483] : memref<256x128x128xi32, #tpu.memory_space<hbm>> -> memref<1x128x128xi32, #tpu.memory_space<hbm>>
      %dma_start3A_1485 = tpu.memref_squeeze %dma_start3A_1484 : memref<1x128x128xi32, #tpu.memory_space<hbm>> -> memref<128x128xi32, #tpu.memory_space<hbm>>
      tpu.enqueue_dma source(%arg8 : memref<128x128xi32, #tpu.memory_space<vmem>>) target(%dma_start3A_1485 : memref<128x128xi32, #tpu.memory_space<hbm>>) target_semaphore(%run_scoped3A : memref<!tpu.dma_semaphore, #tpu.memory_space<semaphore_mem>>)
      %dma_wait3A_1486 = arith.constant 0 : i32
      %dma_wait3A_1487 = arith.constant 0 : i32
      %dma_wait3A_1488 = tpu.memref_slice %arg5[%add3A_1388, %dma_wait3A_1486, %dma_wait3A_1487] : memref<256x128x128xi32, #tpu.memory_space<hbm>> -> memref<1x128x128xi32, #tpu.memory_space<hbm>>
      %dma_wait3A_1489 = tpu.memref_squeeze %dma_wait3A_1488 : memref<1x128x128xi32, #tpu.memory_space<hbm>> -> memref<128x128xi32, #tpu.memory_space<hbm>>
      %dma_wait3A_1490 = arith.constant 0 : i32
      %dma_wait3A_1491 = arith.constant 0 : i32
      %dma_wait3A_1492 = tpu.memref_slice %arg5[%add3A_1388, %dma_wait3A_1490, %dma_wait3A_1491] : memref<256x128x128xi32, #tpu.memory_space<hbm>> -> memref<1x128x128xi32, #tpu.memory_space<hbm>>
      %dma_wait3A_1493 = tpu.memref_squeeze %dma_wait3A_1492 : memref<1x128x128xi32, #tpu.memory_space<hbm>> -> memref<128x128xi32, #tpu.memory_space<hbm>>
      tpu.wait_dma2 semaphore(%run_scoped3A : memref<!tpu.dma_semaphore, #tpu.memory_space<semaphore_mem>>) src(%arg8 : memref<128x128xi32, #tpu.memory_space<vmem>>) dst(%dma_wait3A_1493 : memref<128x128xi32, #tpu.memory_space<hbm>>)
      tpu.yield
    }) : () -> ()
    %dma_start3A_1389 = arith.constant 3 : i32
    %dma_start3A_1390 = arith.constant 0 : i32
    %dma_start3A_1391 = tpu.memref_slice %arg6[%dma_start3A_1389, %dma_start3A_1390] : memref<8x128xi32, #tpu.memory_space<vmem>> -> memref<1x128xi32, #tpu.memory_space<vmem>>
    %dma_start3A_1392 = tpu.memref_squeeze %dma_start3A_1391 : memref<1x128xi32, #tpu.memory_space<vmem>> -> memref<128xi32, #tpu.memory_space<vmem>>
    %dma_start3A_1393 = arith.constant 0 : i32
    %dma_start3A_1394 = arith.constant 0 : i32
    %dma_start3A_1395 = tpu.memref_slice %arg2[%dma_start3A_1393, %dma_start3A_1394] : memref<503808x128xi32, #tpu.memory_space<hbm>> -> memref<503808x128xi32, #tpu.memory_space<hbm>>
    tpu.enqueue_indirect_dma source(%dma_start3A_1395 : memref<503808x128xi32, #tpu.memory_space<hbm>>) target(%arg8 : memref<128x128xi32, #tpu.memory_space<vmem>>) offsets(%dma_start3A_1392 : memref<128xi32, #tpu.memory_space<vmem>>) semaphore(%arg10 : memref<!tpu.dma_semaphore, #tpu.memory_space<semaphore_mem>>)
    %dma_wait3A_1396 = arith.constant 2 : i32
    %dma_wait3A_1397 = arith.constant 0 : i32
    %dma_wait3A_1398 = tpu.memref_slice %arg6[%dma_wait3A_1396, %dma_wait3A_1397] : memref<8x128xi32, #tpu.memory_space<vmem>> -> memref<1x128xi32, #tpu.memory_space<vmem>>
    %dma_wait3A_1399 = tpu.memref_squeeze %dma_wait3A_1398 : memref<1x128xi32, #tpu.memory_space<vmem>> -> memref<128xi32, #tpu.memory_space<vmem>>
    %dma_wait3A_1400 = arith.constant 0 : i32
    %dma_wait3A_1401 = arith.constant 0 : i32
    %dma_wait3A_1402 = tpu.memref_slice %arg2[%dma_wait3A_1400, %dma_wait3A_1401] : memref<503808x128xi32, #tpu.memory_space<hbm>> -> memref<503808x128xi32, #tpu.memory_space<hbm>>
    tpu.wait_indirect_dma semaphore(%arg9 : memref<!tpu.dma_semaphore, #tpu.memory_space<semaphore_mem>>) src(%dma_wait3A_1402 : memref<503808x128xi32, #tpu.memory_space<hbm>>) dst(%arg7 : memref<128x128xi32, #tpu.memory_space<vmem>>)
    %add3A_1403 = arith.constant 2 : i32
    %add3A_1404 = arith.addi %mul3A_2, %add3A_1403 : i32
    "tpu.region"() ({
      %run_scoped3A = tpu.sem_alloc : memref<!tpu.dma_semaphore, #tpu.memory_space<semaphore_mem>>
      %dma_start3A_1478 = arith.constant 0 : i32
      %dma_start3A_1479 = arith.constant 0 : i32
      %dma_start3A_1480 = tpu.memref_slice %arg5[%add3A_1404, %dma_start3A_1478, %dma_start3A_1479] : memref<256x128x128xi32, #tpu.memory_space<hbm>> -> memref<1x128x128xi32, #tpu.memory_space<hbm>>
      %dma_start3A_1481 = tpu.memref_squeeze %dma_start3A_1480 : memref<1x128x128xi32, #tpu.memory_space<hbm>> -> memref<128x128xi32, #tpu.memory_space<hbm>>
      %dma_start3A_1482 = arith.constant 0 : i32
      %dma_start3A_1483 = arith.constant 0 : i32
      %dma_start3A_1484 = tpu.memref_slice %arg5[%add3A_1404, %dma_start3A_1482, %dma_start3A_1483] : memref<256x128x128xi32, #tpu.memory_space<hbm>> -> memref<1x128x128xi32, #tpu.memory_space<hbm>>
      %dma_start3A_1485 = tpu.memref_squeeze %dma_start3A_1484 : memref<1x128x128xi32, #tpu.memory_space<hbm>> -> memref<128x128xi32, #tpu.memory_space<hbm>>
      tpu.enqueue_dma source(%arg7 : memref<128x128xi32, #tpu.memory_space<vmem>>) target(%dma_start3A_1485 : memref<128x128xi32, #tpu.memory_space<hbm>>) target_semaphore(%run_scoped3A : memref<!tpu.dma_semaphore, #tpu.memory_space<semaphore_mem>>)
      %dma_wait3A_1486 = arith.constant 0 : i32
      %dma_wait3A_1487 = arith.constant 0 : i32
      %dma_wait3A_1488 = tpu.memref_slice %arg5[%add3A_1404, %dma_wait3A_1486, %dma_wait3A_1487] : memref<256x128x128xi32, #tpu.memory_space<hbm>> -> memref<1x128x128xi32, #tpu.memory_space<hbm>>
      %dma_wait3A_1489 = tpu.memref_squeeze %dma_wait3A_1488 : memref<1x128x128xi32, #tpu.memory_space<hbm>> -> memref<128x128xi32, #tpu.memory_space<hbm>>
      %dma_wait3A_1490 = arith.constant 0 : i32
      %dma_wait3A_1491 = arith.constant 0 : i32
      %dma_wait3A_1492 = tpu.memref_slice %arg5[%add3A_1404, %dma_wait3A_1490, %dma_wait3A_1491] : memref<256x128x128xi32, #tpu.memory_space<hbm>> -> memref<1x128x128xi32, #tpu.memory_space<hbm>>
      %dma_wait3A_1493 = tpu.memref_squeeze %dma_wait3A_1492 : memref<1x128x128xi32, #tpu.memory_space<hbm>> -> memref<128x128xi32, #tpu.memory_space<hbm>>
      tpu.wait_dma2 semaphore(%run_scoped3A : memref<!tpu.dma_semaphore, #tpu.memory_space<semaphore_mem>>) src(%arg7 : memref<128x128xi32, #tpu.memory_space<vmem>>) dst(%dma_wait3A_1493 : memref<128x128xi32, #tpu.memory_space<hbm>>)
      tpu.yield
    }) : () -> ()
    %dma_start3A_1405 = arith.constant 4 : i32
    %dma_start3A_1406 = arith.constant 0 : i32
    %dma_start3A_1407 = tpu.memref_slice %arg6[%dma_start3A_1405, %dma_start3A_1406] : memref<8x128xi32, #tpu.memory_space<vmem>> -> memref<1x128xi32, #tpu.memory_space<vmem>>
    %dma_start3A_1408 = tpu.memref_squeeze %dma_start3A_1407 : memref<1x128xi32, #tpu.memory_space<vmem>> -> memref<128xi32, #tpu.memory_space<vmem>>
    %dma_start3A_1409 = arith.constant 0 : i32
    %dma_start3A_1410 = arith.constant 0 : i32
    %dma_start3A_1411 = tpu.memref_slice %arg2[%dma_start3A_1409, %dma_start3A_1410] : memref<503808x128xi32, #tpu.memory_space<hbm>> -> memref<503808x128xi32, #tpu.memory_space<hbm>>
    tpu.enqueue_indirect_dma source(%dma_start3A_1411 : memref<503808x128xi32, #tpu.memory_space<hbm>>) target(%arg7 : memref<128x128xi32, #tpu.memory_space<vmem>>) offsets(%dma_start3A_1408 : memref<128xi32, #tpu.memory_space<vmem>>) semaphore(%arg9 : memref<!tpu.dma_semaphore, #tpu.memory_space<semaphore_mem>>)
    %dma_wait3A_1412 = arith.constant 3 : i32
    %dma_wait3A_1413 = arith.constant 0 : i32
    %dma_wait3A_1414 = tpu.memref_slice %arg6[%dma_wait3A_1412, %dma_wait3A_1413] : memref<8x128xi32, #tpu.memory_space<vmem>> -> memref<1x128xi32, #tpu.memory_space<vmem>>
    %dma_wait3A_1415 = tpu.memref_squeeze %dma_wait3A_1414 : memref<1x128xi32, #tpu.memory_space<vmem>> -> memref<128xi32, #tpu.memory_space<vmem>>
    %dma_wait3A_1416 = arith.constant 0 : i32
    %dma_wait3A_1417 = arith.constant 0 : i32
    %dma_wait3A_1418 = tpu.memref_slice %arg2[%dma_wait3A_1416, %dma_wait3A_1417] : memref<503808x128xi32, #tpu.memory_space<hbm>> -> memref<503808x128xi32, #tpu.memory_space<hbm>>
    tpu.wait_indirect_dma semaphore(%arg10 : memref<!tpu.dma_semaphore, #tpu.memory_space<semaphore_mem>>) src(%dma_wait3A_1418 : memref<503808x128xi32, #tpu.memory_space<hbm>>) dst(%arg8 : memref<128x128xi32, #tpu.memory_space<vmem>>)
    %add3A_1419 = arith.constant 3 : i32
    %add3A_1420 = arith.addi %mul3A_2, %add3A_1419 : i32
    "tpu.region"() ({
      %run_scoped3A = tpu.sem_alloc : memref<!tpu.dma_semaphore, #tpu.memory_space<semaphore_mem>>
      %dma_start3A_1478 = arith.constant 0 : i32
      %dma_start3A_1479 = arith.constant 0 : i32
      %dma_start3A_1480 = tpu.memref_slice %arg5[%add3A_1420, %dma_start3A_1478, %dma_start3A_1479] : memref<256x128x128xi32, #tpu.memory_space<hbm>> -> memref<1x128x128xi32, #tpu.memory_space<hbm>>
      %dma_start3A_1481 = tpu.memref_squeeze %dma_start3A_1480 : memref<1x128x128xi32, #tpu.memory_space<hbm>> -> memref<128x128xi32, #tpu.memory_space<hbm>>
      %dma_start3A_1482 = arith.constant 0 : i32
      %dma_start3A_1483 = arith.constant 0 : i32
      %dma_start3A_1484 = tpu.memref_slice %arg5[%add3A_1420, %dma_start3A_1482, %dma_start3A_1483] : memref<256x128x128xi32, #tpu.memory_space<hbm>> -> memref<1x128x128xi32, #tpu.memory_space<hbm>>
      %dma_start3A_1485 = tpu.memref_squeeze %dma_start3A_1484 : memref<1x128x128xi32, #tpu.memory_space<hbm>> -> memref<128x128xi32, #tpu.memory_space<hbm>>
      tpu.enqueue_dma source(%arg8 : memref<128x128xi32, #tpu.memory_space<vmem>>) target(%dma_start3A_1485 : memref<128x128xi32, #tpu.memory_space<hbm>>) target_semaphore(%run_scoped3A : memref<!tpu.dma_semaphore, #tpu.memory_space<semaphore_mem>>)
      %dma_wait3A_1486 = arith.constant 0 : i32
      %dma_wait3A_1487 = arith.constant 0 : i32
      %dma_wait3A_1488 = tpu.memref_slice %arg5[%add3A_1420, %dma_wait3A_1486, %dma_wait3A_1487] : memref<256x128x128xi32, #tpu.memory_space<hbm>> -> memref<1x128x128xi32, #tpu.memory_space<hbm>>
      %dma_wait3A_1489 = tpu.memref_squeeze %dma_wait3A_1488 : memref<1x128x128xi32, #tpu.memory_space<hbm>> -> memref<128x128xi32, #tpu.memory_space<hbm>>
      %dma_wait3A_1490 = arith.constant 0 : i32
      %dma_wait3A_1491 = arith.constant 0 : i32
      %dma_wait3A_1492 = tpu.memref_slice %arg5[%add3A_1420, %dma_wait3A_1490, %dma_wait3A_1491] : memref<256x128x128xi32, #tpu.memory_space<hbm>> -> memref<1x128x128xi32, #tpu.memory_space<hbm>>
      %dma_wait3A_1493 = tpu.memref_squeeze %dma_wait3A_1492 : memref<1x128x128xi32, #tpu.memory_space<hbm>> -> memref<128x128xi32, #tpu.memory_space<hbm>>
      tpu.wait_dma2 semaphore(%run_scoped3A : memref<!tpu.dma_semaphore, #tpu.memory_space<semaphore_mem>>) src(%arg8 : memref<128x128xi32, #tpu.memory_space<vmem>>) dst(%dma_wait3A_1493 : memref<128x128xi32, #tpu.memory_space<hbm>>)
      tpu.yield
    }) : () -> ()
    %dma_start3A_1421 = arith.constant 5 : i32
    %dma_start3A_1422 = arith.constant 0 : i32
    %dma_start3A_1423 = tpu.memref_slice %arg6[%dma_start3A_1421, %dma_start3A_1422] : memref<8x128xi32, #tpu.memory_space<vmem>> -> memref<1x128xi32, #tpu.memory_space<vmem>>
    %dma_start3A_1424 = tpu.memref_squeeze %dma_start3A_1423 : memref<1x128xi32, #tpu.memory_space<vmem>> -> memref<128xi32, #tpu.memory_space<vmem>>
    %dma_start3A_1425 = arith.constant 0 : i32
    %dma_start3A_1426 = arith.constant 0 : i32
    %dma_start3A_1427 = tpu.memref_slice %arg2[%dma_start3A_1425, %dma_start3A_1426] : memref<503808x128xi32, #tpu.memory_space<hbm>> -> memref<503808x128xi32, #tpu.memory_space<hbm>>
    tpu.enqueue_indirect_dma source(%dma_start3A_1427 : memref<503808x128xi32, #tpu.memory_space<hbm>>) target(%arg8 : memref<128x128xi32, #tpu.memory_space<vmem>>) offsets(%dma_start3A_1424 : memref<128xi32, #tpu.memory_space<vmem>>) semaphore(%arg10 : memref<!tpu.dma_semaphore, #tpu.memory_space<semaphore_mem>>)
    %dma_wait3A_1428 = arith.constant 4 : i32
    %dma_wait3A_1429 = arith.constant 0 : i32
    %dma_wait3A_1430 = tpu.memref_slice %arg6[%dma_wait3A_1428, %dma_wait3A_1429] : memref<8x128xi32, #tpu.memory_space<vmem>> -> memref<1x128xi32, #tpu.memory_space<vmem>>
    %dma_wait3A_1431 = tpu.memref_squeeze %dma_wait3A_1430 : memref<1x128xi32, #tpu.memory_space<vmem>> -> memref<128xi32, #tpu.memory_space<vmem>>
    %dma_wait3A_1432 = arith.constant 0 : i32
    %dma_wait3A_1433 = arith.constant 0 : i32
    %dma_wait3A_1434 = tpu.memref_slice %arg2[%dma_wait3A_1432, %dma_wait3A_1433] : memref<503808x128xi32, #tpu.memory_space<hbm>> -> memref<503808x128xi32, #tpu.memory_space<hbm>>
    tpu.wait_indirect_dma semaphore(%arg9 : memref<!tpu.dma_semaphore, #tpu.memory_space<semaphore_mem>>) src(%dma_wait3A_1434 : memref<503808x128xi32, #tpu.memory_space<hbm>>) dst(%arg7 : memref<128x128xi32, #tpu.memory_space<vmem>>)
    %add3A_1435 = arith.constant 4 : i32
    %add3A_1436 = arith.addi %mul3A_2, %add3A_1435 : i32
    "tpu.region"() ({
      %run_scoped3A = tpu.sem_alloc : memref<!tpu.dma_semaphore, #tpu.memory_space<semaphore_mem>>
      %dma_start3A_1478 = arith.constant 0 : i32
      %dma_start3A_1479 = arith.constant 0 : i32
      %dma_start3A_1480 = tpu.memref_slice %arg5[%add3A_1436, %dma_start3A_1478, %dma_start3A_1479] : memref<256x128x128xi32, #tpu.memory_space<hbm>> -> memref<1x128x128xi32, #tpu.memory_space<hbm>>
      %dma_start3A_1481 = tpu.memref_squeeze %dma_start3A_1480 : memref<1x128x128xi32, #tpu.memory_space<hbm>> -> memref<128x128xi32, #tpu.memory_space<hbm>>
      %dma_start3A_1482 = arith.constant 0 : i32
      %dma_start3A_1483 = arith.constant 0 : i32
      %dma_start3A_1484 = tpu.memref_slice %arg5[%add3A_1436, %dma_start3A_1482, %dma_start3A_1483] : memref<256x128x128xi32, #tpu.memory_space<hbm>> -> memref<1x128x128xi32, #tpu.memory_space<hbm>>
      %dma_start3A_1485 = tpu.memref_squeeze %dma_start3A_1484 : memref<1x128x128xi32, #tpu.memory_space<hbm>> -> memref<128x128xi32, #tpu.memory_space<hbm>>
      tpu.enqueue_dma source(%arg7 : memref<128x128xi32, #tpu.memory_space<vmem>>) target(%dma_start3A_1485 : memref<128x128xi32, #tpu.memory_space<hbm>>) target_semaphore(%run_scoped3A : memref<!tpu.dma_semaphore, #tpu.memory_space<semaphore_mem>>)
      %dma_wait3A_1486 = arith.constant 0 : i32
      %dma_wait3A_1487 = arith.constant 0 : i32
      %dma_wait3A_1488 = tpu.memref_slice %arg5[%add3A_1436, %dma_wait3A_1486, %dma_wait3A_1487] : memref<256x128x128xi32, #tpu.memory_space<hbm>> -> memref<1x128x128xi32, #tpu.memory_space<hbm>>
      %dma_wait3A_1489 = tpu.memref_squeeze %dma_wait3A_1488 : memref<1x128x128xi32, #tpu.memory_space<hbm>> -> memref<128x128xi32, #tpu.memory_space<hbm>>
      %dma_wait3A_1490 = arith.constant 0 : i32
      %dma_wait3A_1491 = arith.constant 0 : i32
      %dma_wait3A_1492 = tpu.memref_slice %arg5[%add3A_1436, %dma_wait3A_1490, %dma_wait3A_1491] : memref<256x128x128xi32, #tpu.memory_space<hbm>> -> memref<1x128x128xi32, #tpu.memory_space<hbm>>
      %dma_wait3A_1493 = tpu.memref_squeeze %dma_wait3A_1492 : memref<1x128x128xi32, #tpu.memory_space<hbm>> -> memref<128x128xi32, #tpu.memory_space<hbm>>
      tpu.wait_dma2 semaphore(%run_scoped3A : memref<!tpu.dma_semaphore, #tpu.memory_space<semaphore_mem>>) src(%arg7 : memref<128x128xi32, #tpu.memory_space<vmem>>) dst(%dma_wait3A_1493 : memref<128x128xi32, #tpu.memory_space<hbm>>)
      tpu.yield
    }) : () -> ()
    %dma_start3A_1437 = arith.constant 6 : i32
    %dma_start3A_1438 = arith.constant 0 : i32
    %dma_start3A_1439 = tpu.memref_slice %arg6[%dma_start3A_1437, %dma_start3A_1438] : memref<8x128xi32, #tpu.memory_space<vmem>> -> memref<1x128xi32, #tpu.memory_space<vmem>>
    %dma_start3A_1440 = tpu.memref_squeeze %dma_start3A_1439 : memref<1x128xi32, #tpu.memory_space<vmem>> -> memref<128xi32, #tpu.memory_space<vmem>>
    %dma_start3A_1441 = arith.constant 0 : i32
    %dma_start3A_1442 = arith.constant 0 : i32
    %dma_start3A_1443 = tpu.memref_slice %arg2[%dma_start3A_1441, %dma_start3A_1442] : memref<503808x128xi32, #tpu.memory_space<hbm>> -> memref<503808x128xi32, #tpu.memory_space<hbm>>
    tpu.enqueue_indirect_dma source(%dma_start3A_1443 : memref<503808x128xi32, #tpu.memory_space<hbm>>) target(%arg7 : memref<128x128xi32, #tpu.memory_space<vmem>>) offsets(%dma_start3A_1440 : memref<128xi32, #tpu.memory_space<vmem>>) semaphore(%arg9 : memref<!tpu.dma_semaphore, #tpu.memory_space<semaphore_mem>>)
    %dma_wait3A_1444 = arith.constant 5 : i32
    %dma_wait3A_1445 = arith.constant 0 : i32
    %dma_wait3A_1446 = tpu.memref_slice %arg6[%dma_wait3A_1444, %dma_wait3A_1445] : memref<8x128xi32, #tpu.memory_space<vmem>> -> memref<1x128xi32, #tpu.memory_space<vmem>>
    %dma_wait3A_1447 = tpu.memref_squeeze %dma_wait3A_1446 : memref<1x128xi32, #tpu.memory_space<vmem>> -> memref<128xi32, #tpu.memory_space<vmem>>
    %dma_wait3A_1448 = arith.constant 0 : i32
    %dma_wait3A_1449 = arith.constant 0 : i32
    %dma_wait3A_1450 = tpu.memref_slice %arg2[%dma_wait3A_1448, %dma_wait3A_1449] : memref<503808x128xi32, #tpu.memory_space<hbm>> -> memref<503808x128xi32, #tpu.memory_space<hbm>>
    tpu.wait_indirect_dma semaphore(%arg10 : memref<!tpu.dma_semaphore, #tpu.memory_space<semaphore_mem>>) src(%dma_wait3A_1450 : memref<503808x128xi32, #tpu.memory_space<hbm>>) dst(%arg8 : memref<128x128xi32, #tpu.memory_space<vmem>>)
    %add3A_1451 = arith.constant 5 : i32
    %add3A_1452 = arith.addi %mul3A_2, %add3A_1451 : i32
    "tpu.region"() ({
      %run_scoped3A = tpu.sem_alloc : memref<!tpu.dma_semaphore, #tpu.memory_space<semaphore_mem>>
      %dma_start3A_1478 = arith.constant 0 : i32
      %dma_start3A_1479 = arith.constant 0 : i32
      %dma_start3A_1480 = tpu.memref_slice %arg5[%add3A_1452, %dma_start3A_1478, %dma_start3A_1479] : memref<256x128x128xi32, #tpu.memory_space<hbm>> -> memref<1x128x128xi32, #tpu.memory_space<hbm>>
      %dma_start3A_1481 = tpu.memref_squeeze %dma_start3A_1480 : memref<1x128x128xi32, #tpu.memory_space<hbm>> -> memref<128x128xi32, #tpu.memory_space<hbm>>
      %dma_start3A_1482 = arith.constant 0 : i32
      %dma_start3A_1483 = arith.constant 0 : i32
      %dma_start3A_1484 = tpu.memref_slice %arg5[%add3A_1452, %dma_start3A_1482, %dma_start3A_1483] : memref<256x128x128xi32, #tpu.memory_space<hbm>> -> memref<1x128x128xi32, #tpu.memory_space<hbm>>
      %dma_start3A_1485 = tpu.memref_squeeze %dma_start3A_1484 : memref<1x128x128xi32, #tpu.memory_space<hbm>> -> memref<128x128xi32, #tpu.memory_space<hbm>>
      tpu.enqueue_dma source(%arg8 : memref<128x128xi32, #tpu.memory_space<vmem>>) target(%dma_start3A_1485 : memref<128x128xi32, #tpu.memory_space<hbm>>) target_semaphore(%run_scoped3A : memref<!tpu.dma_semaphore, #tpu.memory_space<semaphore_mem>>)
      %dma_wait3A_1486 = arith.constant 0 : i32
      %dma_wait3A_1487 = arith.constant 0 : i32
      %dma_wait3A_1488 = tpu.memref_slice %arg5[%add3A_1452, %dma_wait3A_1486, %dma_wait3A_1487] : memref<256x128x128xi32, #tpu.memory_space<hbm>> -> memref<1x128x128xi32, #tpu.memory_space<hbm>>
      %dma_wait3A_1489 = tpu.memref_squeeze %dma_wait3A_1488 : memref<1x128x128xi32, #tpu.memory_space<hbm>> -> memref<128x128xi32, #tpu.memory_space<hbm>>
      %dma_wait3A_1490 = arith.constant 0 : i32
      %dma_wait3A_1491 = arith.constant 0 : i32
      %dma_wait3A_1492 = tpu.memref_slice %arg5[%add3A_1452, %dma_wait3A_1490, %dma_wait3A_1491] : memref<256x128x128xi32, #tpu.memory_space<hbm>> -> memref<1x128x128xi32, #tpu.memory_space<hbm>>
      %dma_wait3A_1493 = tpu.memref_squeeze %dma_wait3A_1492 : memref<1x128x128xi32, #tpu.memory_space<hbm>> -> memref<128x128xi32, #tpu.memory_space<hbm>>
      tpu.wait_dma2 semaphore(%run_scoped3A : memref<!tpu.dma_semaphore, #tpu.memory_space<semaphore_mem>>) src(%arg8 : memref<128x128xi32, #tpu.memory_space<vmem>>) dst(%dma_wait3A_1493 : memref<128x128xi32, #tpu.memory_space<hbm>>)
      tpu.yield
    }) : () -> ()
    %dma_start3A_1453 = arith.constant 7 : i32
    %dma_start3A_1454 = arith.constant 0 : i32
    %dma_start3A_1455 = tpu.memref_slice %arg6[%dma_start3A_1453, %dma_start3A_1454] : memref<8x128xi32, #tpu.memory_space<vmem>> -> memref<1x128xi32, #tpu.memory_space<vmem>>
    %dma_start3A_1456 = tpu.memref_squeeze %dma_start3A_1455 : memref<1x128xi32, #tpu.memory_space<vmem>> -> memref<128xi32, #tpu.memory_space<vmem>>
    %dma_start3A_1457 = arith.constant 0 : i32
    %dma_start3A_1458 = arith.constant 0 : i32
    %dma_start3A_1459 = tpu.memref_slice %arg2[%dma_start3A_1457, %dma_start3A_1458] : memref<503808x128xi32, #tpu.memory_space<hbm>> -> memref<503808x128xi32, #tpu.memory_space<hbm>>
    tpu.enqueue_indirect_dma source(%dma_start3A_1459 : memref<503808x128xi32, #tpu.memory_space<hbm>>) target(%arg8 : memref<128x128xi32, #tpu.memory_space<vmem>>) offsets(%dma_start3A_1456 : memref<128xi32, #tpu.memory_space<vmem>>) semaphore(%arg10 : memref<!tpu.dma_semaphore, #tpu.memory_space<semaphore_mem>>)
    %dma_wait3A_1460 = arith.constant 6 : i32
    %dma_wait3A_1461 = arith.constant 0 : i32
    %dma_wait3A_1462 = tpu.memref_slice %arg6[%dma_wait3A_1460, %dma_wait3A_1461] : memref<8x128xi32, #tpu.memory_space<vmem>> -> memref<1x128xi32, #tpu.memory_space<vmem>>
    %dma_wait3A_1463 = tpu.memref_squeeze %dma_wait3A_1462 : memref<1x128xi32, #tpu.memory_space<vmem>> -> memref<128xi32, #tpu.memory_space<vmem>>
    %dma_wait3A_1464 = arith.constant 0 : i32
    %dma_wait3A_1465 = arith.constant 0 : i32
    %dma_wait3A_1466 = tpu.memref_slice %arg2[%dma_wait3A_1464, %dma_wait3A_1465] : memref<503808x128xi32, #tpu.memory_space<hbm>> -> memref<503808x128xi32, #tpu.memory_space<hbm>>
    tpu.wait_indirect_dma semaphore(%arg9 : memref<!tpu.dma_semaphore, #tpu.memory_space<semaphore_mem>>) src(%dma_wait3A_1466 : memref<503808x128xi32, #tpu.memory_space<hbm>>) dst(%arg7 : memref<128x128xi32, #tpu.memory_space<vmem>>)
    %add3A_1467 = arith.constant 6 : i32
    %add3A_1468 = arith.addi %mul3A_2, %add3A_1467 : i32
    "tpu.region"() ({
      %run_scoped3A = tpu.sem_alloc : memref<!tpu.dma_semaphore, #tpu.memory_space<semaphore_mem>>
      %dma_start3A_1478 = arith.constant 0 : i32
      %dma_start3A_1479 = arith.constant 0 : i32
      %dma_start3A_1480 = tpu.memref_slice %arg5[%add3A_1468, %dma_start3A_1478, %dma_start3A_1479] : memref<256x128x128xi32, #tpu.memory_space<hbm>> -> memref<1x128x128xi32, #tpu.memory_space<hbm>>
      %dma_start3A_1481 = tpu.memref_squeeze %dma_start3A_1480 : memref<1x128x128xi32, #tpu.memory_space<hbm>> -> memref<128x128xi32, #tpu.memory_space<hbm>>
      %dma_start3A_1482 = arith.constant 0 : i32
      %dma_start3A_1483 = arith.constant 0 : i32
      %dma_start3A_1484 = tpu.memref_slice %arg5[%add3A_1468, %dma_start3A_1482, %dma_start3A_1483] : memref<256x128x128xi32, #tpu.memory_space<hbm>> -> memref<1x128x128xi32, #tpu.memory_space<hbm>>
      %dma_start3A_1485 = tpu.memref_squeeze %dma_start3A_1484 : memref<1x128x128xi32, #tpu.memory_space<hbm>> -> memref<128x128xi32, #tpu.memory_space<hbm>>
      tpu.enqueue_dma source(%arg7 : memref<128x128xi32, #tpu.memory_space<vmem>>) target(%dma_start3A_1485 : memref<128x128xi32, #tpu.memory_space<hbm>>) target_semaphore(%run_scoped3A : memref<!tpu.dma_semaphore, #tpu.memory_space<semaphore_mem>>)
      %dma_wait3A_1486 = arith.constant 0 : i32
      %dma_wait3A_1487 = arith.constant 0 : i32
      %dma_wait3A_1488 = tpu.memref_slice %arg5[%add3A_1468, %dma_wait3A_1486, %dma_wait3A_1487] : memref<256x128x128xi32, #tpu.memory_space<hbm>> -> memref<1x128x128xi32, #tpu.memory_space<hbm>>
      %dma_wait3A_1489 = tpu.memref_squeeze %dma_wait3A_1488 : memref<1x128x128xi32, #tpu.memory_space<hbm>> -> memref<128x128xi32, #tpu.memory_space<hbm>>
      %dma_wait3A_1490 = arith.constant 0 : i32
      %dma_wait3A_1491 = arith.constant 0 : i32
      %dma_wait3A_1492 = tpu.memref_slice %arg5[%add3A_1468, %dma_wait3A_1490, %dma_wait3A_1491] : memref<256x128x128xi32, #tpu.memory_space<hbm>> -> memref<1x128x128xi32, #tpu.memory_space<hbm>>
      %dma_wait3A_1493 = tpu.memref_squeeze %dma_wait3A_1492 : memref<1x128x128xi32, #tpu.memory_space<hbm>> -> memref<128x128xi32, #tpu.memory_space<hbm>>
      tpu.wait_dma2 semaphore(%run_scoped3A : memref<!tpu.dma_semaphore, #tpu.memory_space<semaphore_mem>>) src(%arg7 : memref<128x128xi32, #tpu.memory_space<vmem>>) dst(%dma_wait3A_1493 : memref<128x128xi32, #tpu.memory_space<hbm>>)
      tpu.yield
    }) : () -> ()
    %dma_wait3A_1469 = arith.constant 7 : i32
    %dma_wait3A_1470 = arith.constant 0 : i32
    %dma_wait3A_1471 = tpu.memref_slice %arg6[%dma_wait3A_1469, %dma_wait3A_1470] : memref<8x128xi32, #tpu.memory_space<vmem>> -> memref<1x128xi32, #tpu.memory_space<vmem>>
    %dma_wait3A_1472 = tpu.memref_squeeze %dma_wait3A_1471 : memref<1x128xi32, #tpu.memory_space<vmem>> -> memref<128xi32, #tpu.memory_space<vmem>>
    %dma_wait3A_1473 = arith.constant 0 : i32
    %dma_wait3A_1474 = arith.constant 0 : i32
    %dma_wait3A_1475 = tpu.memref_slice %arg2[%dma_wait3A_1473, %dma_wait3A_1474] : memref<503808x128xi32, #tpu.memory_space<hbm>> -> memref<503808x128xi32, #tpu.memory_space<hbm>>
    tpu.wait_indirect_dma semaphore(%arg10 : memref<!tpu.dma_semaphore, #tpu.memory_space<semaphore_mem>>) src(%dma_wait3A_1475 : memref<503808x128xi32, #tpu.memory_space<hbm>>) dst(%arg8 : memref<128x128xi32, #tpu.memory_space<vmem>>)
    %add3A_1476 = arith.constant 7 : i32
    %add3A_1477 = arith.addi %mul3A_2, %add3A_1476 : i32
    "tpu.region"() ({
      %run_scoped3A = tpu.sem_alloc : memref<!tpu.dma_semaphore, #tpu.memory_space<semaphore_mem>>
      %dma_start3A_1478 = arith.constant 0 : i32
      %dma_start3A_1479 = arith.constant 0 : i32
      %dma_start3A_1480 = tpu.memref_slice %arg5[%add3A_1477, %dma_start3A_1478, %dma_start3A_1479] : memref<256x128x128xi32, #tpu.memory_space<hbm>> -> memref<1x128x128xi32, #tpu.memory_space<hbm>>
      %dma_start3A_1481 = tpu.memref_squeeze %dma_start3A_1480 : memref<1x128x128xi32, #tpu.memory_space<hbm>> -> memref<128x128xi32, #tpu.memory_space<hbm>>
      %dma_start3A_1482 = arith.constant 0 : i32
      %dma_start3A_1483 = arith.constant 0 : i32
      %dma_start3A_1484 = tpu.memref_slice %arg5[%add3A_1477, %dma_start3A_1482, %dma_start3A_1483] : memref<256x128x128xi32, #tpu.memory_space<hbm>> -> memref<1x128x128xi32, #tpu.memory_space<hbm>>
      %dma_start3A_1485 = tpu.memref_squeeze %dma_start3A_1484 : memref<1x128x128xi32, #tpu.memory_space<hbm>> -> memref<128x128xi32, #tpu.memory_space<hbm>>
      tpu.enqueue_dma source(%arg8 : memref<128x128xi32, #tpu.memory_space<vmem>>) target(%dma_start3A_1485 : memref<128x128xi32, #tpu.memory_space<hbm>>) target_semaphore(%run_scoped3A : memref<!tpu.dma_semaphore, #tpu.memory_space<semaphore_mem>>)
      %dma_wait3A_1486 = arith.constant 0 : i32
      %dma_wait3A_1487 = arith.constant 0 : i32
      %dma_wait3A_1488 = tpu.memref_slice %arg5[%add3A_1477, %dma_wait3A_1486, %dma_wait3A_1487] : memref<256x128x128xi32, #tpu.memory_space<hbm>> -> memref<1x128x128xi32, #tpu.memory_space<hbm>>
      %dma_wait3A_1489 = tpu.memref_squeeze %dma_wait3A_1488 : memref<1x128x128xi32, #tpu.memory_space<hbm>> -> memref<128x128xi32, #tpu.memory_space<hbm>>
      %dma_wait3A_1490 = arith.constant 0 : i32
      %dma_wait3A_1491 = arith.constant 0 : i32
      %dma_wait3A_1492 = tpu.memref_slice %arg5[%add3A_1477, %dma_wait3A_1490, %dma_wait3A_1491] : memref<256x128x128xi32, #tpu.memory_space<hbm>> -> memref<1x128x128xi32, #tpu.memory_space<hbm>>
      %dma_wait3A_1493 = tpu.memref_squeeze %dma_wait3A_1492 : memref<1x128x128xi32, #tpu.memory_space<hbm>> -> memref<128x128xi32, #tpu.memory_space<hbm>>
      tpu.wait_dma2 semaphore(%run_scoped3A : memref<!tpu.dma_semaphore, #tpu.memory_space<semaphore_mem>>) src(%arg8 : memref<128x128xi32, #tpu.memory_space<vmem>>) dst(%dma_wait3A_1493 : memref<128x128xi32, #tpu.memory_space<hbm>>)
      tpu.yield
    }) : () -> ()
    return
  }
}

module attributes {stable_mosaic.version = 14 : i64} {
  func.func @_proj_body(%arg0: i32, %arg1: memref<32x8192xf32, #tpu.memory_space<vmem>>, %arg2: memref<32x128xf32, #tpu.memory_space<vmem>>, %arg3: memref<4096x128xi32, #tpu.memory_space<vmem>>) attributes {dimension_semantics = [#tpu.dimension_semantics<arbitrary>], iteration_bounds = array<i64: 123>, scalar_prefetch = 0 : i64, scratch_operands = 0 : i64, tpu.core_type = #tpu.core_type<tc>, window_params = [{transform_indices = @transform_0, window_bounds = array<i64: 32, 8192>}, {pipeline_mode = #tpu.pipeline_mode<synchronous>, transform_indices = @transform_1, window_bounds = array<i64: 32, 128>}, {transform_indices = @transform_2, window_bounds = array<i64: 4096, 128>}]} {
    %get3A = arith.constant 0 : index
    %get3A_0 = arith.constant 0 : index
    %get3A_1 = vector.load %arg1[%get3A, %get3A_0] : memref<32x8192xf32, #tpu.memory_space<vmem>>, vector<32x8192xf32>
    %convert_element_type3A = arith.truncf %get3A_1 : vector<32x8192xf32> to vector<32x8192xbf16>
    %get3A_2 = arith.constant 0 : index
    %get3A_3 = arith.constant 0 : index
    %get3A_4 = vector.load %arg2[%get3A_2, %get3A_3] : memref<32x128xf32, #tpu.memory_space<vmem>>, vector<32x128xf32>
    %convert_element_type3A_5 = arith.truncf %get3A_4 : vector<32x128xf32> to vector<32x128xbf16>
    %dot_general3A = arith.constant dense<0.000000e+00> : vector<8192x128xf32>
    %dot_general3A_6 = tpu.matmul %convert_element_type3A, %convert_element_type3A_5, %dot_general3A {dimension_numbers = #tpu.dot_dimension_numbers<[0], [0], [1], [1], [0, 1, 1, 1], [], []>, transpose_lhs_hint = false} : vector<32x8192xbf16>, vector<32x128xbf16>, vector<8192x128xf32> -> vector<8192x128xf32>
    %bitcast_convert_type3A = tpu.bitcast %dot_general3A_6 : vector<8192x128xf32> -> vector<8192x128xi32>
    %slice3A = vector.extract_strided_slice %bitcast_convert_type3A {offsets = [0, 0], sizes = [4096, 128], strides = [1, 1]} : vector<8192x128xi32> to vector<4096x128xi32>
    %shift_right_logical3A = arith.constant 16 : i32
    %shift_right_logical3A_7 = vector.broadcast %shift_right_logical3A : i32 to vector<4096x128xi32>
    %shift_right_logical3A_8 = arith.shrui %slice3A, %shift_right_logical3A_7 : vector<4096x128xi32>
    %slice3A_9 = vector.extract_strided_slice %bitcast_convert_type3A {offsets = [4096, 0], sizes = [4096, 128], strides = [1, 1]} : vector<8192x128xi32> to vector<4096x128xi32>
    %and3A = arith.constant -65536 : i32
    %and3A_10 = vector.broadcast %and3A : i32 to vector<4096x128xi32>
    %and3A_11 = arith.andi %slice3A_9, %and3A_10 : vector<4096x128xi32>
    %or3A = arith.ori %shift_right_logical3A_8, %and3A_11 : vector<4096x128xi32>
    %bitcast_convert_type3A_12 = tpu.bitcast %or3A : vector<4096x128xi32> -> vector<4096x128xi32>
    %swap3A = arith.constant 0 : index
    %swap3A_13 = arith.constant 0 : index
    %swap3A_14 = vector.load %arg3[%swap3A, %swap3A_13] : memref<4096x128xi32, #tpu.memory_space<vmem>>, vector<4096x128xi32>
    tpu.vector_store %arg3[%swap3A, %swap3A_13], %bitcast_convert_type3A_12 {strides = array<i32>} : memref<4096x128xi32, #tpu.memory_space<vmem>>, vector<4096x128xi32>,
    return
  }
  func.func @transform_0(%arg0: i32) -> (i32, i32) {
    %c0_i32 = arith.constant 0 : i32
    %c0_i32_0 = arith.constant 0 : i32
    return %c0_i32, %arg0 : i32, i32
  }
  func.func @transform_1(%arg0: i32) -> (i32, i32) {
    %c0_i32 = arith.constant 0 : i32
    %c0_i32_0 = arith.constant 0 : i32
    %c0_i32_1 = arith.constant 0 : i32
    return %c0_i32, %c0_i32_0 : i32, i32
  }
  func.func @transform_2(%arg0: i32) -> (i32, i32) {
    %c0_i32 = arith.constant 0 : i32
    %c0_i32_0 = arith.constant 0 : i32
    return %arg0, %c0_i32 : i32, i32
  }
}

module attributes {stable_mosaic.version = 14 : i64} {
  func.func @_mlp_body(%arg0: i32, %arg1: memref<2048x128xi32, #tpu.memory_space<vmem>>, %arg2: memref<2048x128xi32, #tpu.memory_space<vmem>>, %arg3: memref<2048xi32, #tpu.memory_space<vmem>>, %arg4: memref<2048xi32, #tpu.memory_space<vmem>>, %arg5: memref<50x2048xf32, #tpu.memory_space<vmem>>, %arg6: memref<50x64xf32, #tpu.memory_space<vmem>>, %arg7: memref<1x64xf32, #tpu.memory_space<vmem>>, %arg8: memref<64x1xf32, #tpu.memory_space<vmem>>, %arg9: memref<1x1xf32, #tpu.memory_space<vmem>>, %arg10: memref<2048x1xf32, #tpu.memory_space<vmem>>) attributes {dimension_semantics = [#tpu.dimension_semantics<arbitrary>], iteration_bounds = array<i64: 8>, scalar_prefetch = 0 : i64, scratch_operands = 0 : i64, tpu.core_type = #tpu.core_type<tc>, window_params = [{transform_indices = @transform_0, window_bounds = array<i64: 2048, 128>}, {transform_indices = @transform_1, window_bounds = array<i64: 2048, 128>}, {transform_indices = @transform_2, window_bounds = array<i64: 2048>}, {transform_indices = @transform_3, window_bounds = array<i64: 2048>}, {transform_indices = @transform_4, window_bounds = array<i64: 50, 2048>}, {pipeline_mode = #tpu.pipeline_mode<synchronous>, transform_indices = @transform_5, window_bounds = array<i64: 50, 64>}, {pipeline_mode = #tpu.pipeline_mode<synchronous>, transform_indices = @transform_6, window_bounds = array<i64: 1, 64>}, {pipeline_mode = #tpu.pipeline_mode<synchronous>, transform_indices = @transform_7, window_bounds = array<i64: 64, 1>}, {pipeline_mode = #tpu.pipeline_mode<synchronous>, transform_indices = @transform_8, window_bounds = array<i64: 1, 1>}, {transform_indices = @transform_9, window_bounds = array<i64: 2048, 1>}]} {
    %get3A = arith.constant 0 : index
    %get3A_0 = arith.constant 0 : index
    %get3A_1 = vector.load %arg5[%get3A, %get3A_0] : memref<50x2048xf32, #tpu.memory_space<vmem>>, vector<50x2048xf32>
    %get3A_2 = arith.constant 0 : index
    %get3A_3 = arith.constant 0 : index
    %get3A_4 = vector.load %arg6[%get3A_2, %get3A_3] : memref<50x64xf32, #tpu.memory_space<vmem>>, vector<50x64xf32>
    %dot_general3A = arith.constant dense<0.000000e+00> : vector<2048x64xf32>
    %dot_general3A_5 = tpu.matmul %get3A_1, %get3A_4, %dot_general3A {dimension_numbers = #tpu.dot_dimension_numbers<[0], [0], [1], [1], [0, 1, 1, 1], [], []>, transpose_lhs_hint = false} : vector<50x2048xf32>, vector<50x64xf32>, vector<2048x64xf32> -> vector<2048x64xf32>
    %get3A_6 = arith.constant 0 : index
    %get3A_7 = arith.constant 0 : index
    %get3A_8 = vector.load %arg1[%get3A_6, %get3A_7] : memref<2048x128xi32, #tpu.memory_space<vmem>>, vector<2048x128xi32>
    %shift_left3A = arith.constant 16 : i32
    %shift_left3A_9 = vector.broadcast %shift_left3A : i32 to vector<2048x128xi32>
    %shift_left3A_10 = arith.shli %get3A_8, %shift_left3A_9 : vector<2048x128xi32>
    %bitcast_convert_type3A = tpu.bitcast %shift_left3A_10 : vector<2048x128xi32> -> vector<2048x128xf32>
    %and3A = arith.constant -65536 : i32
    %and3A_11 = vector.broadcast %and3A : i32 to vector<2048x128xi32>
    %and3A_12 = arith.andi %get3A_8, %and3A_11 : vector<2048x128xi32>
    %bitcast_convert_type3A_13 = tpu.bitcast %and3A_12 : vector<2048x128xi32> -> vector<2048x128xf32>
    %get3A_14 = arith.constant 0 : index
    %get3A_15 = arith.constant 0 : index
    %get3A_16 = vector.load %arg2[%get3A_14, %get3A_15] : memref<2048x128xi32, #tpu.memory_space<vmem>>, vector<2048x128xi32>
    %shift_left3A_17 = arith.constant 16 : i32
    %shift_left3A_18 = vector.broadcast %shift_left3A_17 : i32 to vector<2048x128xi32>
    %shift_left3A_19 = arith.shli %get3A_16, %shift_left3A_18 : vector<2048x128xi32>
    %bitcast_convert_type3A_20 = tpu.bitcast %shift_left3A_19 : vector<2048x128xi32> -> vector<2048x128xf32>
    %and3A_21 = arith.constant -65536 : i32
    %and3A_22 = vector.broadcast %and3A_21 : i32 to vector<2048x128xi32>
    %and3A_23 = arith.andi %get3A_16, %and3A_22 : vector<2048x128xi32>
    %bitcast_convert_type3A_24 = tpu.bitcast %and3A_23 : vector<2048x128xi32> -> vector<2048x128xf32>
    %get3A_25 = arith.constant 0 : index
    %get3A_26 = vector.load %arg3[%get3A_25] : memref<2048xi32, #tpu.memory_space<vmem>>, vector<2048xi32>
    %shift_right_arithmetic3A = arith.constant 12 : i32
    %shift_right_arithmetic3A_27 = vector.broadcast %shift_right_arithmetic3A : i32 to vector<2048xi32>
    %shift_right_arithmetic3A_28 = arith.shrsi %get3A_26, %shift_right_arithmetic3A_27 : vector<2048xi32>
    %and3A_29 = arith.constant 1 : i32
    %and3A_30 = vector.broadcast %and3A_29 : i32 to vector<2048xi32>
    %and3A_31 = arith.andi %shift_right_arithmetic3A_28, %and3A_30 : vector<2048xi32>
    %reshape3A = vector.shape_cast %and3A_31 : vector<2048xi32> to vector<2048x1xi32>
    %get3A_32 = arith.constant 0 : index
    %get3A_33 = vector.load %arg4[%get3A_32] : memref<2048xi32, #tpu.memory_space<vmem>>, vector<2048xi32>
    %shift_right_arithmetic3A_34 = arith.constant 12 : i32
    %shift_right_arithmetic3A_35 = vector.broadcast %shift_right_arithmetic3A_34 : i32 to vector<2048xi32>
    %shift_right_arithmetic3A_36 = arith.shrsi %get3A_33, %shift_right_arithmetic3A_35 : vector<2048xi32>
    %and3A_37 = arith.constant 1 : i32
    %and3A_38 = vector.broadcast %and3A_37 : i32 to vector<2048xi32>
    %and3A_39 = arith.andi %shift_right_arithmetic3A_36, %and3A_38 : vector<2048xi32>
    %reshape3A_40 = vector.shape_cast %and3A_39 : vector<2048xi32> to vector<2048x1xi32>
    %eq3A = arith.constant 0 : i32
    %eq3A_41 = vector.broadcast %eq3A : i32 to vector<2048x1xi32>
    %eq3A_42 = arith.cmpi eq, %reshape3A, %eq3A_41 : vector<2048x1xi32>
    %broadcast_in_dim3A = vector.shape_cast %eq3A_42 : vector<2048x1xi1> to vector<2048x1xi1>
    %broadcast_in_dim3A_43 = vector.broadcast %broadcast_in_dim3A : vector<2048x1xi1> to vector<2048x128xi1>
    %select_n3A = arith.select %broadcast_in_dim3A_43, %bitcast_convert_type3A, %bitcast_convert_type3A_13 : vector<2048x128xi1>, vector<2048x128xf32>
    %slice3A = vector.extract_strided_slice %select_n3A {offsets = [0, 0], sizes = [2048, 64], strides = [1, 1]} : vector<2048x128xf32> to vector<2048x64xf32>
    %eq3A_44 = arith.constant 0 : i32
    %eq3A_45 = vector.broadcast %eq3A_44 : i32 to vector<2048x1xi32>
    %eq3A_46 = arith.cmpi eq, %reshape3A_40, %eq3A_45 : vector<2048x1xi32>
    %broadcast_in_dim3A_47 = vector.shape_cast %eq3A_46 : vector<2048x1xi1> to vector<2048x1xi1>
    %broadcast_in_dim3A_48 = vector.broadcast %broadcast_in_dim3A_47 : vector<2048x1xi1> to vector<2048x128xi1>
    %select_n3A_49 = arith.select %broadcast_in_dim3A_48, %bitcast_convert_type3A_20, %bitcast_convert_type3A_24 : vector<2048x128xi1>, vector<2048x128xf32>
    %slice3A_50 = vector.extract_strided_slice %select_n3A_49 {offsets = [0, 64], sizes = [2048, 64], strides = [1, 1]} : vector<2048x128xf32> to vector<2048x64xf32>
    %add3A = arith.addf %slice3A, %slice3A_50 : vector<2048x64xf32>
    %add3A_51 = arith.addf %add3A, %dot_general3A_5 : vector<2048x64xf32>
    %get3A_52 = arith.constant 0 : index
    %get3A_53 = arith.constant 0 : index
    %get3A_54 = vector.load %arg7[%get3A_52, %get3A_53] : memref<1x64xf32, #tpu.memory_space<vmem>>, vector<1x64xf32>
    %add3A_55 = vector.broadcast %get3A_54 : vector<1x64xf32> to vector<2048x64xf32>
    %add3A_56 = arith.addf %add3A_51, %add3A_55 : vector<2048x64xf32>
    %max3A = arith.constant 0.000000e+00 : f32
    %max3A_57 = vector.broadcast %max3A : f32 to vector<2048x64xf32>
    %max3A_58 = arith.maximumf %add3A_56, %max3A_57 : vector<2048x64xf32>
    %get3A_59 = arith.constant 0 : index
    %get3A_60 = arith.constant 0 : index
    %get3A_61 = vector.load %arg8[%get3A_59, %get3A_60] : memref<64x1xf32, #tpu.memory_space<vmem>>, vector<64x1xf32>
    %dot_general3A_62 = arith.constant dense<0.000000e+00> : vector<2048x1xf32>
    %dot_general3A_63 = tpu.matmul %max3A_58, %get3A_61, %dot_general3A_62 {dimension_numbers = #tpu.dot_dimension_numbers<[1], [0], [0], [1], [0, 0, 1, 1], [], []>, transpose_lhs_hint = false} : vector<2048x64xf32>, vector<64x1xf32>, vector<2048x1xf32> -> vector<2048x1xf32>
    %get3A_64 = arith.constant 0 : index
    %get3A_65 = arith.constant 0 : index
    %get3A_66 = vector.load %arg9[%get3A_64, %get3A_65] : memref<1x1xf32, #tpu.memory_space<vmem>>, vector<1x1xf32>
    %add3A_67 = vector.broadcast %get3A_66 : vector<1x1xf32> to vector<2048x1xf32>
    %add3A_68 = arith.addf %dot_general3A_63, %add3A_67 : vector<2048x1xf32>
    %swap3A = arith.constant 0 : index
    %swap3A_69 = arith.constant 0 : index
    %swap3A_70 = vector.load %arg10[%swap3A, %swap3A_69] : memref<2048x1xf32, #tpu.memory_space<vmem>>, vector<2048x1xf32>
    tpu.vector_store %arg10[%swap3A, %swap3A_69], %add3A_68 {strides = array<i32>} : memref<2048x1xf32, #tpu.memory_space<vmem>>, vector<2048x1xf32>,
    return
  }
  func.func @transform_0(%arg0: i32) -> (i32, i32) {
    %c0_i32 = arith.constant 0 : i32
    %c0_i32_0 = arith.constant 0 : i32
    return %arg0, %c0_i32 : i32, i32
  }
  func.func @transform_1(%arg0: i32) -> (i32, i32) {
    %add3A = arith.constant 8 : i32
    %add3A_0 = arith.addi %arg0, %add3A : i32
    %c0_i32 = arith.constant 0 : i32
    %c0_i32_1 = arith.constant 0 : i32
    return %add3A_0, %c0_i32 : i32, i32
  }
  func.func @transform_2(%arg0: i32) -> i32 {
    %c0_i32 = arith.constant 0 : i32
    return %arg0 : i32
  }
  func.func @transform_3(%arg0: i32) -> i32 {
    %c0_i32 = arith.constant 0 : i32
    return %arg0 : i32
  }
  func.func @transform_4(%arg0: i32) -> (i32, i32) {
    %c0_i32 = arith.constant 0 : i32
    %c0_i32_0 = arith.constant 0 : i32
    return %c0_i32, %arg0 : i32, i32
  }
  func.func @transform_5(%arg0: i32) -> (i32, i32) {
    %c0_i32 = arith.constant 0 : i32
    %c0_i32_0 = arith.constant 0 : i32
    %c0_i32_1 = arith.constant 0 : i32
    return %c0_i32, %c0_i32_0 : i32, i32
  }
  func.func @transform_6(%arg0: i32) -> (i32, i32) {
    %c0_i32 = arith.constant 0 : i32
    %c0_i32_0 = arith.constant 0 : i32
    %c0_i32_1 = arith.constant 0 : i32
    return %c0_i32, %c0_i32_0 : i32, i32
  }
  func.func @transform_7(%arg0: i32) -> (i32, i32) {
    %c0_i32 = arith.constant 0 : i32
    %c0_i32_0 = arith.constant 0 : i32
    %c0_i32_1 = arith.constant 0 : i32
    return %c0_i32, %c0_i32_0 : i32, i32
  }
  func.func @transform_8(%arg0: i32) -> (i32, i32) {
    %c0_i32 = arith.constant 0 : i32
    %c0_i32_0 = arith.constant 0 : i32
    %c0_i32_1 = arith.constant 0 : i32
    return %c0_i32, %c0_i32_0 : i32, i32
  }
  func.func @transform_9(%arg0: i32) -> (i32, i32) {
    %c0_i32 = arith.constant 0 : i32
    %c0_i32_0 = arith.constant 0 : i32
    return %arg0, %c0_i32 : i32, i32
  }
}

</mosaic_0001>

<sc_bundles>
// kernel: kernel.5.cloned.1.call-start
scs
__scs_entry_jumppad:
0x0: {  	(pc) =	sbr.rel $0x88, $3  }
0x1: {  	(tag) =	ssettag $0x0;
	lr =	simm.s32 $0x1  }
0x2: {  	[smem:$0x3F99] =	sst lr;
	_ =	strace $0xD0000000  }
0x3: {  	_ = 	snop  }
0x4: {  	_ = 	snop  }
0x5: {  	_ = 	snop  }
0x6: {  	_ = 	snop  }
0x7: {  	_ = 	snop  }
__scs_overlays_trampoline_lowered:
0x8: {  	[smem:$0x3FA8] =	sst s0  }
0x9: {  	[smem:$0x3FA9] =	sst s1  }
0xa: {  	[smem:$0x3FAA] =	sst s2  }
0xb: {  	[smem:$0x3FAB] =	sst s3  }
0xc: {  	[smem:$0x3FAC] =	sst s4  }
0xd: {  	[smem:$0x3FAD] =	sst s5  }
0xe: {  	[smem:$0x3FAE] =	sst s6  }
0xf: {  	[smem:$0x3FAF] =	sst s7  }
0x10: {  	[smem:$0x3FB0] =	sst s8  }
0x11: {  	[smem:$0x3FB1] =	sst s9;
	s0 =	simm.s32 @!p0 $0x0  }
0x12: {  	s1 =	sld [smem:$0x3F97];
	s0 =	simm.s32 @p0 $0x1  }
0x13: {  	[smem:$0x3FB2] =	sst s0;
	s0 =	simm.s32 @!p1 $0x0  }
0x14: {  	s2 =	sld [smem:$0x3F96];
	s0 =	simm.s32 @p1 $0x1  }
0x15: {  	[smem:$0x3FB3] =	sst s0;
	s0 =	simm.s32 @!p2 $0x0  }
0x16: {  	s3 =	sld [smem:$0x3FDB];
	s0 =	simm.s32 @p2 $0x1  }
0x17: {  	s4 =	simm.s32 $0x1BF5;
	[smem:$0x3FB5] =	sst s0  }
0x18: {  	s0 =	sld [smem:$0x3F98];
	_ =	swait.ge [sflag:s4], $0x0  }
0x19: {  	s7 =	sld [smem:$0x3F99]  }
0x1a: {  	s8 =	sadd.s32 $0xFFFFE003, lr  }
0x1b: {  	s9 =	sadd.s32 $0xFFFFFEF7, lr;
	s5 =	simm.s32 $0xFFFFFFFF;
	p2 =	slt.u32 s8, $0xFFFFF086  }
0x1c: {  	p1 =	slt.u32 s9, $0xF7A;
	s5 =	simm.s32 @!p2 $0x0  }
0x1d: {  	s5 =	simm.s32 @p1 $0x1;
	p0 =	seq.s32 s7, s2  }
0x1e: {  	s7 =	smul.u32 @!p0 $0xF7A, s2;
	p2 =	seq.s32 @!p0 s5, $0x0  }
0x1f: {  	s9 =	smul.u32 $0xF7A, s1;
	s8 =	simm.s32 @!p0 $0x1BF5;
	p2 =	por !p2, p0  }
0x20: {  	[sflag:s8] =	ssyncset.s32 @!p0 $0xFFFFF086;
	s6 =	sadd.s32 @!p0 s3, s7;
	s7 =	simm.s32 @!p0 $0x108  }
0x21: {  	s3 =	sadd.s32 s3, s9;
	s6 =	sadd.s32 @!p0 $0x88, s6;
	s7 =	simm.s32 @p2 $0x1082  }
0x22: {  	[simem:s7], [sflag:s8] =	dma.local @!p0 [hbm:s6], $0xF7A  }
0x23: {  	s9 =	sor.u32 $0xD0000000, s2;
	s6 =	simm.s32 $0x108;
	_ =	swait.ge @!p0 [sflag:s8], $0x0  }
0x24: {  	s3 =	sadd.s32 $0x88, s3;
	s6 =	simm.s32 @!p1 $0x1082;
	[sflag:s4] =	ssyncset.s32 $0xFFFFF086  }
0x25: {  	[simem:s6], [sflag:s4] =	dma.local [hbm:s3], $0xF7A  }
0x26: {  	[smem:$0x3F99] =	sst s1;
	(tag) =	ssettag s2;
	_ =	strace s9  }
0x27: {  	s1 =	sld [smem:$0x3FA9]  }
0x28: {  	s2 =	sld [smem:$0x3FAA]  }
0x29: {  	s4 =	sld [smem:$0x3FAC]  }
0x2a: {  	p0 =	seq.s32 s5, $0x0;
	s5 =	sld [smem:$0x3FAD]  }
0x2b: {  	s6 =	sld [smem:$0x3FAE]  }
0x2c: {  	s7 =	sld [smem:$0x3FAF]  }
0x2d: {  	s3 =	simm.s32 $0x108;
	s8 =	sld [smem:$0x3FB0]  }
0x2e: {  	s3 =	simm.s32 @!p0 $0x1082;
	s9 =	sld [smem:$0x3FB1]  }
0x2f: {  	lr =	sadd.s32 s0, s3;
	s0 =	sld [smem:$0x3FA8]  }
0x30: {  	s3 =	sld [smem:$0x3FAB]  }
0x31: {  	[smem:$0x3FB4] =	sst s10  }
0x32: {  	s10 =	sld [smem:$0x3FB2];
	_ =	sdelay $0x3  }
0x33: {  	p0 =	seq.s32 s10, $0x1;
	s10 =	sld [smem:$0x3FB4];
	_ =	sdelay $0x3  }
0x34: {  	[smem:$0x3FB4] =	sst s10  }
0x35: {  	s10 =	sld [smem:$0x3FB3];
	_ =	sdelay $0x3  }
0x36: {  	p1 =	seq.s32 s10, $0x1;
	s10 =	sld [smem:$0x3FB4];
	_ =	sdelay $0x3  }
0x37: {  	[smem:$0x3FB4] =	sst s10  }
0x38: {  	s10 =	sld [smem:$0x3FB5]  }
0x39: {  	_ = 	snop;
	(pc) =	sbr.ind lr, $3  }
0x3a: {  	_ = 	snop  }
0x3b: {  	_ = 	snop  }
0x3c: {  	p2 =	seq.s32 s10, $0x1;
	s10 =	sld [smem:$0x3FB4]  }
0x3d: {  	_ =	shalt  }
0x3e: {  	_ =	shalt  }
0x3f: {  	_ =	shalt  }
0x40: {  	_ =	shalt  }
0x41: {  	_ =	shalt  }
0x42: {  	_ =	shalt  }
0x43: {  	_ =	shalt  }
0x44: {  	_ =	shalt  }
0x45: {  	_ =	shalt  }
0x46: {  	_ =	shalt  }
0x47: {  	_ =	shalt  }
0x48: {  	_ =	shalt  }
0x49: {  	_ =	shalt  }
0x4a: {  	_ =	shalt  }
0x4b: {  	_ =	shalt  }
0x4c: {  	_ =	shalt  }
0x4d: {  	_ =	shalt  }
0x4e: {  	_ =	shalt  }
0x4f: {  	_ =	shalt  }
0x50: {  	_ =	shalt  }
0x51: {  	_ =	shalt  }
0x52: {  	_ =	shalt  }
0x53: {  	_ =	shalt  }
0x54: {  	_ =	shalt  }
0x55: {  	_ =	shalt  }
0x56: {  	_ =	shalt  }
0x57: {  	_ =	shalt  }
0x58: {  	_ =	shalt  }
0x59: {  	_ =	shalt  }
0x5a: {  	_ =	shalt  }
0x5b: {  	_ =	shalt  }
0x5c: {  	_ =	shalt  }
0x5d: {  	_ =	shalt  }
0x5e: {  	_ =	shalt  }
0x5f: {  	_ =	shalt  }
0x60: {  	_ =	shalt  }
0x61: {  	_ =	shalt  }
0x62: {  	_ =	shalt  }
0x63: {  	_ =	shalt  }
0x64: {  	_ =	shalt  }
0x65: {  	_ =	shalt  }
0x66: {  	_ =	shalt  }
0x67: {  	_ =	shalt  }
0x68: {  	_ =	shalt  }
0x69: {  	_ =	shalt  }
0x6a: {  	_ =	shalt  }
0x6b: {  	_ =	shalt  }
0x6c: {  	_ =	shalt  }
0x6d: {  	_ =	shalt  }
0x6e: {  	_ =	shalt  }
0x6f: {  	_ =	shalt  }
0x70: {  	_ =	shalt  }
0x71: {  	_ =	shalt  }
0x72: {  	_ =	shalt  }
0x73: {  	_ =	shalt  }
0x74: {  	_ =	shalt  }
0x75: {  	_ =	shalt  }
0x76: {  	_ =	shalt  }
0x77: {  	_ =	shalt  }
0x78: {  	_ =	shalt  }
0x79: {  	_ =	shalt  }
0x7a: {  	_ =	shalt  }
0x7b: {  	_ =	shalt  }
0x7c: {  	_ =	shalt  }
0x7d: {  	_ =	shalt  }
0x7e: {  	_ =	shalt  }
0x7f: {  	_ =	shalt  }
0x80: {  	_ =	shalt  }
0x81: {  	_ =	shalt  }
0x82: {  	_ =	shalt  }
0x83: {  	_ =	shalt  }
0x84: {  	_ =	shalt  }
0x85: {  	_ =	shalt  }
0x86: {  	_ =	shalt  }
0x87: {  	_ =	shalt  }
.Lfunc_end0:
.L_simem_size_0:
called_computation_lowered:
.L_overlay_start_0:
0x88: {  	s2 =	sld [smem:$0x3FD9]  }
0x89: {  	s3 =	sld [smem:$0x3FFE];
	_ =	sdelay $0x1  }
0x8a: {  	s1 =	srdreg.scid  }
0x8b: {  	s0 =	sand.u32 $0x1, s1  }
0x8c: {  	s17 =	sshll.u32 s0, $0xA;
	s2 =	sadd.s32 s3, s2  }
0x8d: {  	s2 =	sadd.s32 s2, s17  }
0x8e: {  	[smem:$0x3FC0] =	sst s2  }
0x8f: {  	_ = 	snop  }
0x90: {  	s2 =	sld [smem:$0x3FC9]  }
0x91: {  	s18 =	sld [smem:$0x3FC8];
	(tm) =	ssettm $0x1  }
0x92: {  	s4 =	sld [smem:$0x3FFB];
	_ =	sdelay $0x3  }
0x93: {  	_ =	strace s4  }
0x94: {  	s4 =	sld [smem:$0x3FFC];
	_ =	sdelay $0x3  }
0x95: {  	_ =	strace s4  }
0x96: {  	s4 =	sld [smem:$0x3FFD];
	_ =	sdelay $0x3  }
0x97: {  	_ =	strace s4  }
0x98: {  	_ =	strace $0x8FFFFFFF  }
0x99: {  	s19 =	sld [smem:$0x3FDB];
	_ =	sdelay $0x1  }
0x9a: {  	s5 =	simm.s32 $_scs_section_size  }
0x9b: {  	s6 =	simm.s32 $_size__tile_overlayer_lowered;
	s7 =	simm.s32 $_tile_overlayer_lowered  }
0x9c: {  	s22 =	simm.s32 $0x1BFF;
	s21 =	sshll.u32 s7, $0x1;
	s4 =	sadd.s32 s5, s19  }
0x9d: {  	s8 =	simm.s32 $0x0;
	s20 =	sshll.u32 s6, $0x1;
	s6 =	sadd.s32 s21, s4  }
0x9e: {  	[timem:s8], [sflag:s22] =	dma.local [hbm:s6], s20  }
0x9f: {  	_ =	swait.ge [sflag:s22], s20  }
0xa0: {  	s5 =	ssub.s32 $0x0, s20;
	[sflag:s22] =	ssyncset.done $0x0  }
0xa1: {  	[sflag:s22] =	ssyncadd.s32 s5;
	_ =	sdelay $0x1  }
0xa2: {  	s23 =	simm.s32 $0x1B8B  }
0xa3: {  	_ =	swait.ge [sflag:s23], $0x1  }
0xa4: {  	[sflag:s23] =	ssyncset.done $0x0  }
0xa5: {  	s25 =	simm.s32 $0x1B8E;
	s24 =	sld [smem:$0x3FFE];
	[sflag:s23] =	ssyncadd.s32 $0xFFFFFFFF  }
0xa6: {  	s26 =	simm.s32 $execute0_lowered;
	[smem:$0x3FD2] =	sst s25  }
0xa7: {  	s6 =	sshll.u32 s26, $0x1;
	_ =	strace $0x80000046;
	[dreg:$0x1] =	wrdreg $0xFFFFFFFF  }
0xa8: {  	s28 =	simm.s32 $_size_execute0_lowered;
	s4 =	sadd.s32 s4, s6;
	[dreg:$0x0] =	wrdreg $0x0  }
0xa9: {  	s6 =	sshll.u32 s28, $0x1;
	[dreg:$0x2] =	wrdreg s4  }
0xaa: {  	[dreg:$0x3] =	wrdreg s6  }
0xab: {  	[dreg:$0x4] =	wrdreg $0xC0  }
0xac: {  	_ =	task [dreg:s8], $0x5FFFF  }
0xad: {  	[dreg:$0x1] =	wrdreg $0xFFFFFFFF  }
0xae: {  	[dreg:$0x0] =	wrdreg $0x60  }
0xaf: {  	[dreg:$0x2] =	wrdreg s24  }
0xb0: {  	[dreg:$0x3] =	wrdreg s2  }
0xb1: {  	[dreg:$0x4] =	wrdreg s18  }
0xb2: {  	[dreg:$0x5] =	wrdreg $0x9  }
0xb3: {  	_ =	task.clear_ibuf [dreg:s8], $0x6FFFF;
	_ =	strace $0x90000046  }
0xb4: {  	s29 =	simm.s32 $0x9;
	_ =	strace $0x80000048  }
0xb5: {  	_ =	swait.ge [sflag:s29], $0x1  }
0xb6: {  	[sflag:s29] =	ssyncadd.s32 $0xFFFFFFFF  }
0xb7: {  	_ =	strace $0x90000048  }
0xb8: {  	_ =	sfence  }
0xb9: {  	s30 =	sld [smem:$0x0];
	_ =	sdelay $0x2  }
0xba: {  	s31 =	sshll.u32 s1, $0xD;
	s1 =	sshrl.u32 s1, $0x2  }
0xbb: {  	s3 =	sand.u32 $0x4000, s31;
	s1 =	sadd.s32 s1, s30  }
0xbc: {  	s0 =	sor.u32 s3, s0;
	s1 =	sshll.u32 s1, $0x11  }
0xbd: {  	s0 =	sor.u32 s1, s0  }
0xbe: {  	s0 =	sadd.s32 $0x8F2B, s0  }
0xbf: {  	[sflag:s0] =	ssyncadd.remote.s32 $0x1  }
0xc0: {  	_ =	sfence.sel $0xFFFF  }
0xc1: {  	[dreg:$0x0] =	wrdreg $0xFFFFFFFF;
	(pc) =	sbr.abs _section_cstart, $3  }
0xc2: {  	[dreg:$0x1] =	wrdreg $0xFFFFFFFF  }
0xc3: {  	_ =	task.clear_ibuf [dreg:s8], $0x2FFFF;
	_ =	strace $0x9FFFFFFF  }
0xc4: {  	(tm) =	ssettm $0x7FFFFFFF  }
0xc5: {  	_ =	shalt  }
tec
execute0_lowered:
.L_overlay_start_1:
0x0: {  	(tag) =	ssettag $0x1  }
0x1: {  	s0 =	rddreg [dreg:$0x0]  }
0x2: {  	s10 =	rddreg [dreg:$0x1]  }
0x3: {  	s11 =	rddreg [dreg:$0x2];
	s3 =	srdreg.scid  }
0x4: {  	s1 =	stileid.u32;
	s2 =	simm.s32 $0x0;
	s28 =	simm.s32 $0x1  }
0x5: {  	s29 =	simm.s32 $0x400;
	s30 =	simm.s32 $0x4400;
	s31 =	simm.s32 $0x3  }
0x6: {  	s3 =	sand.u32 $0x1, s3;
	s4 =	sshll.u32 s1, $0x1;
	[smem:$0x7FF] =	sst s2  }
0x7: {  	p0 =	slt.u32 s1, $0x8;
	s12 =	sor.u32 s3, s4;
	_ =	strace $0x80000047  }
0x8: {  	s5 =	ssub.s32 $0x2, s3;
	s3 =	sadd.s32 $0x1200, s0;
	s4 =	sshll.u32 s12, $0xE  }
0x9: {  	s23 =	sshrl.u32 s5, $0x1;
	s13 =	sshll.u32 s12, $0xA;
	s12 =	sshll.u32 s12, $0x7  }
0xa: {  	s0 =	sadd.s32 s4, s0;
	s19 =	ssub.s32 s5, s23;
	s24 =	sadd.s32 $0xFFFFC000, s13  }
0xb: {  	s25 =	sadd.s32 $0xFFFFC080, s13;
	s6 =	sadd.s32 $0xFFFFC100, s13;
	s7 =	sadd.s32 $0xFFFFC180, s13  }
0xc: {  	s8 =	sadd.s32 $0xFFFFC200, s13;
	s9 =	sadd.s32 $0xFFFFC280, s13;
	s14 =	sadd.s32 $0xFFFFC300, s13  }
0xd: {  	s13 =	sadd.s32 $0xFFFFC380, s13;
	s16 =	sadd.s32 s10, s12;
	s4 =	sshrl.u32 s24, $0x3  }
0xe: {  	s5 =	sshrl.u32 s25, $0x3;
	s6 =	sshrl.u32 s6, $0x3;
	s7 =	sshrl.u32 s7, $0x3  }
0xf: {  	s8 =	sshrl.u32 s8, $0x3;
	s9 =	sshrl.u32 s9, $0x3;
	s14 =	sshrl.u32 s14, $0x3  }
0x10: {  	s13 =	sshrl.u32 s13, $0x3;
	s17 =	sadd.s32 $0x10, s16;
	s18 =	sadd.s32 $0x20, s16  }
0x11: {  	s20 =	sadd.s32 $0x30, s16;
	s21 =	sadd.s32 $0x40, s16;
	s22 =	sadd.s32 $0x50, s16  }
0x12: {  	s23 =	sadd.s32 $0x70, s16;
	s26 =	sadd.s32 $0x7B1200, s0;
	s24 =	sadd.s32 $0x60, s16  }
0x13: {  	s12 =	sadd.s32 $0x7B1A00, s0;
	s15 =	sadd.s32 $0x7B3200, s0;
	s19 =	smax.u32 s19, $0x1  }
0x14: {  	s25 =	simm.s32 $0x300;
	s4 =	sadd.s32 s11, s4;
	s5 =	sadd.s32 s11, s5  }
0x15: {  	s6 =	sadd.s32 s11, s6;
	s7 =	sadd.s32 s11, s7;
	s8 =	sadd.s32 s11, s8  }
0x16: {  	s9 =	sadd.s32 s11, s9;
	s10 =	sadd.s32 s11, s14;
	s11 =	sadd.s32 s11, s13  }
0x17: {  	s13 =	sadd.s32 $0x7B2200, s0;
	[dreg:$0x4] =	wrdreg s26;
	s14 =	sadd.s32 $0x7B2A00, s0  }
0x18: {  	s26 =	simm.s32 $0x380;
	s4 =	smov.u32 @p0 s16;
	s16 =	sadd.s32 $0x7B3A00, s0  }
0x19: {  	s5 =	smov.u32 @p0 s17;
	s17 =	sadd.s32 $0x7B4200, s0;
	s6 =	smov.u32 @p0 s18  }
0x1a: {  	s7 =	smov.u32 @p0 s20;
	s18 =	sadd.s32 $0x7B4A00, s0;
	s8 =	smov.u32 @p0 s21  }
0x1b: {  	s9 =	smov.u32 @p0 s22;
	s10 =	smov.u32 @p0 s24;
	s11 =	smov.u32 @p0 s23  }
0x1c: {  	s20 =	simm.s32 $0x80;
	s21 =	simm.s32 $0x100;
	s22 =	simm.s32 $0x180  }
0x1d: {  	s23 =	simm.s32 $0x200;
	s24 =	simm.s32 $0x280;
	s0 =	simm.s32 $0x2  }
.LBB2_1:
0x1e: {  	[tilespmem:s2], [sflag:$0x1] =	stream.linear.gather [hbm4b:s4+s2], $0x80, $0x38;
	[tilespmem:$0x8400] =	vst v63  }
0x1f: {  	_ = 	snop  }
0x20: {  	[tilespmem:s20], [sflag:$0x1] =	stream.linear.gather [hbm4b:s5+s2], $0x80, $0x38;
	[tilespmem:$0x8400] =	vst v63  }
0x21: {  	_ = 	snop  }
0x22: {  	[tilespmem:s21], [sflag:$0x1] =	stream.linear.gather [hbm4b:s6+s2], $0x80, $0x38;
	[tilespmem:$0x8400] =	vst v63  }
0x23: {  	_ = 	snop  }
0x24: {  	[tilespmem:s22], [sflag:$0x1] =	stream.linear.gather [hbm4b:s7+s2], $0x80, $0x38;
	[tilespmem:$0x8400] =	vst v63  }
0x25: {  	_ = 	snop  }
0x26: {  	[tilespmem:s23], [sflag:$0x1] =	stream.linear.gather [hbm4b:s8+s2], $0x80, $0x38;
	[tilespmem:$0x8400] =	vst v63  }
0x27: {  	_ = 	snop  }
0x28: {  	[tilespmem:s24], [sflag:$0x1] =	stream.linear.gather [hbm4b:s9+s2], $0x80, $0x38;
	[tilespmem:$0x8400] =	vst v63  }
0x29: {  	_ = 	snop  }
0x2a: {  	[tilespmem:s25], [sflag:$0x1] =	stream.linear.gather [hbm4b:s10+s2], $0x80, $0x38;
	[tilespmem:$0x8400] =	vst v63  }
0x2b: {  	_ = 	snop  }
0x2c: {  	[tilespmem:s26], [sflag:$0x1] =	stream.linear.gather [hbm4b:s11+s2], $0x80, $0x38;
	[tilespmem:$0x8400] =	vst v63  }
0x2d: {  	_ =	swait.ge [sflag:s28], $0x80  }
0x2e: {  	[sflag:s28] =	ssyncset.done $0x0  }
0x2f: {  	[sflag:s28] =	ssyncadd.s32 $0xFFFFFF80  }
0x30: {  	_ =	swait.ge [sflag:s28], $0x80  }
0x31: {  	[sflag:s28] =	ssyncset.done $0x0  }
0x32: {  	[sflag:s28] =	ssyncadd.s32 $0xFFFFFF80  }
0x33: {  	_ =	swait.ge [sflag:s28], $0x80  }
0x34: {  	[sflag:s28] =	ssyncset.done $0x0  }
0x35: {  	[sflag:s28] =	ssyncadd.s32 $0xFFFFFF80  }
0x36: {  	_ =	swait.ge [sflag:s28], $0x80  }
0x37: {  	[sflag:s28] =	ssyncset.done $0x0  }
0x38: {  	[sflag:s28] =	ssyncadd.s32 $0xFFFFFF80  }
0x39: {  	_ =	swait.ge [sflag:s28], $0x80  }
0x3a: {  	[sflag:s28] =	ssyncset.done $0x0  }
0x3b: {  	[sflag:s28] =	ssyncadd.s32 $0xFFFFFF80  }
0x3c: {  	_ =	swait.ge [sflag:s28], $0x80  }
0x3d: {  	[sflag:s28] =	ssyncset.done $0x0  }
0x3e: {  	[sflag:s28] =	ssyncadd.s32 $0xFFFFFF80  }
0x3f: {  	_ =	swait.ge [sflag:s28], $0x80  }
0x40: {  	[sflag:s28] =	ssyncset.done $0x0  }
0x41: {  	[sflag:s28] =	ssyncadd.s32 $0xFFFFFF80  }
0x42: {  	_ =	swait.ge [sflag:s28], $0x80  }
0x43: {  	[sflag:s28] =	ssyncset.done $0x0  }
0x44: {  	[sflag:s28] =	ssyncadd.s32 $0xFFFFFF80  }
0x45: {  	v0 =	vld [tilespmem:$0x0]  }
0x46: {  	v1 =	vld [tilespmem:$0x10]  }
0x47: {  	v2 =	vld [tilespmem:$0x20]  }
0x48: {  	v3 =	vld [tilespmem:$0x30]  }
0x49: {  	v5 =	vld [tilespmem:$0x40]  }
0x4a: {  	v7 =	vld [tilespmem:$0x50]  }
0x4b: {  	v41 =	vld [tilespmem:$0x60]  }
0x4c: {  	v9 =	vld [tilespmem:$0x70]  }
0x4d: {  	v10 =	vld [tilespmem:$0x80]  }
0x4e: {  	v46 =	vld [tilespmem:$0x90]  }
0x4f: {  	v12 =	vld [tilespmem:$0xA0]  }
0x50: {  	v13 =	vld [tilespmem:$0xB0]  }
0x51: {  	v51 =	vld [tilespmem:$0xC0]  }
0x52: {  	v15 =	vld [tilespmem:$0xD0]  }
0x53: {  	v16 =	vld [tilespmem:$0xE0];
	v4 =	vshra.s32 v0, $0x1;
	v6 =	vshra.s32 v1, $0x1;
	v0 =	vand.u32 $0xFFF, v0  }
0x54: {  	v56 =	vld [tilespmem:$0xF0];
	v1 =	vand.u32 $0xFFF, v1;
	v40 =	vshra.s32 v2, $0x1;
	v2 =	vand.u32 $0xFFF, v2  }
0x55: {  	v18 =	vld [tilespmem:$0x100];
	v8 =	vshra.s32 v3, $0x1;
	v43 =	vshra.s32 v5, $0x1;
	v3 =	vand.u32 $0xFFF, v3  }
0x56: {  	v19 =	vld [tilespmem:$0x110];
	v5 =	vand.u32 $0xFFF, v5;
	v45 =	vshra.s32 v7, $0x1;
	v7 =	vand.u32 $0xFFF, v7  }
0x57: {  	v60 =	vld [tilespmem:$0x120];
	v11 =	vshra.s32 v41, $0x1;
	v48 =	vshra.s32 v9, $0x1;
	v9 =	vand.u32 $0xFFF, v9  }
0x58: {  	v21 =	vld [tilespmem:$0x130];
	v50 =	vshra.s32 v10, $0x1;
	v10 =	vand.u32 $0xFFF, v10;
	v14 =	vshra.s32 v46, $0x1  }
0x59: {  	v22 =	vld [tilespmem:$0x140];
	v53 =	vshra.s32 v12, $0x1;
	v12 =	vand.u32 $0xFFF, v12;
	v55 =	vshra.s32 v13, $0x1  }
0x5a: {  	v24 =	vld [tilespmem:$0x150];
	v13 =	vand.u32 $0xFFF, v13;
	v17 =	vshra.s32 v51, $0x1;
	v58 =	vshra.s32 v15, $0x1  }
0x5b: {  	v15 =	vand.u32 $0xFFF, v15;
	v59 =	vshra.s32 v16, $0x1;
	v16 =	vand.u32 $0xFFF, v16  }
0x5c: {  	v20 =	vshra.s32 v56, $0x1;
	v62 =	vshra.s32 v18, $0x1;
	v18 =	vand.u32 $0xFFF, v18  }
0x5d: {  	v63 =	vshra.s32 v19, $0x1;
	v26 =	vand.u32 $0xFFF, v19;
	v27 =	vshra.s32 v60, $0x1  }
0x5e: {  	v23 =	vld [tilespmem:$0x160];
	v29 =	vshra.s32 v21, $0x1;
	v30 =	vand.u32 $0xFFF, v60;
	v32 =	vand.u32 $0xFFF, v21  }
0x5f: {  	v36 =	vld [tilespmem:$0x180];
	v35 =	vshra.s32 v22, $0x1;
	v37 =	vand.u32 $0xFFF, v22;
	v38 =	vshra.s32 v24, $0x1  }
0x60: {  	v39 =	vld [tilespmem:$0x190];
	v4 =	vand.u32 $0xFFFFF000, v4;
	v6 =	vand.u32 $0xFFFFF000, v6;
	v42 =	vand.u32 $0xFFFFF000, v8  }
0x61: {  	v8 =	vand.u32 $0xFFFFF000, v43;
	v47 =	vand.u32 $0xFFFFF000, v11;
	v11 =	vand.u32 $0xFFFFF000, v48  }
0x62: {  	v52 =	vand.u32 $0xFFFFF000, v14;
	v14 =	vand.u32 $0xFFFFF000, v53;
	v57 =	vand.u32 $0xFFFFF000, v17  }
0x63: {  	v17 =	vand.u32 $0xFFFFF000, v58;
	v61 =	vand.u32 $0xFFFFF000, v20;
	v20 =	vand.u32 $0xFFFFF000, v62  }
0x64: {  	v25 =	vand.u32 $0xFFFFF000, v63;
	v28 =	vand.u32 $0xFFFFF000, v27;
	v31 =	vand.u32 $0xFFFFF000, v29  }
0x65: {  	v43 =	vand.u32 $0xFFF, v23;
	v48 =	vshra.s32 v36, $0x1;
	v53 =	vand.u32 $0xFFF, v39  }
0x66: {  	v0 =	vor.u32 v0, v4;
	v1 =	vor.u32 v1, v6;
	v4 =	vand.u32 $0xFFFFF000, v40  }
0x67: {  	v33 =	vld [tilespmem:$0x170];
	v3 =	vor.u32 v3, v42;
	v44 =	vor.u32 v5, v8;
	v5 =	vand.u32 $0xFFFFF000, v45  }
0x68: {  	v6 =	vand.u32 $0xFFF, v41;
	v49 =	vor.u32 v9, v11;
	v9 =	vand.u32 $0xFFFFF000, v50  }
0x69: {  	v8 =	vand.u32 $0xFFF, v46;
	v54 =	vor.u32 v12, v14;
	v12 =	vand.u32 $0xFFFFF000, v55  }
0x6a: {  	v11 =	vand.u32 $0xFFF, v51;
	v14 =	vand.u32 $0xFFF, v56;
	v34 =	vor.u32 v32, v31;
	[tilespmem:$0x0] =	vst v0  }
0x6b: {  	v40 =	vand.u32 $0xFFFFF000, v38;
	v41 =	vshra.s32 v23, $0x1;
	v42 =	vand.u32 $0xFFF, v24;
	[tilespmem:$0x10] =	vst v1  }
0x6c: {  	v45 =	vshra.s32 v33, $0x1;
	v50 =	vand.u32 $0xFFFFF000, v48;
	v51 =	vshra.s32 v39, $0x1;
	[tilespmem:$0x30] =	vst v3  }
0x6d: {  	v2 =	vor.u32 v2, v4;
	v5 =	vor.u32 v7, v5;
	v6 =	vor.u32 v6, v47;
	[tilespmem:$0x40] =	vst v44  }
0x6e: {  	v63 =	vld [tilespmem:$0x200];
	v9 =	vor.u32 v10, v9;
	v8 =	vor.u32 v8, v52;
	v12 =	vor.u32 v13, v12;
	[tilespmem:$0x70] =	vst v49  }
0x6f: {  	v46 =	vld [tilespmem:$0x1B0];
	v11 =	vor.u32 v11, v57;
	v13 =	vor.u32 v15, v17;
	v15 =	vand.u32 $0xFFFFF000, v59;
	[tilespmem:$0xA0] =	vst v54  }
0x70: {  	v56 =	vld [tilespmem:$0x1E0];
	v14 =	vor.u32 v14, v61;
	v0 =	vor.u32 v26, v25;
	v1 =	vor.u32 v30, v28;
	[tilespmem:$0x130] =	vst v34  }
0x71: {  	v23 =	vld [tilespmem:$0x210];
	v3 =	vand.u32 $0xFFFFF000, v35;
	v4 =	vor.u32 v42, v40;
	v47 =	vand.u32 $0xFFF, v33;
	[tilespmem:$0x50] =	vst v5  }
0x72: {  	v44 =	vld [tilespmem:$0x1A0];
	v52 =	vand.u32 $0xFFF, v36;
	v15 =	vor.u32 v16, v15;
	v16 =	vor.u32 v18, v20;
	[tilespmem:$0x60] =	vst v6  }
0x73: {  	v49 =	vld [tilespmem:$0x1C0];
	v3 =	vor.u32 v37, v3;
	v5 =	vand.u32 $0xFFFFF000, v41;
	[tilespmem:$0x80] =	vst v9;
	v6 =	vand.u32 $0xFFFFF000, v45  }
0x74: {  	v54 =	vld [tilespmem:$0x1D0];
	[tilespmem:$0x90] =	vst v8;
	v9 =	vand.u32 $0xFFFFF000, v51;
	v8 =	vor.u32 v52, v50;
	v5 =	vor.u32 v43, v5  }
0x75: {  	v59 =	vld [tilespmem:$0x1F0];
	[tilespmem:$0x20] =	vst v2;
	v6 =	vor.u32 v47, v6;
	v9 =	vor.u32 v53, v9;
	v35 =	vshra.s32 v63, $0x1  }
0x76: {  	v26 =	vld [tilespmem:$0x220];
	[tilespmem:$0xB0] =	vst v12;
	v38 =	vand.u32 $0xFFF, v63;
	v58 =	vshra.s32 v46, $0x1;
	v7 =	vand.u32 $0xFFF, v46  }
0x77: {  	v33 =	vld [tilespmem:$0x230];
	[tilespmem:$0xC0] =	vst v11;
	v25 =	vshra.s32 v56, $0x1;
	v30 =	vand.u32 $0xFFF, v56;
	v37 =	vand.u32 $0xFFFFF000, v35  }
0x78: {  	v36 =	vld [tilespmem:$0x240];
	[tilespmem:$0xD0] =	vst v13;
	v39 =	vshra.s32 v23, $0x1;
	v43 =	vand.u32 $0xFFF, v23;
	v55 =	vshra.s32 v44, $0x1  }
0x79: {  	v40 =	vld [tilespmem:$0x250];
	[tilespmem:$0xF0] =	vst v14;
	v57 =	vand.u32 $0xFFF, v44;
	v60 =	vand.u32 $0xFFFFF000, v58;
	v61 =	vshra.s32 v49, $0x1  }
0x7a: {  	[tilespmem:$0x110] =	vst v0;
	v62 =	vand.u32 $0xFFF, v49;
	v22 =	vshra.s32 v54, $0x1;
	v24 =	vand.u32 $0xFFF, v54  }
0x7b: {  	[tilespmem:$0x120] =	vst v1;
	v28 =	vand.u32 $0xFFFFF000, v25;
	v29 =	vshra.s32 v59, $0x1;
	v32 =	vand.u32 $0xFFF, v59  }
0x7c: {  	[tilespmem:$0x140] =	vst v3;
	v3 =	vor.u32 v38, v37;
	v41 =	vand.u32 $0xFFFFF000, v39;
	v42 =	vshra.s32 v26, $0x1  }
0x7d: {  	[tilespmem:$0x150] =	vst v4;
	v45 =	vld [tilespmem:$0x260];
	v44 =	vand.u32 $0xFFF, v26;
	v47 =	vshra.s32 v33, $0x1;
	v49 =	vand.u32 $0xFFF, v33  }
0x7e: {  	v51 =	vld [tilespmem:$0x280];
	[tilespmem:$0xE0] =	vst v15;
	v50 =	vshra.s32 v36, $0x1;
	v53 =	vshra.s32 v40, $0x1;
	v54 =	vand.u32 $0xFFF, v36  }
0x7f: {  	[tilespmem:$0x100] =	vst v16;
	v10 =	vand.u32 $0xFFFFF000, v55;
	v13 =	vand.u32 $0xFFFFF000, v61;
	v7 =	vor.u32 v7, v60  }
0x80: {  	[tilespmem:$0x180] =	vst v8;
	v31 =	vand.u32 $0xFFFFF000, v29;
	v1 =	vor.u32 v30, v28;
	v12 =	vand.u32 $0xFFFFF000, v42  }
0x81: {  	v48 =	vld [tilespmem:$0x270];
	[tilespmem:$0x170] =	vst v6;
	v4 =	vor.u32 v43, v41;
	v6 =	vand.u32 $0xFFFFF000, v47;
	v52 =	vand.u32 $0xFFFFF000, v50  }
0x82: {  	[tilespmem:$0x190] =	vst v9;
	v9 =	vand.u32 $0xFFFFF000, v53;
	v55 =	vand.u32 $0xFFF, v40;
	v59 =	vshra.s32 v45, $0x1  }
0x83: {  	[tilespmem:$0x160] =	vst v5;
	v61 =	vand.u32 $0xFFF, v45;
	v20 =	vshra.s32 v51, $0x1;
	v10 =	vor.u32 v57, v10  }
0x84: {  	v63 =	vld [tilespmem:$0x2B0];
	[tilespmem:$0x200] =	vst v3;
	v21 =	vor.u32 v62, v13;
	v13 =	vand.u32 $0xFFFFF000, v22;
	v34 =	vor.u32 v32, v31  }
0x85: {  	v56 =	vld [tilespmem:$0x290];
	v46 =	vor.u32 v44, v12;
	v6 =	vor.u32 v49, v6;
	[tilespmem:$0x1B0] =	vst v7;
	v57 =	vor.u32 v54, v52  }
0x86: {  	v23 =	vld [tilespmem:$0x2C0];
	v58 =	vor.u32 v55, v9;
	v9 =	vand.u32 $0xFFFFF000, v59;
	v62 =	vshra.s32 v48, $0x1;
	[tilespmem:$0x1E0] =	vst v1  }
0x87: {  	v35 =	vld [tilespmem:$0x2F0];
	v11 =	vand.u32 $0xFFFFF000, v20;
	v22 =	vand.u32 $0xFFF, v51;
	[tilespmem:$0x210] =	vst v4;
	v27 =	vor.u32 v24, v13  }
0x88: {  	v26 =	vld [tilespmem:$0x2D0];
	[tilespmem:$0x1C0] =	vst v21;
	v18 =	vor.u32 v61, v9;
	v19 =	vand.u32 $0xFFFFF000, v62;
	v21 =	vand.u32 $0xFFF, v48  }
0x89: {  	v38 =	vld [tilespmem:$0x300];
	[tilespmem:$0x1F0] =	vst v34;
	v24 =	vor.u32 v22, v11;
	v32 =	vshra.s32 v63, $0x1;
	v34 =	vand.u32 $0xFFF, v63  }
0x8a: {  	v60 =	vld [tilespmem:$0x2A0];
	[tilespmem:$0x1A0] =	vst v10;
	v1 =	vor.u32 v21, v19;
	v25 =	vshra.s32 v56, $0x1;
	v28 =	vand.u32 $0xFFF, v56  }
0x8b: {  	[tilespmem:$0x220] =	vst v46;
	v9 =	vand.u32 $0xFFFFF000, v32;
	v37 =	vshra.s32 v23, $0x1;
	v39 =	vand.u32 $0xFFF, v23  }
0x8c: {  	v30 =	vld [tilespmem:$0x2E0];
	[tilespmem:$0x1D0] =	vst v27;
	v48 =	vshra.s32 v35, $0x1;
	v51 =	vand.u32 $0xFFF, v35;
	v27 =	vand.u32 $0xFFFFF000, v25  }
0x8d: {  	v41 =	vld [tilespmem:$0x310];
	[tilespmem:$0x230] =	vst v6;
	v36 =	vor.u32 v34, v9;
	v6 =	vand.u32 $0xFFFFF000, v37;
	v40 =	vshra.s32 v26, $0x1  }
0x8e: {  	v53 =	vld [tilespmem:$0x340];
	[tilespmem:$0x240] =	vst v57;
	v44 =	vand.u32 $0xFFF, v26;
	v50 =	vand.u32 $0xFFFFF000, v48;
	v52 =	vshra.s32 v38, $0x1  }
0x8f: {  	[tilespmem:$0x250] =	vst v58;
	v56 =	vand.u32 $0xFFF, v38;
	v29 =	vshra.s32 v60, $0x1;
	v3 =	vor.u32 v28, v27  }
0x90: {  	v49 =	vld [tilespmem:$0x330];
	[tilespmem:$0x260] =	vst v18;
	v33 =	vand.u32 $0xFFF, v60;
	v6 =	vor.u32 v39, v6;
	v42 =	vand.u32 $0xFFFFF000, v40  }
0x91: {  	v46 =	vld [tilespmem:$0x320];
	[tilespmem:$0x280] =	vst v24;
	v43 =	vshra.s32 v30, $0x1;
	v45 =	vand.u32 $0xFFF, v30;
	v2 =	vor.u32 v51, v50  }
0x92: {  	v58 =	vld [tilespmem:$0x350];
	[tilespmem:$0x270] =	vst v1;
	v54 =	vand.u32 $0xFFFFF000, v52;
	v55 =	vshra.s32 v41, $0x1;
	v57 =	vand.u32 $0xFFF, v41  }
0x93: {  	v61 =	vld [tilespmem:$0x360];
	[tilespmem:$0x2B0] =	vst v36;
	v16 =	vshra.s32 v53, $0x1;
	v18 =	vand.u32 $0xFFF, v53;
	v31 =	vand.u32 $0xFFFFF000, v29  }
0x94: {  	v13 =	vld [tilespmem:$0x370];
	v8 =	vand.u32 $0xFFFFF000, v43;
	v0 =	vor.u32 v44, v42;
	[tilespmem:$0x290] =	vst v3;
	v7 =	vand.u32 $0xFFFFF000, v55  }
0x95: {  	v22 =	vld [tilespmem:$0x390];
	v3 =	vor.u32 v56, v54;
	[tilespmem:$0x2C0] =	vst v6;
	v63 =	vshra.s32 v49, $0x1;
	v17 =	vand.u32 $0xFFF, v49  }
0x96: {  	v6 =	vand.u32 $0xFFFFF000, v16;
	[tilespmem:$0x2F0] =	vst v2;
	v4 =	vor.u32 v33, v31;
	v47 =	vor.u32 v45, v8  }
0x97: {  	v19 =	vld [tilespmem:$0x380];
	v59 =	vor.u32 v57, v7;
	v60 =	vshra.s32 v46, $0x1;
	v62 =	vand.u32 $0xFFF, v46;
	[tilespmem:$0x2D0] =	vst v0  }
0x98: {  	v15 =	vand.u32 $0xFFFFF000, v63;
	v20 =	vor.u32 v18, v6;
	v21 =	vshra.s32 v58, $0x1;
	[tilespmem:$0x300] =	vst v3  }
0x99: {  	v26 =	vld [tilespmem:$0x3A0];
	v24 =	vand.u32 $0xFFF, v58;
	v25 =	vshra.s32 v61, $0x1;
	v28 =	vshra.s32 v13, $0x1;
	[tilespmem:$0x2A0] =	vst v4  }
0x9a: {  	v34 =	vld [tilespmem:$0x3C0];
	v29 =	vand.u32 $0xFFF, v61;
	v30 =	vand.u32 $0xFFF, v13;
	v37 =	vshra.s32 v22, $0x1;
	[tilespmem:$0x2E0] =	vst v47  }
0x9b: {  	v38 =	vld [tilespmem:$0x3D0];
	v41 =	vand.u32 $0xFFF, v22;
	v5 =	vand.u32 $0xFFFFF000, v60;
	v1 =	vor.u32 v17, v15;
	[tilespmem:$0x310] =	vst v59  }
0x9c: {  	v23 =	vand.u32 $0xFFFFF000, v21;
	v27 =	vand.u32 $0xFFFFF000, v25;
	v33 =	vshra.s32 v19, $0x1;
	[tilespmem:$0x340] =	vst v20  }
0x9d: {  	v36 =	vand.u32 $0xFFF, v19;
	v39 =	vand.u32 $0xFFFFF000, v37;
	v14 =	vor.u32 v62, v5;
	[tilespmem:$0x330] =	vst v1  }
0x9e: {  	v3 =	vor.u32 v24, v23;
	v5 =	vand.u32 $0xFFFFF000, v28;
	v0 =	vor.u32 v29, v27;
	[tilespmem:$0x320] =	vst v14  }
0x9f: {  	v43 =	vld [tilespmem:$0x3E0];
	v35 =	vand.u32 $0xFFFFF000, v33;
	v40 =	vshra.s32 v26, $0x1;
	v42 =	vand.u32 $0xFFF, v26;
	[tilespmem:$0x350] =	vst v3  }
0xa0: {  	v31 =	vld [tilespmem:$0x3B0];
	v49 =	vshra.s32 v34, $0x1;
	v52 =	vshra.s32 v38, $0x1;
	v32 =	vor.u32 v30, v5;
	[tilespmem:$0x360] =	vst v0  }
0xa1: {  	v46 =	vld [tilespmem:$0x3F0];
	v53 =	vand.u32 $0xFFF, v34;
	v54 =	vand.u32 $0xFFF, v38;
	v2 =	vor.u32 v36, v35;
	[tilespmem:$0x370] =	vst v32  }
0xa2: {  	v4 =	vand.u32 $0xFFFFF000, v40;
	v0 =	vor.u32 v41, v39;
	v51 =	vand.u32 $0xFFFFF000, v49;
	[tilespmem:$0x380] =	vst v2  }
0xa3: {  	v3 =	vand.u32 $0xFFFFF000, v52;
	v44 =	vor.u32 v42, v4;
	[tilespmem:$0x390] =	vst v0;
	v55 =	vor.u32 v53, v51  }
0xa4: {  	v56 =	vor.u32 v54, v3;
	v57 =	vshra.s32 v43, $0x1;
	v59 =	vand.u32 $0xFFF, v43;
	[tilespmem:$0x3A0] =	vst v44  }
0xa5: {  	v45 =	vshra.s32 v31, $0x1;
	v48 =	vand.u32 $0xFFF, v31;
	[tilespmem:$0x3C0] =	vst v55;
	v58 =	vand.u32 $0xFFFFF000, v57  }
0xa6: {  	v60 =	vshra.s32 v46, $0x1;
	[tilespmem:$0x3D0] =	vst v56;
	v47 =	vand.u32 $0xFFFFF000, v45;
	v0 =	vor.u32 v59, v58  }
0xa7: {  	v62 =	vand.u32 $0xFFF, v46;
	v61 =	vand.u32 $0xFFFFF000, v60;
	v50 =	vor.u32 v48, v47;
	[tilespmem:$0x3E0] =	vst v0  }
0xa8: {  	v63 =	vor.u32 v62, v61;
	[tilespmem:$0x3B0] =	vst v50  }
0xa9: {  	[tilespmem:$0x3F0] =	vst v63  }
0xaa: {  	[tilespmem:s29], [sflag:$0x1] =	stream.indirect.gather [hbm4b:s3+s20], $0x80, s2, s20, $0xb8;
	[tilespmem:$0x8400] =	vst v63  }
0xab: {  	_ = 	snop  }
0xac: {  	[tilespmem:s30], [sflag:$0x2] =	stream.indirect.gather [hbm4b:s3+s20], $0x80, s20, s20, $0xb8;
	[tilespmem:$0x8400] =	vst v63  }
0xad: {  	_ =	swait.ge [sflag:s28], $0x4000  }
0xae: {  	[sflag:s28] =	ssyncset.done $0x0  }
0xaf: {  	s1 =	rddreg [dreg:$0x4];
	[sflag:s28] =	ssyncadd.s32 $0xFFFFC000  }
0xb0: {  	[hbm4b:s1+s2] =	stream.linear.scatter [tilespmem:s29], [sflag:$0x3], $0x4000, $0x38;
	[tilespmem:$0x8400] =	vst v63  }
0xb1: {  	_ =	swait.ge [sflag:s31], $0x4000  }
0xb2: {  	[sflag:s31] =	ssyncset.done $0x0  }
0xb3: {  	[sflag:s31] =	ssyncadd.s32 $0xFFFFC000  }
0xb4: {  	[tilespmem:s29], [sflag:$0x1] =	stream.indirect.gather [hbm4b:s3+s20], $0x80, s21, s20, $0xb8;
	[tilespmem:$0x8400] =	vst v63  }
0xb5: {  	_ =	swait.ge [sflag:s0], $0x4000  }
0xb6: {  	[sflag:s0] =	ssyncset.done $0x0  }
0xb7: {  	[sflag:s0] =	ssyncadd.s32 $0xFFFFC000  }
0xb8: {  	[hbm4b:s12+s2] =	stream.linear.scatter [tilespmem:s30], [sflag:$0x3], $0x4000, $0x38;
	[tilespmem:$0x8400] =	vst v63  }
0xb9: {  	_ =	swait.ge [sflag:s31], $0x4000  }
0xba: {  	[sflag:s31] =	ssyncset.done $0x0  }
0xbb: {  	[sflag:s31] =	ssyncadd.s32 $0xFFFFC000  }
0xbc: {  	[tilespmem:s30], [sflag:$0x2] =	stream.indirect.gather [hbm4b:s3+s20], $0x80, s22, s20, $0xb8;
	[tilespmem:$0x8400] =	vst v63  }
0xbd: {  	_ =	swait.ge [sflag:s28], $0x4000  }
0xbe: {  	[sflag:s28] =	ssyncset.done $0x0  }
0xbf: {  	[sflag:s28] =	ssyncadd.s32 $0xFFFFC000  }
0xc0: {  	[hbm4b:s13+s2] =	stream.linear.scatter [tilespmem:s29], [sflag:$0x3], $0x4000, $0x38;
	[tilespmem:$0x8400] =	vst v63  }
0xc1: {  	_ =	swait.ge [sflag:s31], $0x4000  }
0xc2: {  	[sflag:s31] =	ssyncset.done $0x0  }
0xc3: {  	[sflag:s31] =	ssyncadd.s32 $0xFFFFC000  }
0xc4: {  	[tilespmem:s29], [sflag:$0x1] =	stream.indirect.gather [hbm4b:s3+s20], $0x80, s23, s20, $0xb8;
	[tilespmem:$0x8400] =	vst v63  }
0xc5: {  	_ =	swait.ge [sflag:s0], $0x4000  }
0xc6: {  	[sflag:s0] =	ssyncset.done $0x0  }
0xc7: {  	[sflag:s0] =	ssyncadd.s32 $0xFFFFC000  }
0xc8: {  	[hbm4b:s14+s2] =	stream.linear.scatter [tilespmem:s30], [sflag:$0x3], $0x4000, $0x38;
	[tilespmem:$0x8400] =	vst v63  }
0xc9: {  	_ =	swait.ge [sflag:s31], $0x4000  }
0xca: {  	[sflag:s31] =	ssyncset.done $0x0  }
0xcb: {  	[sflag:s31] =	ssyncadd.s32 $0xFFFFC000  }
0xcc: {  	[tilespmem:s30], [sflag:$0x2] =	stream.indirect.gather [hbm4b:s3+s20], $0x80, s24, s20, $0xb8;
	[tilespmem:$0x8400] =	vst v63  }
0xcd: {  	_ =	swait.ge [sflag:s28], $0x4000  }
0xce: {  	[sflag:s28] =	ssyncset.done $0x0  }
0xcf: {  	[sflag:s28] =	ssyncadd.s32 $0xFFFFC000  }
0xd0: {  	[hbm4b:s15+s2] =	stream.linear.scatter [tilespmem:s29], [sflag:$0x3], $0x4000, $0x38;
	[tilespmem:$0x8400] =	vst v63  }
0xd1: {  	_ =	swait.ge [sflag:s31], $0x4000  }
0xd2: {  	[sflag:s31] =	ssyncset.done $0x0  }
0xd3: {  	[sflag:s31] =	ssyncadd.s32 $0xFFFFC000  }
0xd4: {  	[tilespmem:s29], [sflag:$0x1] =	stream.indirect.gather [hbm4b:s3+s20], $0x80, s25, s20, $0xb8;
	[tilespmem:$0x8400] =	vst v63  }
0xd5: {  	_ =	swait.ge [sflag:s0], $0x4000  }
0xd6: {  	[sflag:s0] =	ssyncset.done $0x0  }
0xd7: {  	[sflag:s0] =	ssyncadd.s32 $0xFFFFC000  }
0xd8: {  	[hbm4b:s16+s2] =	stream.linear.scatter [tilespmem:s30], [sflag:$0x3], $0x4000, $0x38;
	[tilespmem:$0x8400] =	vst v63  }
0xd9: {  	_ =	swait.ge [sflag:s31], $0x4000  }
0xda: {  	[sflag:s31] =	ssyncset.done $0x0  }
0xdb: {  	[sflag:s31] =	ssyncadd.s32 $0xFFFFC000  }
0xdc: {  	[tilespmem:s30], [sflag:$0x2] =	stream.indirect.gather [hbm4b:s3+s20], $0x80, s26, s20, $0xb8;
	[tilespmem:$0x8400] =	vst v63  }
0xdd: {  	_ =	swait.ge [sflag:s28], $0x4000  }
0xde: {  	[sflag:s28] =	ssyncset.done $0x0  }
0xdf: {  	[sflag:s28] =	ssyncadd.s32 $0xFFFFC000  }
0xe0: {  	[hbm4b:s17+s2] =	stream.linear.scatter [tilespmem:s29], [sflag:$0x3], $0x4000, $0x38;
	[tilespmem:$0x8400] =	vst v63  }
0xe1: {  	_ =	swait.ge [sflag:s31], $0x4000  }
0xe2: {  	[sflag:s31] =	ssyncset.done $0x0  }
0xe3: {  	[sflag:s31] =	ssyncadd.s32 $0xFFFFC000  }
0xe4: {  	_ =	swait.ge [sflag:s0], $0x4000  }
0xe5: {  	p0 =	sne.s32 s19, $0x1;
	[sflag:s0] =	ssyncset.done $0x0  }
.Ltmp0:
0xe6: {  	[sflag:s0] =	ssyncadd.s32 $0xFFFFC000;
	(pc) =	sbr.rel @p0 .LBB2_1-.Ltmp0, $4  }
0xe7: {  	[hbm4b:s18+s2] =	stream.linear.scatter [tilespmem:s30], [sflag:$0x3], $0x4000, $0x38;
	[tilespmem:$0x8400] =	vst v63  }
0xe8: {  	_ =	swait.ge [sflag:s31], $0x4000  }
0xe9: {  	[sflag:s31] =	ssyncset.done $0x0  }
0xea: {  	s19 =	sadd.s32 $0xFFFFFFFF, s19;
	[sflag:s31] =	ssyncadd.s32 $0xFFFFC000  }
0xeb: {  	_ =	sfence.sel $0x180000  }
0xec: {  	[bflag:$0x0] =	sbarrier.arrive $0xFFFF  }
0xed: {  	_ =	strace $0x90000047  }
0xee: {  	s0 =	stileid.u32;
	[bflag:$0x2] =	sbarrier.arrive $0xFFFF  }
0xef: {  	p0 =	sne.s32 s0, $0x0;
	s0 =	rddreg [dreg:$0x3]  }
0xf0: {  	s0 =	sadd.s32 @!p0 $0x100000, s0  }
0xf1: {  	[sflag:s0] =	ssyncadd.tile.s32 @!p0 $0x1;
	_ =	shalt  }
.Lfunc_end2:
_tile_overlayer_lowered:
.L_overlay_start_2:
0xf2: {  	(tag) =	ssettag $0x2  }
0xf3: {  	s0 =	rddreg [dreg:$0x0];
	s2 =	stileid.u32  }
0xf4: {  	s1 =	rddreg [dreg:$0x1];
	p0 =	sne.s32 s2, $0x0  }
0xf5: {  	s3 =	rddreg [dreg:$0x2];
	[bflag:$0x3] =	sbarrier.arrive $0xFFFF;
	s2 =	simm.s32 @!p0 $0x1C03  }
0xf6: {  	[timem:s3], [sflag:s2] =	dma.local @!p0 [hbm:s0], s1  }
0xf7: {  	s0 =	simm.s32 @!p0 $0x3  }
0xf8: {  	_ =	swait.ge @!p0 [sflag:s0], s1  }
0xf9: {  	s1 =	ssub.s32 @!p0 $0x0, s1;
	[sflag:s0] =	ssyncset.done @!p0 $0x0  }
0xfa: {  	[sflag:s0] =	ssyncadd.s32 @!p0 s1  }
0xfb: {  	[bflag:$0x3] =	sbarrier.arrive $0xFFFF  }
0xfc: {  	_ =	shalt  }

</sc_bundles>
